<compile_context>
chip_gen: v7x
topology: tpu7x:2x2x1
jax: 0.10.2.dev20260603
libtpu: 0.0.44.dev20260713+nightly
codegen_flags: <defaults>
</compile_context>

<pallas_src>
import functools

import jax
import jax.numpy as jnp
from jax import lax
from jax.experimental import pallas as pl
from jax.experimental.pallas import tpu as pltpu
from jax.experimental.pallas import tpu_sc as plsc

N = 10000
D = 128
F1 = 64
H1 = 8
F2 = 32
G = 128
E = 320000
ET = E + N

NC, NS = 2, 16
NW = NC * NS
K = 128
BPT = -(-ET // (NW * K)) + (-(-ET // (NW * K)) % 2)
EPAD = BPT * NW * K
NPAD = 10240
RPT = NPAD // NS
NTBL = 10016

BR = 128
GR = -(-N // BR)

def _dense1_body(x_ref, w_ref, a_ref, t_ref, ad_ref):
    h = jnp.dot(x_ref[...], w_ref[...], preferred_element_type=jnp.float32)
    att = jnp.dot(h, a_ref[...], preferred_element_type=jnp.float32)
    rows = pl.program_id(0) * BR + lax.broadcasted_iota(jnp.int32, (BR, 1), 0)
    valid = rows < N
    t = jnp.concatenate([h, att[:, :H1]], axis=1)
    t_ref[...] = jnp.where(valid, t, 0.0)
    ad_ref[...] = jnp.where(valid, att[:, H1:], 0.0)


_dense1 = pl.pallas_call(
    _dense1_body,
    grid=(GR,),
    in_specs=[
        pl.BlockSpec((BR, D), lambda i: (i, 0)),
        pl.BlockSpec((D, F1), lambda i: (0, 0)),
        pl.BlockSpec((F1, 16), lambda i: (0, 0)),
    ],
    out_specs=[
        pl.BlockSpec((BR, 72), lambda i: (i, 0)),
        pl.BlockSpec((BR, 8), lambda i: (i, 0)),
    ],
    out_shape=[
        jax.ShapeDtypeStruct((NTBL, 72), jnp.float32),
        jax.ShapeDtypeStruct((NTBL, 8), jnp.float32),
    ],
)


def _edge1_body(table, adst_t, srcr, dstr, out,
                src_blk, dst_blk, g0, g1, a0, a1, m0, m1, acc,
                sg0, sg1, ss0, ss1):
    cid = lax.axis_index("c")
    sid = lax.axis_index("s")
    wid = sid * NC + cid

    pltpu.sync_copy(srcr.at[wid], src_blk)
    pltpu.sync_copy(dstr.at[wid], dst_blk)

    zero16 = jnp.zeros((16,), jnp.float32)

    def _zrow(i, _):
        for c0 in range(4):
            m0[i, pl.ds(c0 * 16, 16)] = zero16
        m0[i, pl.ds(72 - 16, 16)] = zero16
        return 0
    lax.fori_loop(0, K, _zrow, 0)

    for q in range(RPT // K):
        pltpu.sync_copy(m0, acc.at[pl.ds(sid * RPT + q * K, K)])
    plsc.subcore_barrier()

    lanes = lax.iota(jnp.int32, 16)

    def start_gather(b, gbuf, abuf, sem):
        pltpu.async_copy(table.at[src_blk.at[b]], gbuf, sem)
        pltpu.async_copy(adst_t.at[dst_blk.at[b]], abuf, sem)

    def wait_gather(b, gbuf, abuf, sem):
        pltpu.make_async_copy(table.at[src_blk.at[b]], gbuf, sem).wait()
        pltpu.make_async_copy(adst_t.at[dst_blk.at[b]], abuf, sem).wait()

    def compute(gbuf, abuf, mbuf):
        def _grp(j, _):
            base = j * 16
            ei = lanes + base
            for h in range(H1):
                wcol = jnp.full((16,), F1 + h, jnp.int32)
                asr = plsc.load_gather(gbuf, [ei, wcol])
                ads = plsc.load_gather(abuf, [ei, jnp.full((16,), h, jnp.int32)])
                a = asr + ads
                a = jnp.where(a >= 0.0, a, a * 0.2)
                w = jnp.exp(a)
                plsc.store_scatter(mbuf, [ei, wcol], w)
            return 0
        lax.fori_loop(0, K // 16, _grp, 0)

    start_gather(0, g0, a0, sg0)
    start_gather(1, g1, a1, sg1)

    def _pair(i, _):
        b0 = 2 * i
        b1 = 2 * i + 1
        wait_gather(b0, g0, a0, sg0)

        @pl.when(i > 0)
        def _():
            pltpu.make_async_copy(m0, acc.at[dst_blk.at[b0]], ss0).wait()
        compute(g0, a0, m0)
        pltpu.async_copy(m0, acc.at[dst_blk.at[b0]], ss0, add=True)
        start_gather(jnp.minimum(b0 + 2, BPT - 2), g0, a0, sg0)

        wait_gather(b1, g1, a1, sg1)

        @pl.when(i > 0)
        def _():
            pltpu.make_async_copy(m1, acc.at[dst_blk.at[b1]], ss1).wait()
        compute(g1, a1, m1)
        pltpu.async_copy(m1, acc.at[dst_blk.at[b1]], ss1, add=True)
        start_gather(jnp.minimum(b1 + 2, BPT - 1), g1, a1, sg1)
        return 0
    lax.fori_loop(0, BPT // 2, _pair, 0)

    pltpu.make_async_copy(m0, acc.at[dst_blk.at[0]], ss0).wait()
    pltpu.make_async_copy(m1, acc.at[dst_blk.at[0]], ss1).wait()
    wait_gather(0, g0, a0, sg0)
    wait_gather(0, g1, a1, sg1)

    plsc.subcore_barrier()
    pltpu.sync_copy(acc.at[pl.ds(sid * RPT, RPT)],
                    out.at[cid].at[pl.ds(sid * RPT, RPT)])


@functools.cache
def _edge1():
    mesh = plsc.VectorSubcoreMesh(
        core_axis_name="c", subcore_axis_name="s",
        num_cores=NC, num_subcores=NS)
    return pl.kernel(
        _edge1_body,
        out_type=jax.ShapeDtypeStruct((NC, NPAD, 72), jnp.float32),
        mesh=mesh,
        compiler_params=pltpu.CompilerParams(
            needs_layout_passes=False, use_tc_tiling_on_sc=False),
        scratch_types=[
            pltpu.VMEM((BPT, K), jnp.int32),
            pltpu.VMEM((BPT, K), jnp.int32),
            pltpu.VMEM((K, 72), jnp.float32),
            pltpu.VMEM((K, 72), jnp.float32),
            pltpu.VMEM((K, 8), jnp.float32),
            pltpu.VMEM((K, 8), jnp.float32),
            pltpu.VMEM((K, 72), jnp.float32),
            pltpu.VMEM((K, 72), jnp.float32),
            pltpu.VMEM_SHARED((NPAD, 72), jnp.float32),
            pltpu.SemaphoreType.DMA,
            pltpu.SemaphoreType.DMA,
            pltpu.SemaphoreType.DMA,
            pltpu.SemaphoreType.DMA,
        ],
    )


def _dense2_body(p_ref, b1_ref, exp8_ref, w2_ref, a2_ref, t_ref, at_ref):
    s = p_ref[0, :, :F1] + p_ref[1, :, :F1]
    den = p_ref[0, :, F1:] + p_ref[1, :, F1:]
    rec = 1.0 / (den + 1e-16)
    recx = jnp.dot(rec, exp8_ref[...], preferred_element_type=jnp.float32)
    h1 = s * recx + b1_ref[...]
    act = jnp.where(h1 > 0.0, h1, jnp.exp(jnp.minimum(h1, 0.0)) - 1.0)
    h2 = jnp.dot(act, w2_ref[...], preferred_element_type=jnp.float32)
    att2 = jnp.dot(h2, a2_ref[...], preferred_element_type=jnp.float32)
    rows = pl.program_id(0) * BR + lax.broadcasted_iota(jnp.int32, (BR, 1), 0)
    valid = rows < N
    t_ref[...] = jnp.where(valid, h2, 0.0)
    at_ref[...] = jnp.where(valid, att2, 0.0)


_dense2 = pl.pallas_call(
    _dense2_body,
    grid=(GR,),
    in_specs=[
        pl.BlockSpec((NC, BR, 72), lambda i: (0, i, 0)),
        pl.BlockSpec((1, F1), lambda i: (0, 0)),
        pl.BlockSpec((8, F1), lambda i: (0, 0)),
        pl.BlockSpec((F1, F2), lambda i: (0, 0)),
        pl.BlockSpec((F2, 2), lambda i: (0, 0)),
    ],
    out_specs=[
        pl.BlockSpec((BR, F2), lambda i: (i, 0)),
        pl.BlockSpec((BR, 2), lambda i: (i, 0)),
    ],
    out_shape=[
        jax.ShapeDtypeStruct((NTBL, F2), jnp.float32),
        jax.ShapeDtypeStruct((NTBL, 2), jnp.float32),
    ],
)


def _edge2_body(table, asrc_t, adst_t, srcr, dstr, out,
                src_blk, dst_blk, g0, g1, m0, m1, asrc_l, adst_l, acc,
                sg0, sg1, ss0, ss1):
    cid = lax.axis_index("c")
    sid = lax.axis_index("s")
    wid = sid * NC + cid

    pltpu.sync_copy(srcr.at[wid], src_blk)
    pltpu.sync_copy(dstr.at[wid], dst_blk)
    pltpu.sync_copy(asrc_t, asrc_l)
    pltpu.sync_copy(adst_t, adst_l)

    zero16 = jnp.zeros((16,), jnp.float32)

    def _zrow(i, _):
        for msg in (m0, m1):
            for c0 in range(2):
                msg[i, pl.ds(c0 * 16, 16)] = zero16
            msg[i, pl.ds(40 - 16, 16)] = zero16
        return 0
    lax.fori_loop(0, K, _zrow, 0)

    for q in range(RPT // K):
        pltpu.sync_copy(m0, acc.at[pl.ds(sid * RPT + q * K, K)])
    plsc.subcore_barrier()

    lanes = lax.iota(jnp.int32, 16)

    def compute(b, gbuf, mbuf):
        def _grp(j, _):
            base = j * 16
            ei = lanes + base
            src16 = src_blk[b, pl.ds(base, 16)]
            dst16 = dst_blk[b, pl.ds(base, 16)]
            asr = plsc.load_gather(asrc_l, [src16])
            ads = plsc.load_gather(adst_l, [dst16])
            a = asr + ads
            a = jnp.where(a >= 0.0, a, a * 0.2)
            w = jnp.exp(a)
            plsc.store_scatter(mbuf, [ei, jnp.full((16,), F2, jnp.int32)], w)
            for c0 in range(F2):
                fc = jnp.full((16,), c0, jnp.int32)
                hv = plsc.load_gather(gbuf, [ei, fc])
                plsc.store_scatter(mbuf, [ei, fc], hv * w)
            return 0
        lax.fori_loop(0, K // 16, _grp, 0)

    pltpu.async_copy(table.at[src_blk.at[0]], g0, sg0)
    pltpu.async_copy(table.at[src_blk.at[1]], g1, sg1)

    def _pair(i, _):
        b0 = 2 * i
        b1 = 2 * i + 1
        pltpu.make_async_copy(table.at[src_blk.at[b0]], g0, sg0).wait()

        @pl.when(i > 0)
        def _():
            pltpu.make_async_copy(m0, acc.at[dst_blk.at[b0]], ss0).wait()
        compute(b0, g0, m0)
        pltpu.async_copy(m0, acc.at[dst_blk.at[b0]], ss0, add=True)
        pltpu.async_copy(
            table.at[src_blk.at[jnp.minimum(b0 + 2, BPT - 2)]], g0, sg0)

        pltpu.make_async_copy(table.at[src_blk.at[b1]], g1, sg1).wait()

        @pl.when(i > 0)
        def _():
            pltpu.make_async_copy(m1, acc.at[dst_blk.at[b1]], ss1).wait()
        compute(b1, g1, m1)
        pltpu.async_copy(m1, acc.at[dst_blk.at[b1]], ss1, add=True)
        pltpu.async_copy(
            table.at[src_blk.at[jnp.minimum(b1 + 2, BPT - 1)]], g1, sg1)
        return 0
    lax.fori_loop(0, BPT // 2, _pair, 0)

    pltpu.make_async_copy(m0, acc.at[dst_blk.at[0]], ss0).wait()
    pltpu.make_async_copy(m1, acc.at[dst_blk.at[0]], ss1).wait()
    pltpu.make_async_copy(table.at[src_blk.at[0]], g0, sg0).wait()
    pltpu.make_async_copy(table.at[src_blk.at[0]], g1, sg1).wait()

    plsc.subcore_barrier()
    pltpu.sync_copy(acc.at[pl.ds(sid * RPT, RPT)],
                    out.at[cid].at[pl.ds(sid * RPT, RPT)])


@functools.cache
def _edge2():
    mesh = plsc.VectorSubcoreMesh(
        core_axis_name="c", subcore_axis_name="s",
        num_cores=NC, num_subcores=NS)
    return pl.kernel(
        _edge2_body,
        out_type=jax.ShapeDtypeStruct((NC, NPAD, 40), jnp.float32),
        mesh=mesh,
        compiler_params=pltpu.CompilerParams(
            needs_layout_passes=False, use_tc_tiling_on_sc=False),
        scratch_types=[
            pltpu.VMEM((BPT, K), jnp.int32),
            pltpu.VMEM((BPT, K), jnp.int32),
            pltpu.VMEM((K, F2), jnp.float32),
            pltpu.VMEM((K, F2), jnp.float32),
            pltpu.VMEM((K, 40), jnp.float32),
            pltpu.VMEM((K, 40), jnp.float32),
            pltpu.VMEM((NTBL,), jnp.float32),
            pltpu.VMEM((NTBL,), jnp.float32),
            pltpu.VMEM_SHARED((NPAD, 40), jnp.float32),
            pltpu.SemaphoreType.DMA,
            pltpu.SemaphoreType.DMA,
            pltpu.SemaphoreType.DMA,
            pltpu.SemaphoreType.DMA,
        ],
    )


def _pool_body(p_ref, bt_ref, b2_ref, lw_ref, lb_ref, out_ref,
               acc_sum, acc_cnt):
    i = pl.program_id(0)

    @pl.when(i == 0)
    def _():
        acc_sum[...] = jnp.zeros((G, F2), jnp.float32)
        acc_cnt[...] = jnp.zeros((G, 1), jnp.float32)

    s = p_ref[0, :, :F2] + p_ref[1, :, :F2]
    den = p_ref[0, :, F2:F2 + 1] + p_ref[1, :, F2:F2 + 1]
    h = s / (den + 1e-16) + b2_ref[...]
    colidx = i * BR + lax.broadcasted_iota(jnp.int32, (1, BR), 1)
    validt = colidx < N
    gids = lax.broadcasted_iota(jnp.int32, (G, BR), 0)
    oht = jnp.where((bt_ref[...] == gids) & validt, 1.0, 0.0)
    acc_sum[...] += jnp.dot(oht, h, preferred_element_type=jnp.float32)
    acc_cnt[...] += jnp.sum(oht, axis=1, keepdims=True)

    @pl.when(i == GR - 1)
    def _():
        pooled = acc_sum[...] / jnp.maximum(acc_cnt[...], 1.0)
        out_ref[...] = (jnp.dot(pooled, lw_ref[...],
                                preferred_element_type=jnp.float32)
                        + lb_ref[...])


_pool = pl.pallas_call(
    _pool_body,
    grid=(GR,),
    in_specs=[
        pl.BlockSpec((NC, BR, 40), lambda i: (0, i, 0)),
        pl.BlockSpec((1, BR), lambda i: (0, i)),
        pl.BlockSpec((1, F2), lambda i: (0, 0)),
        pl.BlockSpec((F2, 2), lambda i: (0, 0)),
        pl.BlockSpec((1, 2), lambda i: (0, 0)),
    ],
    out_specs=pl.BlockSpec((G, 2), lambda i: (0, 0)),
    out_shape=jax.ShapeDtypeStruct((G, 2), jnp.float32),
    scratch_shapes=[
        pltpu.VMEM((G, F2), jnp.float32),
        pltpu.VMEM((G, 1), jnp.float32),
    ],
)


def kernel(x, edge_index, batch, W1, att_src1, att_dst1, b1,
           W2, att_src2, att_dst2, b2, lin_w, lin_b):
    loop = jnp.arange(N, dtype=jnp.int32)
    epad = jnp.full((EPAD - ET,), N, jnp.int32)
    srcr = jnp.concatenate([edge_index[0], loop, epad]).reshape(NW, BPT, K)
    dstr = jnp.concatenate([edge_index[1], loop, epad]).reshape(NW, BPT, K)

    eye8 = jnp.eye(8, dtype=jnp.float32)
    a_s1 = (att_src1.reshape(H1, 8)[:, :, None] * eye8[:, None, :]).reshape(F1, 8)
    a_d1 = (att_dst1.reshape(H1, 8)[:, :, None] * eye8[:, None, :]).reshape(F1, 8)
    A1 = jnp.concatenate([a_s1, a_d1], axis=1)

    table1, adst1_t = _dense1(x, W1, A1)
    part1 = _edge1()(table1, adst1_t, srcr, dstr)

    EXP8 = jnp.repeat(eye8, 8, axis=1)
    A2 = jnp.concatenate([att_src2.reshape(F2, 1), att_dst2.reshape(F2, 1)], axis=1)
    table2, att2 = _dense2(part1, b1.reshape(1, F1), EXP8, W2, A2)

    part2 = _edge2()(table2, att2[:, 0], att2[:, 1], srcr, dstr)

    return _pool(part2, batch.reshape(1, N).astype(jnp.int32),
                 b2.reshape(1, F2), lin_w, lin_b.reshape(1, 2))

# --- scband reference (transcript-rebuilt; emitter-appended) ---
"""Pipeline reference for scband-gat-43559558316089 (READ-ONLY COPY).

The authoritative reference and input builder live on the scoring server;
editing this copy changes nothing except your own understanding.
"""

import jax, jax.numpy as jnp
import numpy as np

N = 10000
E = 320000
D = 128
H1, C1 = 8, 8
C2 = 32
NUM_GRAPHS = 128


def setup_inputs(seed: int = 0) -> dict:
    key = jax.random.key(seed)
    ks = jax.random.split(key, 14)
    x = jax.random.normal(ks[0], (N, D), dtype=jnp.float32)
    edge_index = jax.random.randint(ks[1], (2, E), 0, N, dtype=jnp.int32)
    batch = jnp.sort(jax.random.randint(ks[2], (N,), 0, NUM_GRAPHS, dtype=jnp.int32))
    W1 = jax.random.normal(ks[3], (D, H1 * C1), dtype=jnp.float32) * (1.0 / np.sqrt(D))
    att_src1 = jax.random.normal(ks[4], (1, H1, C1), dtype=jnp.float32) * 0.1
    att_dst1 = jax.random.normal(ks[5], (1, H1, C1), dtype=jnp.float32) * 0.1
    b1 = jnp.zeros((H1 * C1,), dtype=jnp.float32)
    W2 = jax.random.normal(ks[6], (H1 * C1, 1 * C2), dtype=jnp.float32) * (1.0 / np.sqrt(H1 * C1))
    att_src2 = jax.random.normal(ks[7], (1, 1, C2), dtype=jnp.float32) * 0.1
    att_dst2 = jax.random.normal(ks[8], (1, 1, C2), dtype=jnp.float32) * 0.1
    b2 = jnp.zeros((C2,), dtype=jnp.float32)
    lin_w = jax.random.normal(ks[9], (C2, 2), dtype=jnp.float32) * (1.0 / np.sqrt(C2))
    lin_b = jnp.zeros((2,), dtype=jnp.float32)
    return {"x": x, "edge_index": edge_index, "batch": batch,
            "W1": W1, "att_src1": att_src1, "att_dst1": att_dst1, "b1": b1,
            "W2": W2, "att_src2": att_src2, "att_dst2": att_dst2, "b2": b2,
            "lin_w": lin_w, "lin_b": lin_b}


def gat_conv(x, edge_index, W, a_src, a_dst, bias, heads, out_ch, concat):
    n = x.shape[0]
    loop = jnp.arange(n, dtype=edge_index.dtype)
    src = jnp.concatenate([edge_index[0], loop])
    dst = jnp.concatenate([edge_index[1], loop])
    h = (x @ W).reshape(n, heads, out_ch)
    alpha_src = jnp.sum(h * a_src, axis=-1)
    alpha_dst = jnp.sum(h * a_dst, axis=-1)
    alpha = alpha_src[src] + alpha_dst[dst]
    alpha = jax.nn.leaky_relu(alpha, negative_slope=0.2)
    amax = jax.ops.segment_max(alpha, dst, num_segments=n)
    alpha = jnp.exp(alpha - amax[dst])
    denom = jax.ops.segment_sum(alpha, dst, num_segments=n)
    alpha = alpha / (denom[dst] + 1e-16)
    msg = h[src] * alpha[:, :, None]
    out = jax.ops.segment_sum(msg, dst, num_segments=n)
    if concat:
        out = out.reshape(n, heads * out_ch)
    else:
        out = out.mean(axis=1)
    return out + bias


def reference(x, edge_index, batch, W1, att_src1, att_dst1, b1, W2, att_src2, att_dst2, b2, lin_w, lin_b):
    # dropout layers are identity in eval mode
    h = gat_conv(x, edge_index, W1, att_src1, att_dst1, b1, H1, C1, True)
    h = jax.nn.elu(h)
    h = gat_conv(h, edge_index, W2, att_src2, att_dst2, b2, 1, C2, False)
    # global_mean_pool over batch assignments
    sums = jax.ops.segment_sum(h, batch, num_segments=NUM_GRAPHS)
    counts = jax.ops.segment_sum(jnp.ones((h.shape[0],), dtype=h.dtype), batch, num_segments=NUM_GRAPHS)
    pooled = sums / jnp.clip(counts, 1.0)[:, None]
    return pooled @ lin_w + lin_b

if __name__ == "__main__":
    import jax
    _d = setup_inputs()
    print(jax.jit(kernel)(*tuple(_d.values())))

</pallas_src>

<mosaic_0001>
#map = affine_map<(d0, d1) -> (0, 0)>
#map1 = affine_map<(d0, d1) -> (0)>
#map2 = affine_map<(d0, d1) -> (0, 0, 0)>
module attributes {stable_mosaic.version = 14 : i64} {
  func.func @_edge2_body(%arg0: i32, %arg1: i32, %arg2: memref<10016x32xf32, #tpu.memory_space<hbm>>, %arg3: memref<10016xf32, #tpu.memory_space<hbm>>, %arg4: memref<10016xf32, #tpu.memory_space<hbm>>, %arg5: memref<32x82x128xi32, #tpu.memory_space<hbm>>, %arg6: memref<32x82x128xi32, #tpu.memory_space<hbm>>, %arg7: memref<2x10240x40xf32, #tpu.memory_space<hbm>>, %arg8: memref<82x128xi32, #tpu.memory_space<vmem>>, %arg9: memref<82x128xi32, #tpu.memory_space<vmem>>, %arg10: memref<128x32xf32, #tpu.memory_space<vmem>>, %arg11: memref<128x32xf32, #tpu.memory_space<vmem>>, %arg12: memref<128x40xf32, #tpu.memory_space<vmem>>, %arg13: memref<128x40xf32, #tpu.memory_space<vmem>>, %arg14: memref<10016xf32, #tpu.memory_space<vmem>>, %arg15: memref<10016xf32, #tpu.memory_space<vmem>>, %arg16: memref<10240x40xf32, #tpu.memory_space<vmem_shared>>, %arg17: memref<!tpu.dma_semaphore, #tpu.memory_space<semaphore_mem>>, %arg18: memref<!tpu.dma_semaphore, #tpu.memory_space<semaphore_mem>>, %arg19: memref<!tpu.dma_semaphore, #tpu.memory_space<semaphore_mem>>, %arg20: memref<!tpu.dma_semaphore, #tpu.memory_space<semaphore_mem>>) attributes {dimension_semantics = [#tpu.dimension_semantics<core_parallel>, #tpu.dimension_semantics<subcore_parallel>], iteration_bounds = array<i64: 2, 16>, scalar_prefetch = 0 : i64, scratch_operands = 13 : i64, tpu.core_type = #tpu.core_type<sc_vector_subcore>, window_params = [{transform_indices = #map}, {transform_indices = #map1}, {transform_indices = #map1}, {transform_indices = #map2}, {transform_indices = #map2}, {transform_indices = #map2}]} {
    %mul3A = arith.constant 2 : i32
    %mul3A_0 = arith.muli %arg1, %mul3A : i32
    %add3A = arith.addi %mul3A_0, %arg0 : i32
    "tpu.region"() ({
      %run_scoped3A = tpu.sem_alloc : memref<!tpu.dma_semaphore, #tpu.memory_space<semaphore_mem>>
      %dma_start3A_80 = arith.constant 0 : i32
      %dma_start3A_81 = arith.constant 0 : i32
      %dma_start3A_82 = tpu.memref_slice %arg5[%add3A, %dma_start3A_80, %dma_start3A_81] : memref<32x82x128xi32, #tpu.memory_space<hbm>> -> memref<1x82x128xi32, #tpu.memory_space<hbm>>
      %dma_start3A_83 = tpu.memref_squeeze %dma_start3A_82 : memref<1x82x128xi32, #tpu.memory_space<hbm>> -> memref<82x128xi32, #tpu.memory_space<hbm>>
      %dma_start3A_84 = arith.constant 0 : i32
      %dma_start3A_85 = arith.constant 0 : i32
      %dma_start3A_86 = tpu.memref_slice %arg5[%add3A, %dma_start3A_84, %dma_start3A_85] : memref<32x82x128xi32, #tpu.memory_space<hbm>> -> memref<1x82x128xi32, #tpu.memory_space<hbm>>
      %dma_start3A_87 = tpu.memref_squeeze %dma_start3A_86 : memref<1x82x128xi32, #tpu.memory_space<hbm>> -> memref<82x128xi32, #tpu.memory_space<hbm>>
      tpu.enqueue_dma source(%dma_start3A_87 : memref<82x128xi32, #tpu.memory_space<hbm>>) target(%arg8 : memref<82x128xi32, #tpu.memory_space<vmem>>) target_semaphore(%run_scoped3A : memref<!tpu.dma_semaphore, #tpu.memory_space<semaphore_mem>>)
      %dma_wait3A_88 = arith.constant 0 : i32
      %dma_wait3A_89 = arith.constant 0 : i32
      %dma_wait3A_90 = tpu.memref_slice %arg5[%add3A, %dma_wait3A_88, %dma_wait3A_89] : memref<32x82x128xi32, #tpu.memory_space<hbm>> -> memref<1x82x128xi32, #tpu.memory_space<hbm>>
      %dma_wait3A_91 = tpu.memref_squeeze %dma_wait3A_90 : memref<1x82x128xi32, #tpu.memory_space<hbm>> -> memref<82x128xi32, #tpu.memory_space<hbm>>
      %dma_wait3A_92 = arith.constant 0 : i32
      %dma_wait3A_93 = arith.constant 0 : i32
      %dma_wait3A_94 = tpu.memref_slice %arg5[%add3A, %dma_wait3A_92, %dma_wait3A_93] : memref<32x82x128xi32, #tpu.memory_space<hbm>> -> memref<1x82x128xi32, #tpu.memory_space<hbm>>
      %dma_wait3A_95 = tpu.memref_squeeze %dma_wait3A_94 : memref<1x82x128xi32, #tpu.memory_space<hbm>> -> memref<82x128xi32, #tpu.memory_space<hbm>>
      tpu.wait_dma2 semaphore(%run_scoped3A : memref<!tpu.dma_semaphore, #tpu.memory_space<semaphore_mem>>) src(%dma_wait3A_95 : memref<82x128xi32, #tpu.memory_space<hbm>>) dst(%arg8 : memref<82x128xi32, #tpu.memory_space<vmem>>)
      tpu.yield
    }) : () -> ()
    "tpu.region"() ({
      %run_scoped3A = tpu.sem_alloc : memref<!tpu.dma_semaphore, #tpu.memory_space<semaphore_mem>>
      %dma_start3A_80 = arith.constant 0 : i32
      %dma_start3A_81 = arith.constant 0 : i32
      %dma_start3A_82 = tpu.memref_slice %arg6[%add3A, %dma_start3A_80, %dma_start3A_81] : memref<32x82x128xi32, #tpu.memory_space<hbm>> -> memref<1x82x128xi32, #tpu.memory_space<hbm>>
      %dma_start3A_83 = tpu.memref_squeeze %dma_start3A_82 : memref<1x82x128xi32, #tpu.memory_space<hbm>> -> memref<82x128xi32, #tpu.memory_space<hbm>>
      %dma_start3A_84 = arith.constant 0 : i32
      %dma_start3A_85 = arith.constant 0 : i32
      %dma_start3A_86 = tpu.memref_slice %arg6[%add3A, %dma_start3A_84, %dma_start3A_85] : memref<32x82x128xi32, #tpu.memory_space<hbm>> -> memref<1x82x128xi32, #tpu.memory_space<hbm>>
      %dma_start3A_87 = tpu.memref_squeeze %dma_start3A_86 : memref<1x82x128xi32, #tpu.memory_space<hbm>> -> memref<82x128xi32, #tpu.memory_space<hbm>>
      tpu.enqueue_dma source(%dma_start3A_87 : memref<82x128xi32, #tpu.memory_space<hbm>>) target(%arg9 : memref<82x128xi32, #tpu.memory_space<vmem>>) target_semaphore(%run_scoped3A : memref<!tpu.dma_semaphore, #tpu.memory_space<semaphore_mem>>)
      %dma_wait3A_88 = arith.constant 0 : i32
      %dma_wait3A_89 = arith.constant 0 : i32
      %dma_wait3A_90 = tpu.memref_slice %arg6[%add3A, %dma_wait3A_88, %dma_wait3A_89] : memref<32x82x128xi32, #tpu.memory_space<hbm>> -> memref<1x82x128xi32, #tpu.memory_space<hbm>>
      %dma_wait3A_91 = tpu.memref_squeeze %dma_wait3A_90 : memref<1x82x128xi32, #tpu.memory_space<hbm>> -> memref<82x128xi32, #tpu.memory_space<hbm>>
      %dma_wait3A_92 = arith.constant 0 : i32
      %dma_wait3A_93 = arith.constant 0 : i32
      %dma_wait3A_94 = tpu.memref_slice %arg6[%add3A, %dma_wait3A_92, %dma_wait3A_93] : memref<32x82x128xi32, #tpu.memory_space<hbm>> -> memref<1x82x128xi32, #tpu.memory_space<hbm>>
      %dma_wait3A_95 = tpu.memref_squeeze %dma_wait3A_94 : memref<1x82x128xi32, #tpu.memory_space<hbm>> -> memref<82x128xi32, #tpu.memory_space<hbm>>
      tpu.wait_dma2 semaphore(%run_scoped3A : memref<!tpu.dma_semaphore, #tpu.memory_space<semaphore_mem>>) src(%dma_wait3A_95 : memref<82x128xi32, #tpu.memory_space<hbm>>) dst(%arg9 : memref<82x128xi32, #tpu.memory_space<vmem>>)
      tpu.yield
    }) : () -> ()
    "tpu.region"() ({
      %run_scoped3A = tpu.sem_alloc : memref<!tpu.dma_semaphore, #tpu.memory_space<semaphore_mem>>
      tpu.enqueue_dma source(%arg3 : memref<10016xf32, #tpu.memory_space<hbm>>) target(%arg14 : memref<10016xf32, #tpu.memory_space<vmem>>) target_semaphore(%run_scoped3A : memref<!tpu.dma_semaphore, #tpu.memory_space<semaphore_mem>>)
      tpu.wait_dma2 semaphore(%run_scoped3A : memref<!tpu.dma_semaphore, #tpu.memory_space<semaphore_mem>>) src(%arg3 : memref<10016xf32, #tpu.memory_space<hbm>>) dst(%arg14 : memref<10016xf32, #tpu.memory_space<vmem>>)
      tpu.yield
    }) : () -> ()
    "tpu.region"() ({
      %run_scoped3A = tpu.sem_alloc : memref<!tpu.dma_semaphore, #tpu.memory_space<semaphore_mem>>
      tpu.enqueue_dma source(%arg4 : memref<10016xf32, #tpu.memory_space<hbm>>) target(%arg15 : memref<10016xf32, #tpu.memory_space<vmem>>) target_semaphore(%run_scoped3A : memref<!tpu.dma_semaphore, #tpu.memory_space<semaphore_mem>>)
      tpu.wait_dma2 semaphore(%run_scoped3A : memref<!tpu.dma_semaphore, #tpu.memory_space<semaphore_mem>>) src(%arg4 : memref<10016xf32, #tpu.memory_space<hbm>>) dst(%arg15 : memref<10016xf32, #tpu.memory_space<vmem>>)
      tpu.yield
    }) : () -> ()
    %broadcast_in_dim3A = arith.constant 0.000000e+00 : f32
    %broadcast_in_dim3A_1 = vector.broadcast %broadcast_in_dim3A : f32 to vector<16xf32>
    %scan3A = arith.constant 0 : i32
    %scan3A_2 = arith.constant 0 : i32
    %scan3A_3 = arith.constant 128 : i32
    %scan3A_4 = arith.addi %scan3A_2, %scan3A_3 : i32
    %scan3A_5 = arith.constant 1 : i32
    %scan3A_6 = scf.for %scan3A_80 = %scan3A_2 to %scan3A_4 step %scan3A_5 iter_args(%scan3A_81 = %scan3A) -> (i32)  : i32 {
      %swap3A = arith.index_cast %scan3A_80 : i32 to index
      %swap3A_82 = arith.constant 0 : index
      %swap3A_83 = tpu.vector_load %arg12[%swap3A, %swap3A_82] {strides = array<i32>} : memref<128x40xf32, #tpu.memory_space<vmem>>, vector<16xf32>,
      tpu.vector_store %arg12[%swap3A, %swap3A_82], %broadcast_in_dim3A_1 {strides = array<i32>} : memref<128x40xf32, #tpu.memory_space<vmem>>, vector<16xf32>,
      %swap3A_84 = arith.index_cast %scan3A_80 : i32 to index
      %swap3A_85 = arith.constant 16 : index
      %swap3A_86 = tpu.vector_load %arg12[%swap3A_84, %swap3A_85] {strides = array<i32>} : memref<128x40xf32, #tpu.memory_space<vmem>>, vector<16xf32>,
      tpu.vector_store %arg12[%swap3A_84, %swap3A_85], %broadcast_in_dim3A_1 {strides = array<i32>} : memref<128x40xf32, #tpu.memory_space<vmem>>, vector<16xf32>,
      %swap3A_87 = arith.index_cast %scan3A_80 : i32 to index
      %swap3A_88 = arith.constant 24 : index
      %swap3A_89 = tpu.vector_load %arg12[%swap3A_87, %swap3A_88] {strides = array<i32>} : memref<128x40xf32, #tpu.memory_space<vmem>>, vector<16xf32>,
      tpu.vector_store %arg12[%swap3A_87, %swap3A_88], %broadcast_in_dim3A_1 {strides = array<i32>} : memref<128x40xf32, #tpu.memory_space<vmem>>, vector<16xf32>,
      %swap3A_90 = arith.index_cast %scan3A_80 : i32 to index
      %swap3A_91 = arith.constant 0 : index
      %swap3A_92 = tpu.vector_load %arg13[%swap3A_90, %swap3A_91] {strides = array<i32>} : memref<128x40xf32, #tpu.memory_space<vmem>>, vector<16xf32>,
      tpu.vector_store %arg13[%swap3A_90, %swap3A_91], %broadcast_in_dim3A_1 {strides = array<i32>} : memref<128x40xf32, #tpu.memory_space<vmem>>, vector<16xf32>,
      %swap3A_93 = arith.index_cast %scan3A_80 : i32 to index
      %swap3A_94 = arith.constant 16 : index
      %swap3A_95 = tpu.vector_load %arg13[%swap3A_93, %swap3A_94] {strides = array<i32>} : memref<128x40xf32, #tpu.memory_space<vmem>>, vector<16xf32>,
      tpu.vector_store %arg13[%swap3A_93, %swap3A_94], %broadcast_in_dim3A_1 {strides = array<i32>} : memref<128x40xf32, #tpu.memory_space<vmem>>, vector<16xf32>,
      %swap3A_96 = arith.index_cast %scan3A_80 : i32 to index
      %swap3A_97 = arith.constant 24 : index
      %swap3A_98 = tpu.vector_load %arg13[%swap3A_96, %swap3A_97] {strides = array<i32>} : memref<128x40xf32, #tpu.memory_space<vmem>>, vector<16xf32>,
      tpu.vector_store %arg13[%swap3A_96, %swap3A_97], %broadcast_in_dim3A_1 {strides = array<i32>} : memref<128x40xf32, #tpu.memory_space<vmem>>, vector<16xf32>,
      %scan3A_99 = arith.constant 0 : i32
      scf.yield %scan3A_99 : i32
    }
    %scan3A_7 = arith.constant 128 : i32
    %mul3A_8 = arith.constant 640 : i32
    %mul3A_9 = arith.muli %arg1, %mul3A_8 : i32
    %add3A_10 = arith.constant 0 : i32
    %add3A_11 = arith.addi %mul3A_9, %add3A_10 : i32
    "tpu.region"() ({
      %run_scoped3A = tpu.sem_alloc : memref<!tpu.dma_semaphore, #tpu.memory_space<semaphore_mem>>
      %dma_start3A_80 = arith.constant 0 : i32
      %dma_start3A_81 = tpu.memref_slice %arg16[%add3A_11, %dma_start3A_80] : memref<10240x40xf32, #tpu.memory_space<vmem_shared>> -> memref<128x40xf32, #tpu.memory_space<vmem_shared>>
      %dma_start3A_82 = arith.constant 0 : i32
      %dma_start3A_83 = tpu.memref_slice %arg16[%add3A_11, %dma_start3A_82] : memref<10240x40xf32, #tpu.memory_space<vmem_shared>> -> memref<128x40xf32, #tpu.memory_space<vmem_shared>>
      tpu.enqueue_dma source(%arg12 : memref<128x40xf32, #tpu.memory_space<vmem>>) target(%dma_start3A_83 : memref<128x40xf32, #tpu.memory_space<vmem_shared>>) target_semaphore(%run_scoped3A : memref<!tpu.dma_semaphore, #tpu.memory_space<semaphore_mem>>)
      %dma_wait3A_84 = arith.constant 0 : i32
      %dma_wait3A_85 = tpu.memref_slice %arg16[%add3A_11, %dma_wait3A_84] : memref<10240x40xf32, #tpu.memory_space<vmem_shared>> -> memref<128x40xf32, #tpu.memory_space<vmem_shared>>
      %dma_wait3A_86 = arith.constant 0 : i32
      %dma_wait3A_87 = tpu.memref_slice %arg16[%add3A_11, %dma_wait3A_86] : memref<10240x40xf32, #tpu.memory_space<vmem_shared>> -> memref<128x40xf32, #tpu.memory_space<vmem_shared>>
      tpu.wait_dma2 semaphore(%run_scoped3A : memref<!tpu.dma_semaphore, #tpu.memory_space<semaphore_mem>>) src(%arg12 : memref<128x40xf32, #tpu.memory_space<vmem>>) dst(%dma_wait3A_87 : memref<128x40xf32, #tpu.memory_space<vmem_shared>>)
      tpu.yield
    }) : () -> ()
    %mul3A_12 = arith.constant 640 : i32
    %mul3A_13 = arith.muli %arg1, %mul3A_12 : i32
    %add3A_14 = arith.constant 128 : i32
    %add3A_15 = arith.addi %mul3A_13, %add3A_14 : i32
    "tpu.region"() ({
      %run_scoped3A = tpu.sem_alloc : memref<!tpu.dma_semaphore, #tpu.memory_space<semaphore_mem>>
      %dma_start3A_80 = arith.constant 0 : i32
      %dma_start3A_81 = tpu.memref_slice %arg16[%add3A_15, %dma_start3A_80] : memref<10240x40xf32, #tpu.memory_space<vmem_shared>> -> memref<128x40xf32, #tpu.memory_space<vmem_shared>>
      %dma_start3A_82 = arith.constant 0 : i32
      %dma_start3A_83 = tpu.memref_slice %arg16[%add3A_15, %dma_start3A_82] : memref<10240x40xf32, #tpu.memory_space<vmem_shared>> -> memref<128x40xf32, #tpu.memory_space<vmem_shared>>
      tpu.enqueue_dma source(%arg12 : memref<128x40xf32, #tpu.memory_space<vmem>>) target(%dma_start3A_83 : memref<128x40xf32, #tpu.memory_space<vmem_shared>>) target_semaphore(%run_scoped3A : memref<!tpu.dma_semaphore, #tpu.memory_space<semaphore_mem>>)
      %dma_wait3A_84 = arith.constant 0 : i32
      %dma_wait3A_85 = tpu.memref_slice %arg16[%add3A_15, %dma_wait3A_84] : memref<10240x40xf32, #tpu.memory_space<vmem_shared>> -> memref<128x40xf32, #tpu.memory_space<vmem_shared>>
      %dma_wait3A_86 = arith.constant 0 : i32
      %dma_wait3A_87 = tpu.memref_slice %arg16[%add3A_15, %dma_wait3A_86] : memref<10240x40xf32, #tpu.memory_space<vmem_shared>> -> memref<128x40xf32, #tpu.memory_space<vmem_shared>>
      tpu.wait_dma2 semaphore(%run_scoped3A : memref<!tpu.dma_semaphore, #tpu.memory_space<semaphore_mem>>) src(%arg12 : memref<128x40xf32, #tpu.memory_space<vmem>>) dst(%dma_wait3A_87 : memref<128x40xf32, #tpu.memory_space<vmem_shared>>)
      tpu.yield
    }) : () -> ()
    %mul3A_16 = arith.constant 640 : i32
    %mul3A_17 = arith.muli %arg1, %mul3A_16 : i32
    %add3A_18 = arith.constant 256 : i32
    %add3A_19 = arith.addi %mul3A_17, %add3A_18 : i32
    "tpu.region"() ({
      %run_scoped3A = tpu.sem_alloc : memref<!tpu.dma_semaphore, #tpu.memory_space<semaphore_mem>>
      %dma_start3A_80 = arith.constant 0 : i32
      %dma_start3A_81 = tpu.memref_slice %arg16[%add3A_19, %dma_start3A_80] : memref<10240x40xf32, #tpu.memory_space<vmem_shared>> -> memref<128x40xf32, #tpu.memory_space<vmem_shared>>
      %dma_start3A_82 = arith.constant 0 : i32
      %dma_start3A_83 = tpu.memref_slice %arg16[%add3A_19, %dma_start3A_82] : memref<10240x40xf32, #tpu.memory_space<vmem_shared>> -> memref<128x40xf32, #tpu.memory_space<vmem_shared>>
      tpu.enqueue_dma source(%arg12 : memref<128x40xf32, #tpu.memory_space<vmem>>) target(%dma_start3A_83 : memref<128x40xf32, #tpu.memory_space<vmem_shared>>) target_semaphore(%run_scoped3A : memref<!tpu.dma_semaphore, #tpu.memory_space<semaphore_mem>>)
      %dma_wait3A_84 = arith.constant 0 : i32
      %dma_wait3A_85 = tpu.memref_slice %arg16[%add3A_19, %dma_wait3A_84] : memref<10240x40xf32, #tpu.memory_space<vmem_shared>> -> memref<128x40xf32, #tpu.memory_space<vmem_shared>>
      %dma_wait3A_86 = arith.constant 0 : i32
      %dma_wait3A_87 = tpu.memref_slice %arg16[%add3A_19, %dma_wait3A_86] : memref<10240x40xf32, #tpu.memory_space<vmem_shared>> -> memref<128x40xf32, #tpu.memory_space<vmem_shared>>
      tpu.wait_dma2 semaphore(%run_scoped3A : memref<!tpu.dma_semaphore, #tpu.memory_space<semaphore_mem>>) src(%arg12 : memref<128x40xf32, #tpu.memory_space<vmem>>) dst(%dma_wait3A_87 : memref<128x40xf32, #tpu.memory_space<vmem_shared>>)
      tpu.yield
    }) : () -> ()
    %mul3A_20 = arith.constant 640 : i32
    %mul3A_21 = arith.muli %arg1, %mul3A_20 : i32
    %add3A_22 = arith.constant 384 : i32
    %add3A_23 = arith.addi %mul3A_21, %add3A_22 : i32
    "tpu.region"() ({
      %run_scoped3A = tpu.sem_alloc : memref<!tpu.dma_semaphore, #tpu.memory_space<semaphore_mem>>
      %dma_start3A_80 = arith.constant 0 : i32
      %dma_start3A_81 = tpu.memref_slice %arg16[%add3A_23, %dma_start3A_80] : memref<10240x40xf32, #tpu.memory_space<vmem_shared>> -> memref<128x40xf32, #tpu.memory_space<vmem_shared>>
      %dma_start3A_82 = arith.constant 0 : i32
      %dma_start3A_83 = tpu.memref_slice %arg16[%add3A_23, %dma_start3A_82] : memref<10240x40xf32, #tpu.memory_space<vmem_shared>> -> memref<128x40xf32, #tpu.memory_space<vmem_shared>>
      tpu.enqueue_dma source(%arg12 : memref<128x40xf32, #tpu.memory_space<vmem>>) target(%dma_start3A_83 : memref<128x40xf32, #tpu.memory_space<vmem_shared>>) target_semaphore(%run_scoped3A : memref<!tpu.dma_semaphore, #tpu.memory_space<semaphore_mem>>)
      %dma_wait3A_84 = arith.constant 0 : i32
      %dma_wait3A_85 = tpu.memref_slice %arg16[%add3A_23, %dma_wait3A_84] : memref<10240x40xf32, #tpu.memory_space<vmem_shared>> -> memref<128x40xf32, #tpu.memory_space<vmem_shared>>
      %dma_wait3A_86 = arith.constant 0 : i32
      %dma_wait3A_87 = tpu.memref_slice %arg16[%add3A_23, %dma_wait3A_86] : memref<10240x40xf32, #tpu.memory_space<vmem_shared>> -> memref<128x40xf32, #tpu.memory_space<vmem_shared>>
      tpu.wait_dma2 semaphore(%run_scoped3A : memref<!tpu.dma_semaphore, #tpu.memory_space<semaphore_mem>>) src(%arg12 : memref<128x40xf32, #tpu.memory_space<vmem>>) dst(%dma_wait3A_87 : memref<128x40xf32, #tpu.memory_space<vmem_shared>>)
      tpu.yield
    }) : () -> ()
    %mul3A_24 = arith.constant 640 : i32
    %mul3A_25 = arith.muli %arg1, %mul3A_24 : i32
    %add3A_26 = arith.constant 512 : i32
    %add3A_27 = arith.addi %mul3A_25, %add3A_26 : i32
    "tpu.region"() ({
      %run_scoped3A = tpu.sem_alloc : memref<!tpu.dma_semaphore, #tpu.memory_space<semaphore_mem>>
      %dma_start3A_80 = arith.constant 0 : i32
      %dma_start3A_81 = tpu.memref_slice %arg16[%add3A_27, %dma_start3A_80] : memref<10240x40xf32, #tpu.memory_space<vmem_shared>> -> memref<128x40xf32, #tpu.memory_space<vmem_shared>>
      %dma_start3A_82 = arith.constant 0 : i32
      %dma_start3A_83 = tpu.memref_slice %arg16[%add3A_27, %dma_start3A_82] : memref<10240x40xf32, #tpu.memory_space<vmem_shared>> -> memref<128x40xf32, #tpu.memory_space<vmem_shared>>
      tpu.enqueue_dma source(%arg12 : memref<128x40xf32, #tpu.memory_space<vmem>>) target(%dma_start3A_83 : memref<128x40xf32, #tpu.memory_space<vmem_shared>>) target_semaphore(%run_scoped3A : memref<!tpu.dma_semaphore, #tpu.memory_space<semaphore_mem>>)
      %dma_wait3A_84 = arith.constant 0 : i32
      %dma_wait3A_85 = tpu.memref_slice %arg16[%add3A_27, %dma_wait3A_84] : memref<10240x40xf32, #tpu.memory_space<vmem_shared>> -> memref<128x40xf32, #tpu.memory_space<vmem_shared>>
      %dma_wait3A_86 = arith.constant 0 : i32
      %dma_wait3A_87 = tpu.memref_slice %arg16[%add3A_27, %dma_wait3A_86] : memref<10240x40xf32, #tpu.memory_space<vmem_shared>> -> memref<128x40xf32, #tpu.memory_space<vmem_shared>>
      tpu.wait_dma2 semaphore(%run_scoped3A : memref<!tpu.dma_semaphore, #tpu.memory_space<semaphore_mem>>) src(%arg12 : memref<128x40xf32, #tpu.memory_space<vmem>>) dst(%dma_wait3A_87 : memref<128x40xf32, #tpu.memory_space<vmem_shared>>)
      tpu.yield
    }) : () -> ()
    %barrier3A = arith.constant 0 : index
    tpu.barrier barrier_id(%barrier3A)
    %iota3A = tpu.iota {dimensions = array<i32: 0>} : vector<16xi32>
    %dma_start3A = arith.constant 0 : i32
    %dma_start3A_28 = arith.constant 0 : i32
    %dma_start3A_29 = tpu.memref_slice %arg8[%dma_start3A, %dma_start3A_28] : memref<82x128xi32, #tpu.memory_space<vmem>> -> memref<1x128xi32, #tpu.memory_space<vmem>>
    %dma_start3A_30 = tpu.memref_squeeze %dma_start3A_29 : memref<1x128xi32, #tpu.memory_space<vmem>> -> memref<128xi32, #tpu.memory_space<vmem>>
    %dma_start3A_31 = arith.constant 0 : i32
    %dma_start3A_32 = arith.constant 0 : i32
    %dma_start3A_33 = tpu.memref_slice %arg2[%dma_start3A_31, %dma_start3A_32] : memref<10016x32xf32, #tpu.memory_space<hbm>> -> memref<10016x32xf32, #tpu.memory_space<hbm>>
    tpu.enqueue_indirect_dma source(%dma_start3A_33 : memref<10016x32xf32, #tpu.memory_space<hbm>>) target(%arg10 : memref<128x32xf32, #tpu.memory_space<vmem>>) offsets(%dma_start3A_30 : memref<128xi32, #tpu.memory_space<vmem>>) semaphore(%arg17 : memref<!tpu.dma_semaphore, #tpu.memory_space<semaphore_mem>>)
    %dma_start3A_34 = arith.constant 1 : i32
    %dma_start3A_35 = arith.constant 0 : i32
    %dma_start3A_36 = tpu.memref_slice %arg8[%dma_start3A_34, %dma_start3A_35] : memref<82x128xi32, #tpu.memory_space<vmem>> -> memref<1x128xi32, #tpu.memory_space<vmem>>
    %dma_start3A_37 = tpu.memref_squeeze %dma_start3A_36 : memref<1x128xi32, #tpu.memory_space<vmem>> -> memref<128xi32, #tpu.memory_space<vmem>>
    %dma_start3A_38 = arith.constant 0 : i32
    %dma_start3A_39 = arith.constant 0 : i32
    %dma_start3A_40 = tpu.memref_slice %arg2[%dma_start3A_38, %dma_start3A_39] : memref<10016x32xf32, #tpu.memory_space<hbm>> -> memref<10016x32xf32, #tpu.memory_space<hbm>>
    tpu.enqueue_indirect_dma source(%dma_start3A_40 : memref<10016x32xf32, #tpu.memory_space<hbm>>) target(%arg11 : memref<128x32xf32, #tpu.memory_space<vmem>>) offsets(%dma_start3A_37 : memref<128xi32, #tpu.memory_space<vmem>>) semaphore(%arg18 : memref<!tpu.dma_semaphore, #tpu.memory_space<semaphore_mem>>)
    %scan3A_41 = arith.constant 0 : i32
    %scan3A_42 = arith.constant 0 : i32
    %scan3A_43 = arith.constant 41 : i32
    %scan3A_44 = arith.addi %scan3A_42, %scan3A_43 : i32
    %scan3A_45 = arith.constant 1 : i32
    %scan3A_46 = scf.for %scan3A_80 = %scan3A_42 to %scan3A_44 step %scan3A_45 iter_args(%scan3A_81 = %scan3A_41) -> (i32)  : i32 {
      %mul3A_82 = arith.constant 2 : i32
      %mul3A_83 = arith.muli %mul3A_82, %scan3A_80 : i32
      %mul3A_84 = arith.constant 2 : i32
      %mul3A_85 = arith.muli %mul3A_84, %scan3A_80 : i32
      %add3A_86 = arith.constant 1 : i32
      %add3A_87 = arith.addi %mul3A_85, %add3A_86 : i32
      %dma_wait3A_88 = arith.constant 0 : i32
      %dma_wait3A_89 = tpu.memref_slice %arg8[%mul3A_83, %dma_wait3A_88] : memref<82x128xi32, #tpu.memory_space<vmem>> -> memref<1x128xi32, #tpu.memory_space<vmem>>
      %dma_wait3A_90 = tpu.memref_squeeze %dma_wait3A_89 : memref<1x128xi32, #tpu.memory_space<vmem>> -> memref<128xi32, #tpu.memory_space<vmem>>
      %dma_wait3A_91 = arith.constant 0 : i32
      %dma_wait3A_92 = arith.constant 0 : i32
      %dma_wait3A_93 = tpu.memref_slice %arg2[%dma_wait3A_91, %dma_wait3A_92] : memref<10016x32xf32, #tpu.memory_space<hbm>> -> memref<10016x32xf32, #tpu.memory_space<hbm>>
      tpu.wait_indirect_dma semaphore(%arg17 : memref<!tpu.dma_semaphore, #tpu.memory_space<semaphore_mem>>) src(%dma_wait3A_93 : memref<10016x32xf32, #tpu.memory_space<hbm>>) dst(%arg10 : memref<128x32xf32, #tpu.memory_space<vmem>>)
      %gt3A = arith.constant 0 : i32
      %gt3A_94 = arith.cmpi sgt, %scan3A_80, %gt3A : i32
      %convert_element_type3A = arith.extui %gt3A_94 : i1 to i32
      %cond3A = arith.constant 0 : i32
      %cond3A_95 = arith.cmpi ne, %convert_element_type3A, %cond3A : i32
      scf.if %cond3A_95 {
        %dma_wait3A_153 = arith.constant 0 : i32
        %dma_wait3A_154 = tpu.memref_slice %arg9[%mul3A_83, %dma_wait3A_153] : memref<82x128xi32, #tpu.memory_space<vmem>> -> memref<1x128xi32, #tpu.memory_space<vmem>>
        %dma_wait3A_155 = tpu.memref_squeeze %dma_wait3A_154 : memref<1x128xi32, #tpu.memory_space<vmem>> -> memref<128xi32, #tpu.memory_space<vmem>>
        %dma_wait3A_156 = arith.constant 0 : i32
        %dma_wait3A_157 = arith.constant 0 : i32
        %dma_wait3A_158 = tpu.memref_slice %arg16[%dma_wait3A_156, %dma_wait3A_157] : memref<10240x40xf32, #tpu.memory_space<vmem_shared>> -> memref<10240x40xf32, #tpu.memory_space<vmem_shared>>
        tpu.wait_indirect_dma semaphore(%arg19 : memref<!tpu.dma_semaphore, #tpu.memory_space<semaphore_mem>>) src(%arg12 : memref<128x40xf32, #tpu.memory_space<vmem>>) dst(%dma_wait3A_158 : memref<10240x40xf32, #tpu.memory_space<vmem_shared>>)
      } else {
      }
      %scan3A_96 = arith.constant 0 : i32
      %scan3A_97 = arith.constant 0 : i32
      %scan3A_98 = arith.constant 8 : i32
      %scan3A_99 = arith.addi %scan3A_97, %scan3A_98 : i32
      %scan3A_100 = arith.constant 1 : i32
      %scan3A_101 = scf.for %scan3A_153 = %scan3A_97 to %scan3A_99 step %scan3A_100 iter_args(%scan3A_154 = %scan3A_96) -> (i32)  : i32 {
        %mul3A_155 = arith.constant 16 : i32
        %mul3A_156 = arith.muli %scan3A_153, %mul3A_155 : i32
        %add3A_157 = vector.broadcast %mul3A_156 : i32 to vector<16xi32>
        %add3A_158 = arith.addi %iota3A, %add3A_157 : vector<16xi32>
        %get3A = arith.index_cast %mul3A_83 : i32 to index
        %get3A_159 = arith.index_cast %mul3A_156 : i32 to index
        %get3A_160 = tpu.vector_load %arg8[%get3A, %get3A_159] {strides = array<i32>} : memref<82x128xi32, #tpu.memory_space<vmem>>, vector<16xi32>,
        %get3A_161 = arith.index_cast %mul3A_83 : i32 to index
        %get3A_162 = arith.index_cast %mul3A_156 : i32 to index
        %get3A_163 = tpu.vector_load %arg9[%get3A_161, %get3A_162] {strides = array<i32>} : memref<82x128xi32, #tpu.memory_space<vmem>>, vector<16xi32>,
        %gather3A = tpu.vector_load_idx %arg14[%get3A_160] : memref<10016xf32, #tpu.memory_space<vmem>>[vector<16xi32>], vector<16xf32>,
        %gather3A_164 = tpu.vector_load_idx %arg15[%get3A_163] : memref<10016xf32, #tpu.memory_space<vmem>>[vector<16xi32>], vector<16xf32>,
        %add3A_165 = arith.addf %gather3A, %gather3A_164 : vector<16xf32>
        %ge3A = arith.constant 0.000000e+00 : f32
        %ge3A_166 = vector.broadcast %ge3A : f32 to vector<16xf32>
        %ge3A_167 = arith.cmpf oge, %add3A_165, %ge3A_166 : vector<16xf32>
        %mul3A_168 = arith.constant 2.000000e-01 : f32
        %mul3A_169 = vector.broadcast %mul3A_168 : f32 to vector<16xf32>
        %mul3A_170 = arith.mulf %add3A_165, %mul3A_169 : vector<16xf32>
        %select_n3A = arith.select %ge3A_167, %add3A_165, %mul3A_170 : vector<16xi1>, vector<16xf32>
        %exp3A = math.exp %select_n3A : vector<16xf32>
        %broadcast_in_dim3A_171 = arith.constant 32 : i32
        %broadcast_in_dim3A_172 = vector.broadcast %broadcast_in_dim3A_171 : i32 to vector<16xi32>
        tpu.vector_store_idx %arg12[%add3A_158, %broadcast_in_dim3A_172], %exp3A : memref<128x40xf32, #tpu.memory_space<vmem>>[vector<16xi32>, vector<16xi32>], vector<16xf32>,
        %broadcast_in_dim3A_173 = arith.constant 0 : i32
        %broadcast_in_dim3A_174 = vector.broadcast %broadcast_in_dim3A_173 : i32 to vector<16xi32>
        %gather3A_175 = tpu.vector_load_idx %arg10[%add3A_158, %broadcast_in_dim3A_174] : memref<128x32xf32, #tpu.memory_space<vmem>>[vector<16xi32>, vector<16xi32>], vector<16xf32>,
        %mul3A_176 = arith.mulf %gather3A_175, %exp3A : vector<16xf32>
        tpu.vector_store_idx %arg12[%add3A_158, %broadcast_in_dim3A_174], %mul3A_176 : memref<128x40xf32, #tpu.memory_space<vmem>>[vector<16xi32>, vector<16xi32>], vector<16xf32>,
        %broadcast_in_dim3A_177 = arith.constant 1 : i32
        %broadcast_in_dim3A_178 = vector.broadcast %broadcast_in_dim3A_177 : i32 to vector<16xi32>
        %gather3A_179 = tpu.vector_load_idx %arg10[%add3A_158, %broadcast_in_dim3A_178] : memref<128x32xf32, #tpu.memory_space<vmem>>[vector<16xi32>, vector<16xi32>], vector<16xf32>,
        %mul3A_180 = arith.mulf %gather3A_179, %exp3A : vector<16xf32>
        tpu.vector_store_idx %arg12[%add3A_158, %broadcast_in_dim3A_178], %mul3A_180 : memref<128x40xf32, #tpu.memory_space<vmem>>[vector<16xi32>, vector<16xi32>], vector<16xf32>,
        %broadcast_in_dim3A_181 = arith.constant 2 : i32
        %broadcast_in_dim3A_182 = vector.broadcast %broadcast_in_dim3A_181 : i32 to vector<16xi32>
        %gather3A_183 = tpu.vector_load_idx %arg10[%add3A_158, %broadcast_in_dim3A_182] : memref<128x32xf32, #tpu.memory_space<vmem>>[vector<16xi32>, vector<16xi32>], vector<16xf32>,
        %mul3A_184 = arith.mulf %gather3A_183, %exp3A : vector<16xf32>
        tpu.vector_store_idx %arg12[%add3A_158, %broadcast_in_dim3A_182], %mul3A_184 : memref<128x40xf32, #tpu.memory_space<vmem>>[vector<16xi32>, vector<16xi32>], vector<16xf32>,
        %broadcast_in_dim3A_185 = arith.constant 3 : i32
        %broadcast_in_dim3A_186 = vector.broadcast %broadcast_in_dim3A_185 : i32 to vector<16xi32>
        %gather3A_187 = tpu.vector_load_idx %arg10[%add3A_158, %broadcast_in_dim3A_186] : memref<128x32xf32, #tpu.memory_space<vmem>>[vector<16xi32>, vector<16xi32>], vector<16xf32>,
        %mul3A_188 = arith.mulf %gather3A_187, %exp3A : vector<16xf32>
        tpu.vector_store_idx %arg12[%add3A_158, %broadcast_in_dim3A_186], %mul3A_188 : memref<128x40xf32, #tpu.memory_space<vmem>>[vector<16xi32>, vector<16xi32>], vector<16xf32>,
        %broadcast_in_dim3A_189 = arith.constant 4 : i32
        %broadcast_in_dim3A_190 = vector.broadcast %broadcast_in_dim3A_189 : i32 to vector<16xi32>
        %gather3A_191 = tpu.vector_load_idx %arg10[%add3A_158, %broadcast_in_dim3A_190] : memref<128x32xf32, #tpu.memory_space<vmem>>[vector<16xi32>, vector<16xi32>], vector<16xf32>,
        %mul3A_192 = arith.mulf %gather3A_191, %exp3A : vector<16xf32>
        tpu.vector_store_idx %arg12[%add3A_158, %broadcast_in_dim3A_190], %mul3A_192 : memref<128x40xf32, #tpu.memory_space<vmem>>[vector<16xi32>, vector<16xi32>], vector<16xf32>,
        %broadcast_in_dim3A_193 = arith.constant 5 : i32
        %broadcast_in_dim3A_194 = vector.broadcast %broadcast_in_dim3A_193 : i32 to vector<16xi32>
        %gather3A_195 = tpu.vector_load_idx %arg10[%add3A_158, %broadcast_in_dim3A_194] : memref<128x32xf32, #tpu.memory_space<vmem>>[vector<16xi32>, vector<16xi32>], vector<16xf32>,
        %mul3A_196 = arith.mulf %gather3A_195, %exp3A : vector<16xf32>
        tpu.vector_store_idx %arg12[%add3A_158, %broadcast_in_dim3A_194], %mul3A_196 : memref<128x40xf32, #tpu.memory_space<vmem>>[vector<16xi32>, vector<16xi32>], vector<16xf32>,
        %broadcast_in_dim3A_197 = arith.constant 6 : i32
        %broadcast_in_dim3A_198 = vector.broadcast %broadcast_in_dim3A_197 : i32 to vector<16xi32>
        %gather3A_199 = tpu.vector_load_idx %arg10[%add3A_158, %broadcast_in_dim3A_198] : memref<128x32xf32, #tpu.memory_space<vmem>>[vector<16xi32>, vector<16xi32>], vector<16xf32>,
        %mul3A_200 = arith.mulf %gather3A_199, %exp3A : vector<16xf32>
        tpu.vector_store_idx %arg12[%add3A_158, %broadcast_in_dim3A_198], %mul3A_200 : memref<128x40xf32, #tpu.memory_space<vmem>>[vector<16xi32>, vector<16xi32>], vector<16xf32>,
        %broadcast_in_dim3A_201 = arith.constant 7 : i32
        %broadcast_in_dim3A_202 = vector.broadcast %broadcast_in_dim3A_201 : i32 to vector<16xi32>
        %gather3A_203 = tpu.vector_load_idx %arg10[%add3A_158, %broadcast_in_dim3A_202] : memref<128x32xf32, #tpu.memory_space<vmem>>[vector<16xi32>, vector<16xi32>], vector<16xf32>,
        %mul3A_204 = arith.mulf %gather3A_203, %exp3A : vector<16xf32>
        tpu.vector_store_idx %arg12[%add3A_158, %broadcast_in_dim3A_202], %mul3A_204 : memref<128x40xf32, #tpu.memory_space<vmem>>[vector<16xi32>, vector<16xi32>], vector<16xf32>,
        %broadcast_in_dim3A_205 = arith.constant 8 : i32
        %broadcast_in_dim3A_206 = vector.broadcast %broadcast_in_dim3A_205 : i32 to vector<16xi32>
        %gather3A_207 = tpu.vector_load_idx %arg10[%add3A_158, %broadcast_in_dim3A_206] : memref<128x32xf32, #tpu.memory_space<vmem>>[vector<16xi32>, vector<16xi32>], vector<16xf32>,
        %mul3A_208 = arith.mulf %gather3A_207, %exp3A : vector<16xf32>
        tpu.vector_store_idx %arg12[%add3A_158, %broadcast_in_dim3A_206], %mul3A_208 : memref<128x40xf32, #tpu.memory_space<vmem>>[vector<16xi32>, vector<16xi32>], vector<16xf32>,
        %broadcast_in_dim3A_209 = arith.constant 9 : i32
        %broadcast_in_dim3A_210 = vector.broadcast %broadcast_in_dim3A_209 : i32 to vector<16xi32>
        %gather3A_211 = tpu.vector_load_idx %arg10[%add3A_158, %broadcast_in_dim3A_210] : memref<128x32xf32, #tpu.memory_space<vmem>>[vector<16xi32>, vector<16xi32>], vector<16xf32>,
        %mul3A_212 = arith.mulf %gather3A_211, %exp3A : vector<16xf32>
        tpu.vector_store_idx %arg12[%add3A_158, %broadcast_in_dim3A_210], %mul3A_212 : memref<128x40xf32, #tpu.memory_space<vmem>>[vector<16xi32>, vector<16xi32>], vector<16xf32>,
        %broadcast_in_dim3A_213 = arith.constant 10 : i32
        %broadcast_in_dim3A_214 = vector.broadcast %broadcast_in_dim3A_213 : i32 to vector<16xi32>
        %gather3A_215 = tpu.vector_load_idx %arg10[%add3A_158, %broadcast_in_dim3A_214] : memref<128x32xf32, #tpu.memory_space<vmem>>[vector<16xi32>, vector<16xi32>], vector<16xf32>,
        %mul3A_216 = arith.mulf %gather3A_215, %exp3A : vector<16xf32>
        tpu.vector_store_idx %arg12[%add3A_158, %broadcast_in_dim3A_214], %mul3A_216 : memref<128x40xf32, #tpu.memory_space<vmem>>[vector<16xi32>, vector<16xi32>], vector<16xf32>,
        %broadcast_in_dim3A_217 = arith.constant 11 : i32
        %broadcast_in_dim3A_218 = vector.broadcast %broadcast_in_dim3A_217 : i32 to vector<16xi32>
        %gather3A_219 = tpu.vector_load_idx %arg10[%add3A_158, %broadcast_in_dim3A_218] : memref<128x32xf32, #tpu.memory_space<vmem>>[vector<16xi32>, vector<16xi32>], vector<16xf32>,
        %mul3A_220 = arith.mulf %gather3A_219, %exp3A : vector<16xf32>
        tpu.vector_store_idx %arg12[%add3A_158, %broadcast_in_dim3A_218], %mul3A_220 : memref<128x40xf32, #tpu.memory_space<vmem>>[vector<16xi32>, vector<16xi32>], vector<16xf32>,
        %broadcast_in_dim3A_221 = arith.constant 12 : i32
        %broadcast_in_dim3A_222 = vector.broadcast %broadcast_in_dim3A_221 : i32 to vector<16xi32>
        %gather3A_223 = tpu.vector_load_idx %arg10[%add3A_158, %broadcast_in_dim3A_222] : memref<128x32xf32, #tpu.memory_space<vmem>>[vector<16xi32>, vector<16xi32>], vector<16xf32>,
        %mul3A_224 = arith.mulf %gather3A_223, %exp3A : vector<16xf32>
        tpu.vector_store_idx %arg12[%add3A_158, %broadcast_in_dim3A_222], %mul3A_224 : memref<128x40xf32, #tpu.memory_space<vmem>>[vector<16xi32>, vector<16xi32>], vector<16xf32>,
        %broadcast_in_dim3A_225 = arith.constant 13 : i32
        %broadcast_in_dim3A_226 = vector.broadcast %broadcast_in_dim3A_225 : i32 to vector<16xi32>
        %gather3A_227 = tpu.vector_load_idx %arg10[%add3A_158, %broadcast_in_dim3A_226] : memref<128x32xf32, #tpu.memory_space<vmem>>[vector<16xi32>, vector<16xi32>], vector<16xf32>,
        %mul3A_228 = arith.mulf %gather3A_227, %exp3A : vector<16xf32>
        tpu.vector_store_idx %arg12[%add3A_158, %broadcast_in_dim3A_226], %mul3A_228 : memref<128x40xf32, #tpu.memory_space<vmem>>[vector<16xi32>, vector<16xi32>], vector<16xf32>,
        %broadcast_in_dim3A_229 = arith.constant 14 : i32
        %broadcast_in_dim3A_230 = vector.broadcast %broadcast_in_dim3A_229 : i32 to vector<16xi32>
        %gather3A_231 = tpu.vector_load_idx %arg10[%add3A_158, %broadcast_in_dim3A_230] : memref<128x32xf32, #tpu.memory_space<vmem>>[vector<16xi32>, vector<16xi32>], vector<16xf32>,
        %mul3A_232 = arith.mulf %gather3A_231, %exp3A : vector<16xf32>
        tpu.vector_store_idx %arg12[%add3A_158, %broadcast_in_dim3A_230], %mul3A_232 : memref<128x40xf32, #tpu.memory_space<vmem>>[vector<16xi32>, vector<16xi32>], vector<16xf32>,
        %broadcast_in_dim3A_233 = arith.constant 15 : i32
        %broadcast_in_dim3A_234 = vector.broadcast %broadcast_in_dim3A_233 : i32 to vector<16xi32>
        %gather3A_235 = tpu.vector_load_idx %arg10[%add3A_158, %broadcast_in_dim3A_234] : memref<128x32xf32, #tpu.memory_space<vmem>>[vector<16xi32>, vector<16xi32>], vector<16xf32>,
        %mul3A_236 = arith.mulf %gather3A_235, %exp3A : vector<16xf32>
        tpu.vector_store_idx %arg12[%add3A_158, %broadcast_in_dim3A_234], %mul3A_236 : memref<128x40xf32, #tpu.memory_space<vmem>>[vector<16xi32>, vector<16xi32>], vector<16xf32>,
        %broadcast_in_dim3A_237 = arith.constant 16 : i32
        %broadcast_in_dim3A_238 = vector.broadcast %broadcast_in_dim3A_237 : i32 to vector<16xi32>
        %gather3A_239 = tpu.vector_load_idx %arg10[%add3A_158, %broadcast_in_dim3A_238] : memref<128x32xf32, #tpu.memory_space<vmem>>[vector<16xi32>, vector<16xi32>], vector<16xf32>,
        %mul3A_240 = arith.mulf %gather3A_239, %exp3A : vector<16xf32>
        tpu.vector_store_idx %arg12[%add3A_158, %broadcast_in_dim3A_238], %mul3A_240 : memref<128x40xf32, #tpu.memory_space<vmem>>[vector<16xi32>, vector<16xi32>], vector<16xf32>,
        %broadcast_in_dim3A_241 = arith.constant 17 : i32
        %broadcast_in_dim3A_242 = vector.broadcast %broadcast_in_dim3A_241 : i32 to vector<16xi32>
        %gather3A_243 = tpu.vector_load_idx %arg10[%add3A_158, %broadcast_in_dim3A_242] : memref<128x32xf32, #tpu.memory_space<vmem>>[vector<16xi32>, vector<16xi32>], vector<16xf32>,
        %mul3A_244 = arith.mulf %gather3A_243, %exp3A : vector<16xf32>
        tpu.vector_store_idx %arg12[%add3A_158, %broadcast_in_dim3A_242], %mul3A_244 : memref<128x40xf32, #tpu.memory_space<vmem>>[vector<16xi32>, vector<16xi32>], vector<16xf32>,
        %broadcast_in_dim3A_245 = arith.constant 18 : i32
        %broadcast_in_dim3A_246 = vector.broadcast %broadcast_in_dim3A_245 : i32 to vector<16xi32>
        %gather3A_247 = tpu.vector_load_idx %arg10[%add3A_158, %broadcast_in_dim3A_246] : memref<128x32xf32, #tpu.memory_space<vmem>>[vector<16xi32>, vector<16xi32>], vector<16xf32>,
        %mul3A_248 = arith.mulf %gather3A_247, %exp3A : vector<16xf32>
        tpu.vector_store_idx %arg12[%add3A_158, %broadcast_in_dim3A_246], %mul3A_248 : memref<128x40xf32, #tpu.memory_space<vmem>>[vector<16xi32>, vector<16xi32>], vector<16xf32>,
        %broadcast_in_dim3A_249 = arith.constant 19 : i32
        %broadcast_in_dim3A_250 = vector.broadcast %broadcast_in_dim3A_249 : i32 to vector<16xi32>
        %gather3A_251 = tpu.vector_load_idx %arg10[%add3A_158, %broadcast_in_dim3A_250] : memref<128x32xf32, #tpu.memory_space<vmem>>[vector<16xi32>, vector<16xi32>], vector<16xf32>,
        %mul3A_252 = arith.mulf %gather3A_251, %exp3A : vector<16xf32>
        tpu.vector_store_idx %arg12[%add3A_158, %broadcast_in_dim3A_250], %mul3A_252 : memref<128x40xf32, #tpu.memory_space<vmem>>[vector<16xi32>, vector<16xi32>], vector<16xf32>,
        %broadcast_in_dim3A_253 = arith.constant 20 : i32
        %broadcast_in_dim3A_254 = vector.broadcast %broadcast_in_dim3A_253 : i32 to vector<16xi32>
        %gather3A_255 = tpu.vector_load_idx %arg10[%add3A_158, %broadcast_in_dim3A_254] : memref<128x32xf32, #tpu.memory_space<vmem>>[vector<16xi32>, vector<16xi32>], vector<16xf32>,
        %mul3A_256 = arith.mulf %gather3A_255, %exp3A : vector<16xf32>
        tpu.vector_store_idx %arg12[%add3A_158, %broadcast_in_dim3A_254], %mul3A_256 : memref<128x40xf32, #tpu.memory_space<vmem>>[vector<16xi32>, vector<16xi32>], vector<16xf32>,
        %broadcast_in_dim3A_257 = arith.constant 21 : i32
        %broadcast_in_dim3A_258 = vector.broadcast %broadcast_in_dim3A_257 : i32 to vector<16xi32>
        %gather3A_259 = tpu.vector_load_idx %arg10[%add3A_158, %broadcast_in_dim3A_258] : memref<128x32xf32, #tpu.memory_space<vmem>>[vector<16xi32>, vector<16xi32>], vector<16xf32>,
        %mul3A_260 = arith.mulf %gather3A_259, %exp3A : vector<16xf32>
        tpu.vector_store_idx %arg12[%add3A_158, %broadcast_in_dim3A_258], %mul3A_260 : memref<128x40xf32, #tpu.memory_space<vmem>>[vector<16xi32>, vector<16xi32>], vector<16xf32>,
        %broadcast_in_dim3A_261 = arith.constant 22 : i32
        %broadcast_in_dim3A_262 = vector.broadcast %broadcast_in_dim3A_261 : i32 to vector<16xi32>
        %gather3A_263 = tpu.vector_load_idx %arg10[%add3A_158, %broadcast_in_dim3A_262] : memref<128x32xf32, #tpu.memory_space<vmem>>[vector<16xi32>, vector<16xi32>], vector<16xf32>,
        %mul3A_264 = arith.mulf %gather3A_263, %exp3A : vector<16xf32>
        tpu.vector_store_idx %arg12[%add3A_158, %broadcast_in_dim3A_262], %mul3A_264 : memref<128x40xf32, #tpu.memory_space<vmem>>[vector<16xi32>, vector<16xi32>], vector<16xf32>,
        %broadcast_in_dim3A_265 = arith.constant 23 : i32
        %broadcast_in_dim3A_266 = vector.broadcast %broadcast_in_dim3A_265 : i32 to vector<16xi32>
        %gather3A_267 = tpu.vector_load_idx %arg10[%add3A_158, %broadcast_in_dim3A_266] : memref<128x32xf32, #tpu.memory_space<vmem>>[vector<16xi32>, vector<16xi32>], vector<16xf32>,
        %mul3A_268 = arith.mulf %gather3A_267, %exp3A : vector<16xf32>
        tpu.vector_store_idx %arg12[%add3A_158, %broadcast_in_dim3A_266], %mul3A_268 : memref<128x40xf32, #tpu.memory_space<vmem>>[vector<16xi32>, vector<16xi32>], vector<16xf32>,
        %broadcast_in_dim3A_269 = arith.constant 24 : i32
        %broadcast_in_dim3A_270 = vector.broadcast %broadcast_in_dim3A_269 : i32 to vector<16xi32>
        %gather3A_271 = tpu.vector_load_idx %arg10[%add3A_158, %broadcast_in_dim3A_270] : memref<128x32xf32, #tpu.memory_space<vmem>>[vector<16xi32>, vector<16xi32>], vector<16xf32>,
        %mul3A_272 = arith.mulf %gather3A_271, %exp3A : vector<16xf32>
        tpu.vector_store_idx %arg12[%add3A_158, %broadcast_in_dim3A_270], %mul3A_272 : memref<128x40xf32, #tpu.memory_space<vmem>>[vector<16xi32>, vector<16xi32>], vector<16xf32>,
        %broadcast_in_dim3A_273 = arith.constant 25 : i32
        %broadcast_in_dim3A_274 = vector.broadcast %broadcast_in_dim3A_273 : i32 to vector<16xi32>
        %gather3A_275 = tpu.vector_load_idx %arg10[%add3A_158, %broadcast_in_dim3A_274] : memref<128x32xf32, #tpu.memory_space<vmem>>[vector<16xi32>, vector<16xi32>], vector<16xf32>,
        %mul3A_276 = arith.mulf %gather3A_275, %exp3A : vector<16xf32>
        tpu.vector_store_idx %arg12[%add3A_158, %broadcast_in_dim3A_274], %mul3A_276 : memref<128x40xf32, #tpu.memory_space<vmem>>[vector<16xi32>, vector<16xi32>], vector<16xf32>,
        %broadcast_in_dim3A_277 = arith.constant 26 : i32
        %broadcast_in_dim3A_278 = vector.broadcast %broadcast_in_dim3A_277 : i32 to vector<16xi32>
        %gather3A_279 = tpu.vector_load_idx %arg10[%add3A_158, %broadcast_in_dim3A_278] : memref<128x32xf32, #tpu.memory_space<vmem>>[vector<16xi32>, vector<16xi32>], vector<16xf32>,
        %mul3A_280 = arith.mulf %gather3A_279, %exp3A : vector<16xf32>
        tpu.vector_store_idx %arg12[%add3A_158, %broadcast_in_dim3A_278], %mul3A_280 : memref<128x40xf32, #tpu.memory_space<vmem>>[vector<16xi32>, vector<16xi32>], vector<16xf32>,
        %broadcast_in_dim3A_281 = arith.constant 27 : i32
        %broadcast_in_dim3A_282 = vector.broadcast %broadcast_in_dim3A_281 : i32 to vector<16xi32>
        %gather3A_283 = tpu.vector_load_idx %arg10[%add3A_158, %broadcast_in_dim3A_282] : memref<128x32xf32, #tpu.memory_space<vmem>>[vector<16xi32>, vector<16xi32>], vector<16xf32>,
        %mul3A_284 = arith.mulf %gather3A_283, %exp3A : vector<16xf32>
        tpu.vector_store_idx %arg12[%add3A_158, %broadcast_in_dim3A_282], %mul3A_284 : memref<128x40xf32, #tpu.memory_space<vmem>>[vector<16xi32>, vector<16xi32>], vector<16xf32>,
        %broadcast_in_dim3A_285 = arith.constant 28 : i32
        %broadcast_in_dim3A_286 = vector.broadcast %broadcast_in_dim3A_285 : i32 to vector<16xi32>
        %gather3A_287 = tpu.vector_load_idx %arg10[%add3A_158, %broadcast_in_dim3A_286] : memref<128x32xf32, #tpu.memory_space<vmem>>[vector<16xi32>, vector<16xi32>], vector<16xf32>,
        %mul3A_288 = arith.mulf %gather3A_287, %exp3A : vector<16xf32>
        tpu.vector_store_idx %arg12[%add3A_158, %broadcast_in_dim3A_286], %mul3A_288 : memref<128x40xf32, #tpu.memory_space<vmem>>[vector<16xi32>, vector<16xi32>], vector<16xf32>,
        %broadcast_in_dim3A_289 = arith.constant 29 : i32
        %broadcast_in_dim3A_290 = vector.broadcast %broadcast_in_dim3A_289 : i32 to vector<16xi32>
        %gather3A_291 = tpu.vector_load_idx %arg10[%add3A_158, %broadcast_in_dim3A_290] : memref<128x32xf32, #tpu.memory_space<vmem>>[vector<16xi32>, vector<16xi32>], vector<16xf32>,
        %mul3A_292 = arith.mulf %gather3A_291, %exp3A : vector<16xf32>
        tpu.vector_store_idx %arg12[%add3A_158, %broadcast_in_dim3A_290], %mul3A_292 : memref<128x40xf32, #tpu.memory_space<vmem>>[vector<16xi32>, vector<16xi32>], vector<16xf32>,
        %broadcast_in_dim3A_293 = arith.constant 30 : i32
        %broadcast_in_dim3A_294 = vector.broadcast %broadcast_in_dim3A_293 : i32 to vector<16xi32>
        %gather3A_295 = tpu.vector_load_idx %arg10[%add3A_158, %broadcast_in_dim3A_294] : memref<128x32xf32, #tpu.memory_space<vmem>>[vector<16xi32>, vector<16xi32>], vector<16xf32>,
        %mul3A_296 = arith.mulf %gather3A_295, %exp3A : vector<16xf32>
        tpu.vector_store_idx %arg12[%add3A_158, %broadcast_in_dim3A_294], %mul3A_296 : memref<128x40xf32, #tpu.memory_space<vmem>>[vector<16xi32>, vector<16xi32>], vector<16xf32>,
        %broadcast_in_dim3A_297 = arith.constant 31 : i32
        %broadcast_in_dim3A_298 = vector.broadcast %broadcast_in_dim3A_297 : i32 to vector<16xi32>
        %gather3A_299 = tpu.vector_load_idx %arg10[%add3A_158, %broadcast_in_dim3A_298] : memref<128x32xf32, #tpu.memory_space<vmem>>[vector<16xi32>, vector<16xi32>], vector<16xf32>,
        %mul3A_300 = arith.mulf %gather3A_299, %exp3A : vector<16xf32>
        tpu.vector_store_idx %arg12[%add3A_158, %broadcast_in_dim3A_298], %mul3A_300 : memref<128x40xf32, #tpu.memory_space<vmem>>[vector<16xi32>, vector<16xi32>], vector<16xf32>,
        %scan3A_301 = arith.constant 0 : i32
        scf.yield %scan3A_301 : i32
      }
      %scan3A_102 = arith.constant 8 : i32
      %dma_start3A_103 = arith.constant 0 : i32
      %dma_start3A_104 = tpu.memref_slice %arg9[%mul3A_83, %dma_start3A_103] : memref<82x128xi32, #tpu.memory_space<vmem>> -> memref<1x128xi32, #tpu.memory_space<vmem>>
      %dma_start3A_105 = tpu.memref_squeeze %dma_start3A_104 : memref<1x128xi32, #tpu.memory_space<vmem>> -> memref<128xi32, #tpu.memory_space<vmem>>
      %dma_start3A_106 = arith.constant 0 : i32
      %dma_start3A_107 = arith.constant 0 : i32
      %dma_start3A_108 = tpu.memref_slice %arg16[%dma_start3A_106, %dma_start3A_107] : memref<10240x40xf32, #tpu.memory_space<vmem_shared>> -> memref<10240x40xf32, #tpu.memory_space<vmem_shared>>
      tpu.enqueue_indirect_dma source(%arg12 : memref<128x40xf32, #tpu.memory_space<vmem>>) target(%dma_start3A_108 : memref<10240x40xf32, #tpu.memory_space<vmem_shared>>) offsets(%dma_start3A_105 : memref<128xi32, #tpu.memory_space<vmem>>) semaphore(%arg19 : memref<!tpu.dma_semaphore, #tpu.memory_space<semaphore_mem>>) {add = true}
      %add3A_109 = arith.constant 2 : i32
      %add3A_110 = arith.addi %mul3A_83, %add3A_109 : i32
      %min3A = arith.constant 80 : i32
      %min3A_111 = arith.minsi %add3A_110, %min3A : i32
      %dma_start3A_112 = arith.constant 0 : i32
      %dma_start3A_113 = tpu.memref_slice %arg8[%min3A_111, %dma_start3A_112] : memref<82x128xi32, #tpu.memory_space<vmem>> -> memref<1x128xi32, #tpu.memory_space<vmem>>
      %dma_start3A_114 = tpu.memref_squeeze %dma_start3A_113 : memref<1x128xi32, #tpu.memory_space<vmem>> -> memref<128xi32, #tpu.memory_space<vmem>>
      %dma_start3A_115 = arith.constant 0 : i32
      %dma_start3A_116 = arith.constant 0 : i32
      %dma_start3A_117 = tpu.memref_slice %arg2[%dma_start3A_115, %dma_start3A_116] : memref<10016x32xf32, #tpu.memory_space<hbm>> -> memref<10016x32xf32, #tpu.memory_space<hbm>>
      tpu.enqueue_indirect_dma source(%dma_start3A_117 : memref<10016x32xf32, #tpu.memory_space<hbm>>) target(%arg10 : memref<128x32xf32, #tpu.memory_space<vmem>>) offsets(%dma_start3A_114 : memref<128xi32, #tpu.memory_space<vmem>>) semaphore(%arg17 : memref<!tpu.dma_semaphore, #tpu.memory_space<semaphore_mem>>)
      %dma_wait3A_118 = arith.constant 0 : i32
      %dma_wait3A_119 = tpu.memref_slice %arg8[%add3A_87, %dma_wait3A_118] : memref<82x128xi32, #tpu.memory_space<vmem>> -> memref<1x128xi32, #tpu.memory_space<vmem>>
      %dma_wait3A_120 = tpu.memref_squeeze %dma_wait3A_119 : memref<1x128xi32, #tpu.memory_space<vmem>> -> memref<128xi32, #tpu.memory_space<vmem>>
      %dma_wait3A_121 = arith.constant 0 : i32
      %dma_wait3A_122 = arith.constant 0 : i32
      %dma_wait3A_123 = tpu.memref_slice %arg2[%dma_wait3A_121, %dma_wait3A_122] : memref<10016x32xf32, #tpu.memory_space<hbm>> -> memref<10016x32xf32, #tpu.memory_space<hbm>>
      tpu.wait_indirect_dma semaphore(%arg18 : memref<!tpu.dma_semaphore, #tpu.memory_space<semaphore_mem>>) src(%dma_wait3A_123 : memref<10016x32xf32, #tpu.memory_space<hbm>>) dst(%arg11 : memref<128x32xf32, #tpu.memory_space<vmem>>)
      %gt3A_124 = arith.constant 0 : i32
      %gt3A_125 = arith.cmpi sgt, %scan3A_80, %gt3A_124 : i32
      %convert_element_type3A_126 = arith.extui %gt3A_125 : i1 to i32
      %cond3A_127 = arith.constant 0 : i32
      %cond3A_128 = arith.cmpi ne, %convert_element_type3A_126, %cond3A_127 : i32
      scf.if %cond3A_128 {
        %dma_wait3A_153 = arith.constant 0 : i32
        %dma_wait3A_154 = tpu.memref_slice %arg9[%add3A_87, %dma_wait3A_153] : memref<82x128xi32, #tpu.memory_space<vmem>> -> memref<1x128xi32, #tpu.memory_space<vmem>>
        %dma_wait3A_155 = tpu.memref_squeeze %dma_wait3A_154 : memref<1x128xi32, #tpu.memory_space<vmem>> -> memref<128xi32, #tpu.memory_space<vmem>>
        %dma_wait3A_156 = arith.constant 0 : i32
        %dma_wait3A_157 = arith.constant 0 : i32
        %dma_wait3A_158 = tpu.memref_slice %arg16[%dma_wait3A_156, %dma_wait3A_157] : memref<10240x40xf32, #tpu.memory_space<vmem_shared>> -> memref<10240x40xf32, #tpu.memory_space<vmem_shared>>
        tpu.wait_indirect_dma semaphore(%arg20 : memref<!tpu.dma_semaphore, #tpu.memory_space<semaphore_mem>>) src(%arg13 : memref<128x40xf32, #tpu.memory_space<vmem>>) dst(%dma_wait3A_158 : memref<10240x40xf32, #tpu.memory_space<vmem_shared>>)
      } else {
      }
      %scan3A_129 = arith.constant 0 : i32
      %scan3A_130 = arith.constant 0 : i32
      %scan3A_131 = arith.constant 8 : i32
      %scan3A_132 = arith.addi %scan3A_130, %scan3A_131 : i32
      %scan3A_133 = arith.constant 1 : i32
      %scan3A_134 = scf.for %scan3A_153 = %scan3A_130 to %scan3A_132 step %scan3A_133 iter_args(%scan3A_154 = %scan3A_129) -> (i32)  : i32 {
        %mul3A_155 = arith.constant 16 : i32
        %mul3A_156 = arith.muli %scan3A_153, %mul3A_155 : i32
        %add3A_157 = vector.broadcast %mul3A_156 : i32 to vector<16xi32>
        %add3A_158 = arith.addi %iota3A, %add3A_157 : vector<16xi32>
        %get3A = arith.index_cast %add3A_87 : i32 to index
        %get3A_159 = arith.index_cast %mul3A_156 : i32 to index
        %get3A_160 = tpu.vector_load %arg8[%get3A, %get3A_159] {strides = array<i32>} : memref<82x128xi32, #tpu.memory_space<vmem>>, vector<16xi32>,
        %get3A_161 = arith.index_cast %add3A_87 : i32 to index
        %get3A_162 = arith.index_cast %mul3A_156 : i32 to index
        %get3A_163 = tpu.vector_load %arg9[%get3A_161, %get3A_162] {strides = array<i32>} : memref<82x128xi32, #tpu.memory_space<vmem>>, vector<16xi32>,
        %gather3A = tpu.vector_load_idx %arg14[%get3A_160] : memref<10016xf32, #tpu.memory_space<vmem>>[vector<16xi32>], vector<16xf32>,
        %gather3A_164 = tpu.vector_load_idx %arg15[%get3A_163] : memref<10016xf32, #tpu.memory_space<vmem>>[vector<16xi32>], vector<16xf32>,
        %add3A_165 = arith.addf %gather3A, %gather3A_164 : vector<16xf32>
        %ge3A = arith.constant 0.000000e+00 : f32
        %ge3A_166 = vector.broadcast %ge3A : f32 to vector<16xf32>
        %ge3A_167 = arith.cmpf oge, %add3A_165, %ge3A_166 : vector<16xf32>
        %mul3A_168 = arith.constant 2.000000e-01 : f32
        %mul3A_169 = vector.broadcast %mul3A_168 : f32 to vector<16xf32>
        %mul3A_170 = arith.mulf %add3A_165, %mul3A_169 : vector<16xf32>
        %select_n3A = arith.select %ge3A_167, %add3A_165, %mul3A_170 : vector<16xi1>, vector<16xf32>
        %exp3A = math.exp %select_n3A : vector<16xf32>
        %broadcast_in_dim3A_171 = arith.constant 32 : i32
        %broadcast_in_dim3A_172 = vector.broadcast %broadcast_in_dim3A_171 : i32 to vector<16xi32>
        tpu.vector_store_idx %arg13[%add3A_158, %broadcast_in_dim3A_172], %exp3A : memref<128x40xf32, #tpu.memory_space<vmem>>[vector<16xi32>, vector<16xi32>], vector<16xf32>,
        %broadcast_in_dim3A_173 = arith.constant 0 : i32
        %broadcast_in_dim3A_174 = vector.broadcast %broadcast_in_dim3A_173 : i32 to vector<16xi32>
        %gather3A_175 = tpu.vector_load_idx %arg11[%add3A_158, %broadcast_in_dim3A_174] : memref<128x32xf32, #tpu.memory_space<vmem>>[vector<16xi32>, vector<16xi32>], vector<16xf32>,
        %mul3A_176 = arith.mulf %gather3A_175, %exp3A : vector<16xf32>
        tpu.vector_store_idx %arg13[%add3A_158, %broadcast_in_dim3A_174], %mul3A_176 : memref<128x40xf32, #tpu.memory_space<vmem>>[vector<16xi32>, vector<16xi32>], vector<16xf32>,
        %broadcast_in_dim3A_177 = arith.constant 1 : i32
        %broadcast_in_dim3A_178 = vector.broadcast %broadcast_in_dim3A_177 : i32 to vector<16xi32>
        %gather3A_179 = tpu.vector_load_idx %arg11[%add3A_158, %broadcast_in_dim3A_178] : memref<128x32xf32, #tpu.memory_space<vmem>>[vector<16xi32>, vector<16xi32>], vector<16xf32>,
        %mul3A_180 = arith.mulf %gather3A_179, %exp3A : vector<16xf32>
        tpu.vector_store_idx %arg13[%add3A_158, %broadcast_in_dim3A_178], %mul3A_180 : memref<128x40xf32, #tpu.memory_space<vmem>>[vector<16xi32>, vector<16xi32>], vector<16xf32>,
        %broadcast_in_dim3A_181 = arith.constant 2 : i32
        %broadcast_in_dim3A_182 = vector.broadcast %broadcast_in_dim3A_181 : i32 to vector<16xi32>
        %gather3A_183 = tpu.vector_load_idx %arg11[%add3A_158, %broadcast_in_dim3A_182] : memref<128x32xf32, #tpu.memory_space<vmem>>[vector<16xi32>, vector<16xi32>], vector<16xf32>,
        %mul3A_184 = arith.mulf %gather3A_183, %exp3A : vector<16xf32>
        tpu.vector_store_idx %arg13[%add3A_158, %broadcast_in_dim3A_182], %mul3A_184 : memref<128x40xf32, #tpu.memory_space<vmem>>[vector<16xi32>, vector<16xi32>], vector<16xf32>,
        %broadcast_in_dim3A_185 = arith.constant 3 : i32
        %broadcast_in_dim3A_186 = vector.broadcast %broadcast_in_dim3A_185 : i32 to vector<16xi32>
        %gather3A_187 = tpu.vector_load_idx %arg11[%add3A_158, %broadcast_in_dim3A_186] : memref<128x32xf32, #tpu.memory_space<vmem>>[vector<16xi32>, vector<16xi32>], vector<16xf32>,
        %mul3A_188 = arith.mulf %gather3A_187, %exp3A : vector<16xf32>
        tpu.vector_store_idx %arg13[%add3A_158, %broadcast_in_dim3A_186], %mul3A_188 : memref<128x40xf32, #tpu.memory_space<vmem>>[vector<16xi32>, vector<16xi32>], vector<16xf32>,
        %broadcast_in_dim3A_189 = arith.constant 4 : i32
        %broadcast_in_dim3A_190 = vector.broadcast %broadcast_in_dim3A_189 : i32 to vector<16xi32>
        %gather3A_191 = tpu.vector_load_idx %arg11[%add3A_158, %broadcast_in_dim3A_190] : memref<128x32xf32, #tpu.memory_space<vmem>>[vector<16xi32>, vector<16xi32>], vector<16xf32>,
        %mul3A_192 = arith.mulf %gather3A_191, %exp3A : vector<16xf32>
        tpu.vector_store_idx %arg13[%add3A_158, %broadcast_in_dim3A_190], %mul3A_192 : memref<128x40xf32, #tpu.memory_space<vmem>>[vector<16xi32>, vector<16xi32>], vector<16xf32>,
        %broadcast_in_dim3A_193 = arith.constant 5 : i32
        %broadcast_in_dim3A_194 = vector.broadcast %broadcast_in_dim3A_193 : i32 to vector<16xi32>
        %gather3A_195 = tpu.vector_load_idx %arg11[%add3A_158, %broadcast_in_dim3A_194] : memref<128x32xf32, #tpu.memory_space<vmem>>[vector<16xi32>, vector<16xi32>], vector<16xf32>,
        %mul3A_196 = arith.mulf %gather3A_195, %exp3A : vector<16xf32>
        tpu.vector_store_idx %arg13[%add3A_158, %broadcast_in_dim3A_194], %mul3A_196 : memref<128x40xf32, #tpu.memory_space<vmem>>[vector<16xi32>, vector<16xi32>], vector<16xf32>,
        %broadcast_in_dim3A_197 = arith.constant 6 : i32
        %broadcast_in_dim3A_198 = vector.broadcast %broadcast_in_dim3A_197 : i32 to vector<16xi32>
        %gather3A_199 = tpu.vector_load_idx %arg11[%add3A_158, %broadcast_in_dim3A_198] : memref<128x32xf32, #tpu.memory_space<vmem>>[vector<16xi32>, vector<16xi32>], vector<16xf32>,
        %mul3A_200 = arith.mulf %gather3A_199, %exp3A : vector<16xf32>
        tpu.vector_store_idx %arg13[%add3A_158, %broadcast_in_dim3A_198], %mul3A_200 : memref<128x40xf32, #tpu.memory_space<vmem>>[vector<16xi32>, vector<16xi32>], vector<16xf32>,
        %broadcast_in_dim3A_201 = arith.constant 7 : i32
        %broadcast_in_dim3A_202 = vector.broadcast %broadcast_in_dim3A_201 : i32 to vector<16xi32>
        %gather3A_203 = tpu.vector_load_idx %arg11[%add3A_158, %broadcast_in_dim3A_202] : memref<128x32xf32, #tpu.memory_space<vmem>>[vector<16xi32>, vector<16xi32>], vector<16xf32>,
        %mul3A_204 = arith.mulf %gather3A_203, %exp3A : vector<16xf32>
        tpu.vector_store_idx %arg13[%add3A_158, %broadcast_in_dim3A_202], %mul3A_204 : memref<128x40xf32, #tpu.memory_space<vmem>>[vector<16xi32>, vector<16xi32>], vector<16xf32>,
        %broadcast_in_dim3A_205 = arith.constant 8 : i32
        %broadcast_in_dim3A_206 = vector.broadcast %broadcast_in_dim3A_205 : i32 to vector<16xi32>
        %gather3A_207 = tpu.vector_load_idx %arg11[%add3A_158, %broadcast_in_dim3A_206] : memref<128x32xf32, #tpu.memory_space<vmem>>[vector<16xi32>, vector<16xi32>], vector<16xf32>,
        %mul3A_208 = arith.mulf %gather3A_207, %exp3A : vector<16xf32>
        tpu.vector_store_idx %arg13[%add3A_158, %broadcast_in_dim3A_206], %mul3A_208 : memref<128x40xf32, #tpu.memory_space<vmem>>[vector<16xi32>, vector<16xi32>], vector<16xf32>,
        %broadcast_in_dim3A_209 = arith.constant 9 : i32
        %broadcast_in_dim3A_210 = vector.broadcast %broadcast_in_dim3A_209 : i32 to vector<16xi32>
        %gather3A_211 = tpu.vector_load_idx %arg11[%add3A_158, %broadcast_in_dim3A_210] : memref<128x32xf32, #tpu.memory_space<vmem>>[vector<16xi32>, vector<16xi32>], vector<16xf32>,
        %mul3A_212 = arith.mulf %gather3A_211, %exp3A : vector<16xf32>
        tpu.vector_store_idx %arg13[%add3A_158, %broadcast_in_dim3A_210], %mul3A_212 : memref<128x40xf32, #tpu.memory_space<vmem>>[vector<16xi32>, vector<16xi32>], vector<16xf32>,
        %broadcast_in_dim3A_213 = arith.constant 10 : i32
        %broadcast_in_dim3A_214 = vector.broadcast %broadcast_in_dim3A_213 : i32 to vector<16xi32>
        %gather3A_215 = tpu.vector_load_idx %arg11[%add3A_158, %broadcast_in_dim3A_214] : memref<128x32xf32, #tpu.memory_space<vmem>>[vector<16xi32>, vector<16xi32>], vector<16xf32>,
        %mul3A_216 = arith.mulf %gather3A_215, %exp3A : vector<16xf32>
        tpu.vector_store_idx %arg13[%add3A_158, %broadcast_in_dim3A_214], %mul3A_216 : memref<128x40xf32, #tpu.memory_space<vmem>>[vector<16xi32>, vector<16xi32>], vector<16xf32>,
        %broadcast_in_dim3A_217 = arith.constant 11 : i32
        %broadcast_in_dim3A_218 = vector.broadcast %broadcast_in_dim3A_217 : i32 to vector<16xi32>
        %gather3A_219 = tpu.vector_load_idx %arg11[%add3A_158, %broadcast_in_dim3A_218] : memref<128x32xf32, #tpu.memory_space<vmem>>[vector<16xi32>, vector<16xi32>], vector<16xf32>,
        %mul3A_220 = arith.mulf %gather3A_219, %exp3A : vector<16xf32>
        tpu.vector_store_idx %arg13[%add3A_158, %broadcast_in_dim3A_218], %mul3A_220 : memref<128x40xf32, #tpu.memory_space<vmem>>[vector<16xi32>, vector<16xi32>], vector<16xf32>,
        %broadcast_in_dim3A_221 = arith.constant 12 : i32
        %broadcast_in_dim3A_222 = vector.broadcast %broadcast_in_dim3A_221 : i32 to vector<16xi32>
        %gather3A_223 = tpu.vector_load_idx %arg11[%add3A_158, %broadcast_in_dim3A_222] : memref<128x32xf32, #tpu.memory_space<vmem>>[vector<16xi32>, vector<16xi32>], vector<16xf32>,
        %mul3A_224 = arith.mulf %gather3A_223, %exp3A : vector<16xf32>
        tpu.vector_store_idx %arg13[%add3A_158, %broadcast_in_dim3A_222], %mul3A_224 : memref<128x40xf32, #tpu.memory_space<vmem>>[vector<16xi32>, vector<16xi32>], vector<16xf32>,
        %broadcast_in_dim3A_225 = arith.constant 13 : i32
        %broadcast_in_dim3A_226 = vector.broadcast %broadcast_in_dim3A_225 : i32 to vector<16xi32>
        %gather3A_227 = tpu.vector_load_idx %arg11[%add3A_158, %broadcast_in_dim3A_226] : memref<128x32xf32, #tpu.memory_space<vmem>>[vector<16xi32>, vector<16xi32>], vector<16xf32>,
        %mul3A_228 = arith.mulf %gather3A_227, %exp3A : vector<16xf32>
        tpu.vector_store_idx %arg13[%add3A_158, %broadcast_in_dim3A_226], %mul3A_228 : memref<128x40xf32, #tpu.memory_space<vmem>>[vector<16xi32>, vector<16xi32>], vector<16xf32>,
        %broadcast_in_dim3A_229 = arith.constant 14 : i32
        %broadcast_in_dim3A_230 = vector.broadcast %broadcast_in_dim3A_229 : i32 to vector<16xi32>
        %gather3A_231 = tpu.vector_load_idx %arg11[%add3A_158, %broadcast_in_dim3A_230] : memref<128x32xf32, #tpu.memory_space<vmem>>[vector<16xi32>, vector<16xi32>], vector<16xf32>,
        %mul3A_232 = arith.mulf %gather3A_231, %exp3A : vector<16xf32>
        tpu.vector_store_idx %arg13[%add3A_158, %broadcast_in_dim3A_230], %mul3A_232 : memref<128x40xf32, #tpu.memory_space<vmem>>[vector<16xi32>, vector<16xi32>], vector<16xf32>,
        %broadcast_in_dim3A_233 = arith.constant 15 : i32
        %broadcast_in_dim3A_234 = vector.broadcast %broadcast_in_dim3A_233 : i32 to vector<16xi32>
        %gather3A_235 = tpu.vector_load_idx %arg11[%add3A_158, %broadcast_in_dim3A_234] : memref<128x32xf32, #tpu.memory_space<vmem>>[vector<16xi32>, vector<16xi32>], vector<16xf32>,
        %mul3A_236 = arith.mulf %gather3A_235, %exp3A : vector<16xf32>
        tpu.vector_store_idx %arg13[%add3A_158, %broadcast_in_dim3A_234], %mul3A_236 : memref<128x40xf32, #tpu.memory_space<vmem>>[vector<16xi32>, vector<16xi32>], vector<16xf32>,
        %broadcast_in_dim3A_237 = arith.constant 16 : i32
        %broadcast_in_dim3A_238 = vector.broadcast %broadcast_in_dim3A_237 : i32 to vector<16xi32>
        %gather3A_239 = tpu.vector_load_idx %arg11[%add3A_158, %broadcast_in_dim3A_238] : memref<128x32xf32, #tpu.memory_space<vmem>>[vector<16xi32>, vector<16xi32>], vector<16xf32>,
        %mul3A_240 = arith.mulf %gather3A_239, %exp3A : vector<16xf32>
        tpu.vector_store_idx %arg13[%add3A_158, %broadcast_in_dim3A_238], %mul3A_240 : memref<128x40xf32, #tpu.memory_space<vmem>>[vector<16xi32>, vector<16xi32>], vector<16xf32>,
        %broadcast_in_dim3A_241 = arith.constant 17 : i32
        %broadcast_in_dim3A_242 = vector.broadcast %broadcast_in_dim3A_241 : i32 to vector<16xi32>
        %gather3A_243 = tpu.vector_load_idx %arg11[%add3A_158, %broadcast_in_dim3A_242] : memref<128x32xf32, #tpu.memory_space<vmem>>[vector<16xi32>, vector<16xi32>], vector<16xf32>,
        %mul3A_244 = arith.mulf %gather3A_243, %exp3A : vector<16xf32>
        tpu.vector_store_idx %arg13[%add3A_158, %broadcast_in_dim3A_242], %mul3A_244 : memref<128x40xf32, #tpu.memory_space<vmem>>[vector<16xi32>, vector<16xi32>], vector<16xf32>,
        %broadcast_in_dim3A_245 = arith.constant 18 : i32
        %broadcast_in_dim3A_246 = vector.broadcast %broadcast_in_dim3A_245 : i32 to vector<16xi32>
        %gather3A_247 = tpu.vector_load_idx %arg11[%add3A_158, %broadcast_in_dim3A_246] : memref<128x32xf32, #tpu.memory_space<vmem>>[vector<16xi32>, vector<16xi32>], vector<16xf32>,
        %mul3A_248 = arith.mulf %gather3A_247, %exp3A : vector<16xf32>
        tpu.vector_store_idx %arg13[%add3A_158, %broadcast_in_dim3A_246], %mul3A_248 : memref<128x40xf32, #tpu.memory_space<vmem>>[vector<16xi32>, vector<16xi32>], vector<16xf32>,
        %broadcast_in_dim3A_249 = arith.constant 19 : i32
        %broadcast_in_dim3A_250 = vector.broadcast %broadcast_in_dim3A_249 : i32 to vector<16xi32>
        %gather3A_251 = tpu.vector_load_idx %arg11[%add3A_158, %broadcast_in_dim3A_250] : memref<128x32xf32, #tpu.memory_space<vmem>>[vector<16xi32>, vector<16xi32>], vector<16xf32>,
        %mul3A_252 = arith.mulf %gather3A_251, %exp3A : vector<16xf32>
        tpu.vector_store_idx %arg13[%add3A_158, %broadcast_in_dim3A_250], %mul3A_252 : memref<128x40xf32, #tpu.memory_space<vmem>>[vector<16xi32>, vector<16xi32>], vector<16xf32>,
        %broadcast_in_dim3A_253 = arith.constant 20 : i32
        %broadcast_in_dim3A_254 = vector.broadcast %broadcast_in_dim3A_253 : i32 to vector<16xi32>
        %gather3A_255 = tpu.vector_load_idx %arg11[%add3A_158, %broadcast_in_dim3A_254] : memref<128x32xf32, #tpu.memory_space<vmem>>[vector<16xi32>, vector<16xi32>], vector<16xf32>,
        %mul3A_256 = arith.mulf %gather3A_255, %exp3A : vector<16xf32>
        tpu.vector_store_idx %arg13[%add3A_158, %broadcast_in_dim3A_254], %mul3A_256 : memref<128x40xf32, #tpu.memory_space<vmem>>[vector<16xi32>, vector<16xi32>], vector<16xf32>,
        %broadcast_in_dim3A_257 = arith.constant 21 : i32
        %broadcast_in_dim3A_258 = vector.broadcast %broadcast_in_dim3A_257 : i32 to vector<16xi32>
        %gather3A_259 = tpu.vector_load_idx %arg11[%add3A_158, %broadcast_in_dim3A_258] : memref<128x32xf32, #tpu.memory_space<vmem>>[vector<16xi32>, vector<16xi32>], vector<16xf32>,
        %mul3A_260 = arith.mulf %gather3A_259, %exp3A : vector<16xf32>
        tpu.vector_store_idx %arg13[%add3A_158, %broadcast_in_dim3A_258], %mul3A_260 : memref<128x40xf32, #tpu.memory_space<vmem>>[vector<16xi32>, vector<16xi32>], vector<16xf32>,
        %broadcast_in_dim3A_261 = arith.constant 22 : i32
        %broadcast_in_dim3A_262 = vector.broadcast %broadcast_in_dim3A_261 : i32 to vector<16xi32>
        %gather3A_263 = tpu.vector_load_idx %arg11[%add3A_158, %broadcast_in_dim3A_262] : memref<128x32xf32, #tpu.memory_space<vmem>>[vector<16xi32>, vector<16xi32>], vector<16xf32>,
        %mul3A_264 = arith.mulf %gather3A_263, %exp3A : vector<16xf32>
        tpu.vector_store_idx %arg13[%add3A_158, %broadcast_in_dim3A_262], %mul3A_264 : memref<128x40xf32, #tpu.memory_space<vmem>>[vector<16xi32>, vector<16xi32>], vector<16xf32>,
        %broadcast_in_dim3A_265 = arith.constant 23 : i32
        %broadcast_in_dim3A_266 = vector.broadcast %broadcast_in_dim3A_265 : i32 to vector<16xi32>
        %gather3A_267 = tpu.vector_load_idx %arg11[%add3A_158, %broadcast_in_dim3A_266] : memref<128x32xf32, #tpu.memory_space<vmem>>[vector<16xi32>, vector<16xi32>], vector<16xf32>,
        %mul3A_268 = arith.mulf %gather3A_267, %exp3A : vector<16xf32>
        tpu.vector_store_idx %arg13[%add3A_158, %broadcast_in_dim3A_266], %mul3A_268 : memref<128x40xf32, #tpu.memory_space<vmem>>[vector<16xi32>, vector<16xi32>], vector<16xf32>,
        %broadcast_in_dim3A_269 = arith.constant 24 : i32
        %broadcast_in_dim3A_270 = vector.broadcast %broadcast_in_dim3A_269 : i32 to vector<16xi32>
        %gather3A_271 = tpu.vector_load_idx %arg11[%add3A_158, %broadcast_in_dim3A_270] : memref<128x32xf32, #tpu.memory_space<vmem>>[vector<16xi32>, vector<16xi32>], vector<16xf32>,
        %mul3A_272 = arith.mulf %gather3A_271, %exp3A : vector<16xf32>
        tpu.vector_store_idx %arg13[%add3A_158, %broadcast_in_dim3A_270], %mul3A_272 : memref<128x40xf32, #tpu.memory_space<vmem>>[vector<16xi32>, vector<16xi32>], vector<16xf32>,
        %broadcast_in_dim3A_273 = arith.constant 25 : i32
        %broadcast_in_dim3A_274 = vector.broadcast %broadcast_in_dim3A_273 : i32 to vector<16xi32>
        %gather3A_275 = tpu.vector_load_idx %arg11[%add3A_158, %broadcast_in_dim3A_274] : memref<128x32xf32, #tpu.memory_space<vmem>>[vector<16xi32>, vector<16xi32>], vector<16xf32>,
        %mul3A_276 = arith.mulf %gather3A_275, %exp3A : vector<16xf32>
        tpu.vector_store_idx %arg13[%add3A_158, %broadcast_in_dim3A_274], %mul3A_276 : memref<128x40xf32, #tpu.memory_space<vmem>>[vector<16xi32>, vector<16xi32>], vector<16xf32>,
        %broadcast_in_dim3A_277 = arith.constant 26 : i32
        %broadcast_in_dim3A_278 = vector.broadcast %broadcast_in_dim3A_277 : i32 to vector<16xi32>
        %gather3A_279 = tpu.vector_load_idx %arg11[%add3A_158, %broadcast_in_dim3A_278] : memref<128x32xf32, #tpu.memory_space<vmem>>[vector<16xi32>, vector<16xi32>], vector<16xf32>,
        %mul3A_280 = arith.mulf %gather3A_279, %exp3A : vector<16xf32>
        tpu.vector_store_idx %arg13[%add3A_158, %broadcast_in_dim3A_278], %mul3A_280 : memref<128x40xf32, #tpu.memory_space<vmem>>[vector<16xi32>, vector<16xi32>], vector<16xf32>,
        %broadcast_in_dim3A_281 = arith.constant 27 : i32
        %broadcast_in_dim3A_282 = vector.broadcast %broadcast_in_dim3A_281 : i32 to vector<16xi32>
        %gather3A_283 = tpu.vector_load_idx %arg11[%add3A_158, %broadcast_in_dim3A_282] : memref<128x32xf32, #tpu.memory_space<vmem>>[vector<16xi32>, vector<16xi32>], vector<16xf32>,
        %mul3A_284 = arith.mulf %gather3A_283, %exp3A : vector<16xf32>
        tpu.vector_store_idx %arg13[%add3A_158, %broadcast_in_dim3A_282], %mul3A_284 : memref<128x40xf32, #tpu.memory_space<vmem>>[vector<16xi32>, vector<16xi32>], vector<16xf32>,
        %broadcast_in_dim3A_285 = arith.constant 28 : i32
        %broadcast_in_dim3A_286 = vector.broadcast %broadcast_in_dim3A_285 : i32 to vector<16xi32>
        %gather3A_287 = tpu.vector_load_idx %arg11[%add3A_158, %broadcast_in_dim3A_286] : memref<128x32xf32, #tpu.memory_space<vmem>>[vector<16xi32>, vector<16xi32>], vector<16xf32>,
        %mul3A_288 = arith.mulf %gather3A_287, %exp3A : vector<16xf32>
        tpu.vector_store_idx %arg13[%add3A_158, %broadcast_in_dim3A_286], %mul3A_288 : memref<128x40xf32, #tpu.memory_space<vmem>>[vector<16xi32>, vector<16xi32>], vector<16xf32>,
        %broadcast_in_dim3A_289 = arith.constant 29 : i32
        %broadcast_in_dim3A_290 = vector.broadcast %broadcast_in_dim3A_289 : i32 to vector<16xi32>
        %gather3A_291 = tpu.vector_load_idx %arg11[%add3A_158, %broadcast_in_dim3A_290] : memref<128x32xf32, #tpu.memory_space<vmem>>[vector<16xi32>, vector<16xi32>], vector<16xf32>,
        %mul3A_292 = arith.mulf %gather3A_291, %exp3A : vector<16xf32>
        tpu.vector_store_idx %arg13[%add3A_158, %broadcast_in_dim3A_290], %mul3A_292 : memref<128x40xf32, #tpu.memory_space<vmem>>[vector<16xi32>, vector<16xi32>], vector<16xf32>,
        %broadcast_in_dim3A_293 = arith.constant 30 : i32
        %broadcast_in_dim3A_294 = vector.broadcast %broadcast_in_dim3A_293 : i32 to vector<16xi32>
        %gather3A_295 = tpu.vector_load_idx %arg11[%add3A_158, %broadcast_in_dim3A_294] : memref<128x32xf32, #tpu.memory_space<vmem>>[vector<16xi32>, vector<16xi32>], vector<16xf32>,
        %mul3A_296 = arith.mulf %gather3A_295, %exp3A : vector<16xf32>
        tpu.vector_store_idx %arg13[%add3A_158, %broadcast_in_dim3A_294], %mul3A_296 : memref<128x40xf32, #tpu.memory_space<vmem>>[vector<16xi32>, vector<16xi32>], vector<16xf32>,
        %broadcast_in_dim3A_297 = arith.constant 31 : i32
        %broadcast_in_dim3A_298 = vector.broadcast %broadcast_in_dim3A_297 : i32 to vector<16xi32>
        %gather3A_299 = tpu.vector_load_idx %arg11[%add3A_158, %broadcast_in_dim3A_298] : memref<128x32xf32, #tpu.memory_space<vmem>>[vector<16xi32>, vector<16xi32>], vector<16xf32>,
        %mul3A_300 = arith.mulf %gather3A_299, %exp3A : vector<16xf32>
        tpu.vector_store_idx %arg13[%add3A_158, %broadcast_in_dim3A_298], %mul3A_300 : memref<128x40xf32, #tpu.memory_space<vmem>>[vector<16xi32>, vector<16xi32>], vector<16xf32>,
        %scan3A_301 = arith.constant 0 : i32
        scf.yield %scan3A_301 : i32
      }
      %scan3A_135 = arith.constant 8 : i32
      %dma_start3A_136 = arith.constant 0 : i32
      %dma_start3A_137 = tpu.memref_slice %arg9[%add3A_87, %dma_start3A_136] : memref<82x128xi32, #tpu.memory_space<vmem>> -> memref<1x128xi32, #tpu.memory_space<vmem>>
      %dma_start3A_138 = tpu.memref_squeeze %dma_start3A_137 : memref<1x128xi32, #tpu.memory_space<vmem>> -> memref<128xi32, #tpu.memory_space<vmem>>
      %dma_start3A_139 = arith.constant 0 : i32
      %dma_start3A_140 = arith.constant 0 : i32
      %dma_start3A_141 = tpu.memref_slice %arg16[%dma_start3A_139, %dma_start3A_140] : memref<10240x40xf32, #tpu.memory_space<vmem_shared>> -> memref<10240x40xf32, #tpu.memory_space<vmem_shared>>
      tpu.enqueue_indirect_dma source(%arg13 : memref<128x40xf32, #tpu.memory_space<vmem>>) target(%dma_start3A_141 : memref<10240x40xf32, #tpu.memory_space<vmem_shared>>) offsets(%dma_start3A_138 : memref<128xi32, #tpu.memory_space<vmem>>) semaphore(%arg20 : memref<!tpu.dma_semaphore, #tpu.memory_space<semaphore_mem>>) {add = true}
      %add3A_142 = arith.constant 2 : i32
      %add3A_143 = arith.addi %add3A_87, %add3A_142 : i32
      %min3A_144 = arith.constant 81 : i32
      %min3A_145 = arith.minsi %add3A_143, %min3A_144 : i32
      %dma_start3A_146 = arith.constant 0 : i32
      %dma_start3A_147 = tpu.memref_slice %arg8[%min3A_145, %dma_start3A_146] : memref<82x128xi32, #tpu.memory_space<vmem>> -> memref<1x128xi32, #tpu.memory_space<vmem>>
      %dma_start3A_148 = tpu.memref_squeeze %dma_start3A_147 : memref<1x128xi32, #tpu.memory_space<vmem>> -> memref<128xi32, #tpu.memory_space<vmem>>
      %dma_start3A_149 = arith.constant 0 : i32
      %dma_start3A_150 = arith.constant 0 : i32
      %dma_start3A_151 = tpu.memref_slice %arg2[%dma_start3A_149, %dma_start3A_150] : memref<10016x32xf32, #tpu.memory_space<hbm>> -> memref<10016x32xf32, #tpu.memory_space<hbm>>
      tpu.enqueue_indirect_dma source(%dma_start3A_151 : memref<10016x32xf32, #tpu.memory_space<hbm>>) target(%arg11 : memref<128x32xf32, #tpu.memory_space<vmem>>) offsets(%dma_start3A_148 : memref<128xi32, #tpu.memory_space<vmem>>) semaphore(%arg18 : memref<!tpu.dma_semaphore, #tpu.memory_space<semaphore_mem>>)
      %scan3A_152 = arith.constant 0 : i32
      scf.yield %scan3A_152 : i32
    }
    %scan3A_47 = arith.constant 41 : i32
    %dma_wait3A = arith.constant 0 : i32
    %dma_wait3A_48 = arith.constant 0 : i32
    %dma_wait3A_49 = tpu.memref_slice %arg9[%dma_wait3A, %dma_wait3A_48] : memref<82x128xi32, #tpu.memory_space<vmem>> -> memref<1x128xi32, #tpu.memory_space<vmem>>
    %dma_wait3A_50 = tpu.memref_squeeze %dma_wait3A_49 : memref<1x128xi32, #tpu.memory_space<vmem>> -> memref<128xi32, #tpu.memory_space<vmem>>
    %dma_wait3A_51 = arith.constant 0 : i32
    %dma_wait3A_52 = arith.constant 0 : i32
    %dma_wait3A_53 = tpu.memref_slice %arg16[%dma_wait3A_51, %dma_wait3A_52] : memref<10240x40xf32, #tpu.memory_space<vmem_shared>> -> memref<10240x40xf32, #tpu.memory_space<vmem_shared>>
    tpu.wait_indirect_dma semaphore(%arg19 : memref<!tpu.dma_semaphore, #tpu.memory_space<semaphore_mem>>) src(%arg12 : memref<128x40xf32, #tpu.memory_space<vmem>>) dst(%dma_wait3A_53 : memref<10240x40xf32, #tpu.memory_space<vmem_shared>>)
    %dma_wait3A_54 = arith.constant 0 : i32
    %dma_wait3A_55 = arith.constant 0 : i32
    %dma_wait3A_56 = tpu.memref_slice %arg9[%dma_wait3A_54, %dma_wait3A_55] : memref<82x128xi32, #tpu.memory_space<vmem>> -> memref<1x128xi32, #tpu.memory_space<vmem>>
    %dma_wait3A_57 = tpu.memref_squeeze %dma_wait3A_56 : memref<1x128xi32, #tpu.memory_space<vmem>> -> memref<128xi32, #tpu.memory_space<vmem>>
    %dma_wait3A_58 = arith.constant 0 : i32
    %dma_wait3A_59 = arith.constant 0 : i32
    %dma_wait3A_60 = tpu.memref_slice %arg16[%dma_wait3A_58, %dma_wait3A_59] : memref<10240x40xf32, #tpu.memory_space<vmem_shared>> -> memref<10240x40xf32, #tpu.memory_space<vmem_shared>>
    tpu.wait_indirect_dma semaphore(%arg20 : memref<!tpu.dma_semaphore, #tpu.memory_space<semaphore_mem>>) src(%arg13 : memref<128x40xf32, #tpu.memory_space<vmem>>) dst(%dma_wait3A_60 : memref<10240x40xf32, #tpu.memory_space<vmem_shared>>)
    %dma_wait3A_61 = arith.constant 0 : i32
    %dma_wait3A_62 = arith.constant 0 : i32
    %dma_wait3A_63 = tpu.memref_slice %arg8[%dma_wait3A_61, %dma_wait3A_62] : memref<82x128xi32, #tpu.memory_space<vmem>> -> memref<1x128xi32, #tpu.memory_space<vmem>>
    %dma_wait3A_64 = tpu.memref_squeeze %dma_wait3A_63 : memref<1x128xi32, #tpu.memory_space<vmem>> -> memref<128xi32, #tpu.memory_space<vmem>>
    %dma_wait3A_65 = arith.constant 0 : i32
    %dma_wait3A_66 = arith.constant 0 : i32
    %dma_wait3A_67 = tpu.memref_slice %arg2[%dma_wait3A_65, %dma_wait3A_66] : memref<10016x32xf32, #tpu.memory_space<hbm>> -> memref<10016x32xf32, #tpu.memory_space<hbm>>
    tpu.wait_indirect_dma semaphore(%arg17 : memref<!tpu.dma_semaphore, #tpu.memory_space<semaphore_mem>>) src(%dma_wait3A_67 : memref<10016x32xf32, #tpu.memory_space<hbm>>) dst(%arg10 : memref<128x32xf32, #tpu.memory_space<vmem>>)
    %dma_wait3A_68 = arith.constant 0 : i32
    %dma_wait3A_69 = arith.constant 0 : i32
    %dma_wait3A_70 = tpu.memref_slice %arg8[%dma_wait3A_68, %dma_wait3A_69] : memref<82x128xi32, #tpu.memory_space<vmem>> -> memref<1x128xi32, #tpu.memory_space<vmem>>
    %dma_wait3A_71 = tpu.memref_squeeze %dma_wait3A_70 : memref<1x128xi32, #tpu.memory_space<vmem>> -> memref<128xi32, #tpu.memory_space<vmem>>
    %dma_wait3A_72 = arith.constant 0 : i32
    %dma_wait3A_73 = arith.constant 0 : i32
    %dma_wait3A_74 = tpu.memref_slice %arg2[%dma_wait3A_72, %dma_wait3A_73] : memref<10016x32xf32, #tpu.memory_space<hbm>> -> memref<10016x32xf32, #tpu.memory_space<hbm>>
    tpu.wait_indirect_dma semaphore(%arg18 : memref<!tpu.dma_semaphore, #tpu.memory_space<semaphore_mem>>) src(%dma_wait3A_74 : memref<10016x32xf32, #tpu.memory_space<hbm>>) dst(%arg11 : memref<128x32xf32, #tpu.memory_space<vmem>>)
    %barrier3A_75 = arith.constant 0 : index
    tpu.barrier barrier_id(%barrier3A_75)
    %mul3A_76 = arith.constant 640 : i32
    %mul3A_77 = arith.muli %arg1, %mul3A_76 : i32
    %mul3A_78 = arith.constant 640 : i32
    %mul3A_79 = arith.muli %arg1, %mul3A_78 : i32
    "tpu.region"() ({
      %run_scoped3A = tpu.sem_alloc : memref<!tpu.dma_semaphore, #tpu.memory_space<semaphore_mem>>
      %dma_start3A_80 = arith.constant 0 : i32
      %dma_start3A_81 = arith.constant 0 : i32
      %dma_start3A_82 = tpu.memref_slice %arg7[%arg0, %dma_start3A_80, %dma_start3A_81] : memref<2x10240x40xf32, #tpu.memory_space<hbm>> -> memref<1x10240x40xf32, #tpu.memory_space<hbm>>
      %dma_start3A_83 = tpu.memref_squeeze %dma_start3A_82 : memref<1x10240x40xf32, #tpu.memory_space<hbm>> -> memref<10240x40xf32, #tpu.memory_space<hbm>>
      %dma_start3A_84 = arith.constant 0 : i32
      %dma_start3A_85 = tpu.memref_slice %dma_start3A_83[%mul3A_79, %dma_start3A_84] : memref<10240x40xf32, #tpu.memory_space<hbm>> -> memref<640x40xf32, #tpu.memory_space<hbm>>
      %dma_start3A_86 = arith.constant 0 : i32
      %dma_start3A_87 = tpu.memref_slice %arg16[%mul3A_77, %dma_start3A_86] : memref<10240x40xf32, #tpu.memory_space<vmem_shared>> -> memref<640x40xf32, #tpu.memory_space<vmem_shared>>
      tpu.enqueue_dma source(%dma_start3A_87 : memref<640x40xf32, #tpu.memory_space<vmem_shared>>) target(%dma_start3A_85 : memref<640x40xf32, #tpu.memory_space<hbm>>) target_semaphore(%run_scoped3A : memref<!tpu.dma_semaphore, #tpu.memory_space<semaphore_mem>>)
      %dma_wait3A_88 = arith.constant 0 : i32
      %dma_wait3A_89 = arith.constant 0 : i32
      %dma_wait3A_90 = tpu.memref_slice %arg7[%arg0, %dma_wait3A_88, %dma_wait3A_89] : memref<2x10240x40xf32, #tpu.memory_space<hbm>> -> memref<1x10240x40xf32, #tpu.memory_space<hbm>>
      %dma_wait3A_91 = tpu.memref_squeeze %dma_wait3A_90 : memref<1x10240x40xf32, #tpu.memory_space<hbm>> -> memref<10240x40xf32, #tpu.memory_space<hbm>>
      %dma_wait3A_92 = arith.constant 0 : i32
      %dma_wait3A_93 = tpu.memref_slice %dma_wait3A_91[%mul3A_79, %dma_wait3A_92] : memref<10240x40xf32, #tpu.memory_space<hbm>> -> memref<640x40xf32, #tpu.memory_space<hbm>>
      %dma_wait3A_94 = arith.constant 0 : i32
      %dma_wait3A_95 = tpu.memref_slice %arg16[%mul3A_77, %dma_wait3A_94] : memref<10240x40xf32, #tpu.memory_space<vmem_shared>> -> memref<640x40xf32, #tpu.memory_space<vmem_shared>>
      tpu.wait_dma2 semaphore(%run_scoped3A : memref<!tpu.dma_semaphore, #tpu.memory_space<semaphore_mem>>) src(%dma_wait3A_95 : memref<640x40xf32, #tpu.memory_space<vmem_shared>>) dst(%dma_wait3A_93 : memref<640x40xf32, #tpu.memory_space<hbm>>)
      tpu.yield
    }) : () -> ()
    return
  }
}

#map = affine_map<(d0, d1) -> (0, 0)>
#map1 = affine_map<(d0, d1) -> (0, 0, 0)>
module attributes {stable_mosaic.version = 14 : i64} {
  func.func @_edge1_body(%arg0: i32, %arg1: i32, %arg2: memref<10016x72xf32, #tpu.memory_space<hbm>>, %arg3: memref<10016x8xf32, #tpu.memory_space<hbm>>, %arg4: memref<32x82x128xi32, #tpu.memory_space<hbm>>, %arg5: memref<32x82x128xi32, #tpu.memory_space<hbm>>, %arg6: memref<2x10240x72xf32, #tpu.memory_space<hbm>>, %arg7: memref<82x128xi32, #tpu.memory_space<vmem>>, %arg8: memref<82x128xi32, #tpu.memory_space<vmem>>, %arg9: memref<128x72xf32, #tpu.memory_space<vmem>>, %arg10: memref<128x72xf32, #tpu.memory_space<vmem>>, %arg11: memref<128x8xf32, #tpu.memory_space<vmem>>, %arg12: memref<128x8xf32, #tpu.memory_space<vmem>>, %arg13: memref<128x72xf32, #tpu.memory_space<vmem>>, %arg14: memref<128x72xf32, #tpu.memory_space<vmem>>, %arg15: memref<10240x72xf32, #tpu.memory_space<vmem_shared>>, %arg16: memref<!tpu.dma_semaphore, #tpu.memory_space<semaphore_mem>>, %arg17: memref<!tpu.dma_semaphore, #tpu.memory_space<semaphore_mem>>, %arg18: memref<!tpu.dma_semaphore, #tpu.memory_space<semaphore_mem>>, %arg19: memref<!tpu.dma_semaphore, #tpu.memory_space<semaphore_mem>>) attributes {dimension_semantics = [#tpu.dimension_semantics<core_parallel>, #tpu.dimension_semantics<subcore_parallel>], iteration_bounds = array<i64: 2, 16>, scalar_prefetch = 0 : i64, scratch_operands = 13 : i64, tpu.core_type = #tpu.core_type<sc_vector_subcore>, window_params = [{transform_indices = #map}, {transform_indices = #map}, {transform_indices = #map1}, {transform_indices = #map1}, {transform_indices = #map1}]} {
    %mul3A = arith.constant 2 : i32
    %mul3A_0 = arith.muli %arg1, %mul3A : i32
    %add3A = arith.addi %mul3A_0, %arg0 : i32
    "tpu.region"() ({
      %run_scoped3A = tpu.sem_alloc : memref<!tpu.dma_semaphore, #tpu.memory_space<semaphore_mem>>
      %dma_start3A_108 = arith.constant 0 : i32
      %dma_start3A_109 = arith.constant 0 : i32
      %dma_start3A_110 = tpu.memref_slice %arg4[%add3A, %dma_start3A_108, %dma_start3A_109] : memref<32x82x128xi32, #tpu.memory_space<hbm>> -> memref<1x82x128xi32, #tpu.memory_space<hbm>>
      %dma_start3A_111 = tpu.memref_squeeze %dma_start3A_110 : memref<1x82x128xi32, #tpu.memory_space<hbm>> -> memref<82x128xi32, #tpu.memory_space<hbm>>
      %dma_start3A_112 = arith.constant 0 : i32
      %dma_start3A_113 = arith.constant 0 : i32
      %dma_start3A_114 = tpu.memref_slice %arg4[%add3A, %dma_start3A_112, %dma_start3A_113] : memref<32x82x128xi32, #tpu.memory_space<hbm>> -> memref<1x82x128xi32, #tpu.memory_space<hbm>>
      %dma_start3A_115 = tpu.memref_squeeze %dma_start3A_114 : memref<1x82x128xi32, #tpu.memory_space<hbm>> -> memref<82x128xi32, #tpu.memory_space<hbm>>
      tpu.enqueue_dma source(%dma_start3A_115 : memref<82x128xi32, #tpu.memory_space<hbm>>) target(%arg7 : memref<82x128xi32, #tpu.memory_space<vmem>>) target_semaphore(%run_scoped3A : memref<!tpu.dma_semaphore, #tpu.memory_space<semaphore_mem>>)
      %dma_wait3A_116 = arith.constant 0 : i32
      %dma_wait3A_117 = arith.constant 0 : i32
      %dma_wait3A_118 = tpu.memref_slice %arg4[%add3A, %dma_wait3A_116, %dma_wait3A_117] : memref<32x82x128xi32, #tpu.memory_space<hbm>> -> memref<1x82x128xi32, #tpu.memory_space<hbm>>
      %dma_wait3A_119 = tpu.memref_squeeze %dma_wait3A_118 : memref<1x82x128xi32, #tpu.memory_space<hbm>> -> memref<82x128xi32, #tpu.memory_space<hbm>>
      %dma_wait3A_120 = arith.constant 0 : i32
      %dma_wait3A_121 = arith.constant 0 : i32
      %dma_wait3A_122 = tpu.memref_slice %arg4[%add3A, %dma_wait3A_120, %dma_wait3A_121] : memref<32x82x128xi32, #tpu.memory_space<hbm>> -> memref<1x82x128xi32, #tpu.memory_space<hbm>>
      %dma_wait3A_123 = tpu.memref_squeeze %dma_wait3A_122 : memref<1x82x128xi32, #tpu.memory_space<hbm>> -> memref<82x128xi32, #tpu.memory_space<hbm>>
      tpu.wait_dma2 semaphore(%run_scoped3A : memref<!tpu.dma_semaphore, #tpu.memory_space<semaphore_mem>>) src(%dma_wait3A_123 : memref<82x128xi32, #tpu.memory_space<hbm>>) dst(%arg7 : memref<82x128xi32, #tpu.memory_space<vmem>>)
      tpu.yield
    }) : () -> ()
    "tpu.region"() ({
      %run_scoped3A = tpu.sem_alloc : memref<!tpu.dma_semaphore, #tpu.memory_space<semaphore_mem>>
      %dma_start3A_108 = arith.constant 0 : i32
      %dma_start3A_109 = arith.constant 0 : i32
      %dma_start3A_110 = tpu.memref_slice %arg5[%add3A, %dma_start3A_108, %dma_start3A_109] : memref<32x82x128xi32, #tpu.memory_space<hbm>> -> memref<1x82x128xi32, #tpu.memory_space<hbm>>
      %dma_start3A_111 = tpu.memref_squeeze %dma_start3A_110 : memref<1x82x128xi32, #tpu.memory_space<hbm>> -> memref<82x128xi32, #tpu.memory_space<hbm>>
      %dma_start3A_112 = arith.constant 0 : i32
      %dma_start3A_113 = arith.constant 0 : i32
      %dma_start3A_114 = tpu.memref_slice %arg5[%add3A, %dma_start3A_112, %dma_start3A_113] : memref<32x82x128xi32, #tpu.memory_space<hbm>> -> memref<1x82x128xi32, #tpu.memory_space<hbm>>
      %dma_start3A_115 = tpu.memref_squeeze %dma_start3A_114 : memref<1x82x128xi32, #tpu.memory_space<hbm>> -> memref<82x128xi32, #tpu.memory_space<hbm>>
      tpu.enqueue_dma source(%dma_start3A_115 : memref<82x128xi32, #tpu.memory_space<hbm>>) target(%arg8 : memref<82x128xi32, #tpu.memory_space<vmem>>) target_semaphore(%run_scoped3A : memref<!tpu.dma_semaphore, #tpu.memory_space<semaphore_mem>>)
      %dma_wait3A_116 = arith.constant 0 : i32
      %dma_wait3A_117 = arith.constant 0 : i32
      %dma_wait3A_118 = tpu.memref_slice %arg5[%add3A, %dma_wait3A_116, %dma_wait3A_117] : memref<32x82x128xi32, #tpu.memory_space<hbm>> -> memref<1x82x128xi32, #tpu.memory_space<hbm>>
      %dma_wait3A_119 = tpu.memref_squeeze %dma_wait3A_118 : memref<1x82x128xi32, #tpu.memory_space<hbm>> -> memref<82x128xi32, #tpu.memory_space<hbm>>
      %dma_wait3A_120 = arith.constant 0 : i32
      %dma_wait3A_121 = arith.constant 0 : i32
      %dma_wait3A_122 = tpu.memref_slice %arg5[%add3A, %dma_wait3A_120, %dma_wait3A_121] : memref<32x82x128xi32, #tpu.memory_space<hbm>> -> memref<1x82x128xi32, #tpu.memory_space<hbm>>
      %dma_wait3A_123 = tpu.memref_squeeze %dma_wait3A_122 : memref<1x82x128xi32, #tpu.memory_space<hbm>> -> memref<82x128xi32, #tpu.memory_space<hbm>>
      tpu.wait_dma2 semaphore(%run_scoped3A : memref<!tpu.dma_semaphore, #tpu.memory_space<semaphore_mem>>) src(%dma_wait3A_123 : memref<82x128xi32, #tpu.memory_space<hbm>>) dst(%arg8 : memref<82x128xi32, #tpu.memory_space<vmem>>)
      tpu.yield
    }) : () -> ()
    %broadcast_in_dim3A = arith.constant 0.000000e+00 : f32
    %broadcast_in_dim3A_1 = vector.broadcast %broadcast_in_dim3A : f32 to vector<16xf32>
    %scan3A = arith.constant 0 : i32
    %scan3A_2 = arith.constant 0 : i32
    %scan3A_3 = arith.constant 128 : i32
    %scan3A_4 = arith.addi %scan3A_2, %scan3A_3 : i32
    %scan3A_5 = arith.constant 1 : i32
    %scan3A_6 = scf.for %scan3A_108 = %scan3A_2 to %scan3A_4 step %scan3A_5 iter_args(%scan3A_109 = %scan3A) -> (i32)  : i32 {
      %swap3A = arith.index_cast %scan3A_108 : i32 to index
      %swap3A_110 = arith.constant 0 : index
      %swap3A_111 = tpu.vector_load %arg13[%swap3A, %swap3A_110] {strides = array<i32>} : memref<128x72xf32, #tpu.memory_space<vmem>>, vector<16xf32>,
      tpu.vector_store %arg13[%swap3A, %swap3A_110], %broadcast_in_dim3A_1 {strides = array<i32>} : memref<128x72xf32, #tpu.memory_space<vmem>>, vector<16xf32>,
      %swap3A_112 = arith.index_cast %scan3A_108 : i32 to index
      %swap3A_113 = arith.constant 16 : index
      %swap3A_114 = tpu.vector_load %arg13[%swap3A_112, %swap3A_113] {strides = array<i32>} : memref<128x72xf32, #tpu.memory_space<vmem>>, vector<16xf32>,
      tpu.vector_store %arg13[%swap3A_112, %swap3A_113], %broadcast_in_dim3A_1 {strides = array<i32>} : memref<128x72xf32, #tpu.memory_space<vmem>>, vector<16xf32>,
      %swap3A_115 = arith.index_cast %scan3A_108 : i32 to index
      %swap3A_116 = arith.constant 32 : index
      %swap3A_117 = tpu.vector_load %arg13[%swap3A_115, %swap3A_116] {strides = array<i32>} : memref<128x72xf32, #tpu.memory_space<vmem>>, vector<16xf32>,
      tpu.vector_store %arg13[%swap3A_115, %swap3A_116], %broadcast_in_dim3A_1 {strides = array<i32>} : memref<128x72xf32, #tpu.memory_space<vmem>>, vector<16xf32>,
      %swap3A_118 = arith.index_cast %scan3A_108 : i32 to index
      %swap3A_119 = arith.constant 48 : index
      %swap3A_120 = tpu.vector_load %arg13[%swap3A_118, %swap3A_119] {strides = array<i32>} : memref<128x72xf32, #tpu.memory_space<vmem>>, vector<16xf32>,
      tpu.vector_store %arg13[%swap3A_118, %swap3A_119], %broadcast_in_dim3A_1 {strides = array<i32>} : memref<128x72xf32, #tpu.memory_space<vmem>>, vector<16xf32>,
      %swap3A_121 = arith.index_cast %scan3A_108 : i32 to index
      %swap3A_122 = arith.constant 56 : index
      %swap3A_123 = tpu.vector_load %arg13[%swap3A_121, %swap3A_122] {strides = array<i32>} : memref<128x72xf32, #tpu.memory_space<vmem>>, vector<16xf32>,
      tpu.vector_store %arg13[%swap3A_121, %swap3A_122], %broadcast_in_dim3A_1 {strides = array<i32>} : memref<128x72xf32, #tpu.memory_space<vmem>>, vector<16xf32>,
      %scan3A_124 = arith.constant 0 : i32
      scf.yield %scan3A_124 : i32
    }
    %scan3A_7 = arith.constant 128 : i32
    %mul3A_8 = arith.constant 640 : i32
    %mul3A_9 = arith.muli %arg1, %mul3A_8 : i32
    %add3A_10 = arith.constant 0 : i32
    %add3A_11 = arith.addi %mul3A_9, %add3A_10 : i32
    "tpu.region"() ({
      %run_scoped3A = tpu.sem_alloc : memref<!tpu.dma_semaphore, #tpu.memory_space<semaphore_mem>>
      %dma_start3A_108 = arith.constant 0 : i32
      %dma_start3A_109 = tpu.memref_slice %arg15[%add3A_11, %dma_start3A_108] : memref<10240x72xf32, #tpu.memory_space<vmem_shared>> -> memref<128x72xf32, #tpu.memory_space<vmem_shared>>
      %dma_start3A_110 = arith.constant 0 : i32
      %dma_start3A_111 = tpu.memref_slice %arg15[%add3A_11, %dma_start3A_110] : memref<10240x72xf32, #tpu.memory_space<vmem_shared>> -> memref<128x72xf32, #tpu.memory_space<vmem_shared>>
      tpu.enqueue_dma source(%arg13 : memref<128x72xf32, #tpu.memory_space<vmem>>) target(%dma_start3A_111 : memref<128x72xf32, #tpu.memory_space<vmem_shared>>) target_semaphore(%run_scoped3A : memref<!tpu.dma_semaphore, #tpu.memory_space<semaphore_mem>>)
      %dma_wait3A_112 = arith.constant 0 : i32
      %dma_wait3A_113 = tpu.memref_slice %arg15[%add3A_11, %dma_wait3A_112] : memref<10240x72xf32, #tpu.memory_space<vmem_shared>> -> memref<128x72xf32, #tpu.memory_space<vmem_shared>>
      %dma_wait3A_114 = arith.constant 0 : i32
      %dma_wait3A_115 = tpu.memref_slice %arg15[%add3A_11, %dma_wait3A_114] : memref<10240x72xf32, #tpu.memory_space<vmem_shared>> -> memref<128x72xf32, #tpu.memory_space<vmem_shared>>
      tpu.wait_dma2 semaphore(%run_scoped3A : memref<!tpu.dma_semaphore, #tpu.memory_space<semaphore_mem>>) src(%arg13 : memref<128x72xf32, #tpu.memory_space<vmem>>) dst(%dma_wait3A_115 : memref<128x72xf32, #tpu.memory_space<vmem_shared>>)
      tpu.yield
    }) : () -> ()
    %mul3A_12 = arith.constant 640 : i32
    %mul3A_13 = arith.muli %arg1, %mul3A_12 : i32
    %add3A_14 = arith.constant 128 : i32
    %add3A_15 = arith.addi %mul3A_13, %add3A_14 : i32
    "tpu.region"() ({
      %run_scoped3A = tpu.sem_alloc : memref<!tpu.dma_semaphore, #tpu.memory_space<semaphore_mem>>
      %dma_start3A_108 = arith.constant 0 : i32
      %dma_start3A_109 = tpu.memref_slice %arg15[%add3A_15, %dma_start3A_108] : memref<10240x72xf32, #tpu.memory_space<vmem_shared>> -> memref<128x72xf32, #tpu.memory_space<vmem_shared>>
      %dma_start3A_110 = arith.constant 0 : i32
      %dma_start3A_111 = tpu.memref_slice %arg15[%add3A_15, %dma_start3A_110] : memref<10240x72xf32, #tpu.memory_space<vmem_shared>> -> memref<128x72xf32, #tpu.memory_space<vmem_shared>>
      tpu.enqueue_dma source(%arg13 : memref<128x72xf32, #tpu.memory_space<vmem>>) target(%dma_start3A_111 : memref<128x72xf32, #tpu.memory_space<vmem_shared>>) target_semaphore(%run_scoped3A : memref<!tpu.dma_semaphore, #tpu.memory_space<semaphore_mem>>)
      %dma_wait3A_112 = arith.constant 0 : i32
      %dma_wait3A_113 = tpu.memref_slice %arg15[%add3A_15, %dma_wait3A_112] : memref<10240x72xf32, #tpu.memory_space<vmem_shared>> -> memref<128x72xf32, #tpu.memory_space<vmem_shared>>
      %dma_wait3A_114 = arith.constant 0 : i32
      %dma_wait3A_115 = tpu.memref_slice %arg15[%add3A_15, %dma_wait3A_114] : memref<10240x72xf32, #tpu.memory_space<vmem_shared>> -> memref<128x72xf32, #tpu.memory_space<vmem_shared>>
      tpu.wait_dma2 semaphore(%run_scoped3A : memref<!tpu.dma_semaphore, #tpu.memory_space<semaphore_mem>>) src(%arg13 : memref<128x72xf32, #tpu.memory_space<vmem>>) dst(%dma_wait3A_115 : memref<128x72xf32, #tpu.memory_space<vmem_shared>>)
      tpu.yield
    }) : () -> ()
    %mul3A_16 = arith.constant 640 : i32
    %mul3A_17 = arith.muli %arg1, %mul3A_16 : i32
    %add3A_18 = arith.constant 256 : i32
    %add3A_19 = arith.addi %mul3A_17, %add3A_18 : i32
    "tpu.region"() ({
      %run_scoped3A = tpu.sem_alloc : memref<!tpu.dma_semaphore, #tpu.memory_space<semaphore_mem>>
      %dma_start3A_108 = arith.constant 0 : i32
      %dma_start3A_109 = tpu.memref_slice %arg15[%add3A_19, %dma_start3A_108] : memref<10240x72xf32, #tpu.memory_space<vmem_shared>> -> memref<128x72xf32, #tpu.memory_space<vmem_shared>>
      %dma_start3A_110 = arith.constant 0 : i32
      %dma_start3A_111 = tpu.memref_slice %arg15[%add3A_19, %dma_start3A_110] : memref<10240x72xf32, #tpu.memory_space<vmem_shared>> -> memref<128x72xf32, #tpu.memory_space<vmem_shared>>
      tpu.enqueue_dma source(%arg13 : memref<128x72xf32, #tpu.memory_space<vmem>>) target(%dma_start3A_111 : memref<128x72xf32, #tpu.memory_space<vmem_shared>>) target_semaphore(%run_scoped3A : memref<!tpu.dma_semaphore, #tpu.memory_space<semaphore_mem>>)
      %dma_wait3A_112 = arith.constant 0 : i32
      %dma_wait3A_113 = tpu.memref_slice %arg15[%add3A_19, %dma_wait3A_112] : memref<10240x72xf32, #tpu.memory_space<vmem_shared>> -> memref<128x72xf32, #tpu.memory_space<vmem_shared>>
      %dma_wait3A_114 = arith.constant 0 : i32
      %dma_wait3A_115 = tpu.memref_slice %arg15[%add3A_19, %dma_wait3A_114] : memref<10240x72xf32, #tpu.memory_space<vmem_shared>> -> memref<128x72xf32, #tpu.memory_space<vmem_shared>>
      tpu.wait_dma2 semaphore(%run_scoped3A : memref<!tpu.dma_semaphore, #tpu.memory_space<semaphore_mem>>) src(%arg13 : memref<128x72xf32, #tpu.memory_space<vmem>>) dst(%dma_wait3A_115 : memref<128x72xf32, #tpu.memory_space<vmem_shared>>)
      tpu.yield
    }) : () -> ()
    %mul3A_20 = arith.constant 640 : i32
    %mul3A_21 = arith.muli %arg1, %mul3A_20 : i32
    %add3A_22 = arith.constant 384 : i32
    %add3A_23 = arith.addi %mul3A_21, %add3A_22 : i32
    "tpu.region"() ({
      %run_scoped3A = tpu.sem_alloc : memref<!tpu.dma_semaphore, #tpu.memory_space<semaphore_mem>>
      %dma_start3A_108 = arith.constant 0 : i32
      %dma_start3A_109 = tpu.memref_slice %arg15[%add3A_23, %dma_start3A_108] : memref<10240x72xf32, #tpu.memory_space<vmem_shared>> -> memref<128x72xf32, #tpu.memory_space<vmem_shared>>
      %dma_start3A_110 = arith.constant 0 : i32
      %dma_start3A_111 = tpu.memref_slice %arg15[%add3A_23, %dma_start3A_110] : memref<10240x72xf32, #tpu.memory_space<vmem_shared>> -> memref<128x72xf32, #tpu.memory_space<vmem_shared>>
      tpu.enqueue_dma source(%arg13 : memref<128x72xf32, #tpu.memory_space<vmem>>) target(%dma_start3A_111 : memref<128x72xf32, #tpu.memory_space<vmem_shared>>) target_semaphore(%run_scoped3A : memref<!tpu.dma_semaphore, #tpu.memory_space<semaphore_mem>>)
      %dma_wait3A_112 = arith.constant 0 : i32
      %dma_wait3A_113 = tpu.memref_slice %arg15[%add3A_23, %dma_wait3A_112] : memref<10240x72xf32, #tpu.memory_space<vmem_shared>> -> memref<128x72xf32, #tpu.memory_space<vmem_shared>>
      %dma_wait3A_114 = arith.constant 0 : i32
      %dma_wait3A_115 = tpu.memref_slice %arg15[%add3A_23, %dma_wait3A_114] : memref<10240x72xf32, #tpu.memory_space<vmem_shared>> -> memref<128x72xf32, #tpu.memory_space<vmem_shared>>
      tpu.wait_dma2 semaphore(%run_scoped3A : memref<!tpu.dma_semaphore, #tpu.memory_space<semaphore_mem>>) src(%arg13 : memref<128x72xf32, #tpu.memory_space<vmem>>) dst(%dma_wait3A_115 : memref<128x72xf32, #tpu.memory_space<vmem_shared>>)
      tpu.yield
    }) : () -> ()
    %mul3A_24 = arith.constant 640 : i32
    %mul3A_25 = arith.muli %arg1, %mul3A_24 : i32
    %add3A_26 = arith.constant 512 : i32
    %add3A_27 = arith.addi %mul3A_25, %add3A_26 : i32
    "tpu.region"() ({
      %run_scoped3A = tpu.sem_alloc : memref<!tpu.dma_semaphore, #tpu.memory_space<semaphore_mem>>
      %dma_start3A_108 = arith.constant 0 : i32
      %dma_start3A_109 = tpu.memref_slice %arg15[%add3A_27, %dma_start3A_108] : memref<10240x72xf32, #tpu.memory_space<vmem_shared>> -> memref<128x72xf32, #tpu.memory_space<vmem_shared>>
      %dma_start3A_110 = arith.constant 0 : i32
      %dma_start3A_111 = tpu.memref_slice %arg15[%add3A_27, %dma_start3A_110] : memref<10240x72xf32, #tpu.memory_space<vmem_shared>> -> memref<128x72xf32, #tpu.memory_space<vmem_shared>>
      tpu.enqueue_dma source(%arg13 : memref<128x72xf32, #tpu.memory_space<vmem>>) target(%dma_start3A_111 : memref<128x72xf32, #tpu.memory_space<vmem_shared>>) target_semaphore(%run_scoped3A : memref<!tpu.dma_semaphore, #tpu.memory_space<semaphore_mem>>)
      %dma_wait3A_112 = arith.constant 0 : i32
      %dma_wait3A_113 = tpu.memref_slice %arg15[%add3A_27, %dma_wait3A_112] : memref<10240x72xf32, #tpu.memory_space<vmem_shared>> -> memref<128x72xf32, #tpu.memory_space<vmem_shared>>
      %dma_wait3A_114 = arith.constant 0 : i32
      %dma_wait3A_115 = tpu.memref_slice %arg15[%add3A_27, %dma_wait3A_114] : memref<10240x72xf32, #tpu.memory_space<vmem_shared>> -> memref<128x72xf32, #tpu.memory_space<vmem_shared>>
      tpu.wait_dma2 semaphore(%run_scoped3A : memref<!tpu.dma_semaphore, #tpu.memory_space<semaphore_mem>>) src(%arg13 : memref<128x72xf32, #tpu.memory_space<vmem>>) dst(%dma_wait3A_115 : memref<128x72xf32, #tpu.memory_space<vmem_shared>>)
      tpu.yield
    }) : () -> ()
    %barrier3A = arith.constant 0 : index
    tpu.barrier barrier_id(%barrier3A)
    %iota3A = tpu.iota {dimensions = array<i32: 0>} : vector<16xi32>
    %dma_start3A = arith.constant 0 : i32
    %dma_start3A_28 = arith.constant 0 : i32
    %dma_start3A_29 = tpu.memref_slice %arg7[%dma_start3A, %dma_start3A_28] : memref<82x128xi32, #tpu.memory_space<vmem>> -> memref<1x128xi32, #tpu.memory_space<vmem>>
    %dma_start3A_30 = tpu.memref_squeeze %dma_start3A_29 : memref<1x128xi32, #tpu.memory_space<vmem>> -> memref<128xi32, #tpu.memory_space<vmem>>
    %dma_start3A_31 = arith.constant 0 : i32
    %dma_start3A_32 = arith.constant 0 : i32
    %dma_start3A_33 = tpu.memref_slice %arg2[%dma_start3A_31, %dma_start3A_32] : memref<10016x72xf32, #tpu.memory_space<hbm>> -> memref<10016x72xf32, #tpu.memory_space<hbm>>
    tpu.enqueue_indirect_dma source(%dma_start3A_33 : memref<10016x72xf32, #tpu.memory_space<hbm>>) target(%arg9 : memref<128x72xf32, #tpu.memory_space<vmem>>) offsets(%dma_start3A_30 : memref<128xi32, #tpu.memory_space<vmem>>) semaphore(%arg16 : memref<!tpu.dma_semaphore, #tpu.memory_space<semaphore_mem>>)
    %dma_start3A_34 = arith.constant 0 : i32
    %dma_start3A_35 = arith.constant 0 : i32
    %dma_start3A_36 = tpu.memref_slice %arg8[%dma_start3A_34, %dma_start3A_35] : memref<82x128xi32, #tpu.memory_space<vmem>> -> memref<1x128xi32, #tpu.memory_space<vmem>>
    %dma_start3A_37 = tpu.memref_squeeze %dma_start3A_36 : memref<1x128xi32, #tpu.memory_space<vmem>> -> memref<128xi32, #tpu.memory_space<vmem>>
    %dma_start3A_38 = arith.constant 0 : i32
    %dma_start3A_39 = arith.constant 0 : i32
    %dma_start3A_40 = tpu.memref_slice %arg3[%dma_start3A_38, %dma_start3A_39] : memref<10016x8xf32, #tpu.memory_space<hbm>> -> memref<10016x8xf32, #tpu.memory_space<hbm>>
    tpu.enqueue_indirect_dma source(%dma_start3A_40 : memref<10016x8xf32, #tpu.memory_space<hbm>>) target(%arg11 : memref<128x8xf32, #tpu.memory_space<vmem>>) offsets(%dma_start3A_37 : memref<128xi32, #tpu.memory_space<vmem>>) semaphore(%arg16 : memref<!tpu.dma_semaphore, #tpu.memory_space<semaphore_mem>>)
    %dma_start3A_41 = arith.constant 1 : i32
    %dma_start3A_42 = arith.constant 0 : i32
    %dma_start3A_43 = tpu.memref_slice %arg7[%dma_start3A_41, %dma_start3A_42] : memref<82x128xi32, #tpu.memory_space<vmem>> -> memref<1x128xi32, #tpu.memory_space<vmem>>
    %dma_start3A_44 = tpu.memref_squeeze %dma_start3A_43 : memref<1x128xi32, #tpu.memory_space<vmem>> -> memref<128xi32, #tpu.memory_space<vmem>>
    %dma_start3A_45 = arith.constant 0 : i32
    %dma_start3A_46 = arith.constant 0 : i32
    %dma_start3A_47 = tpu.memref_slice %arg2[%dma_start3A_45, %dma_start3A_46] : memref<10016x72xf32, #tpu.memory_space<hbm>> -> memref<10016x72xf32, #tpu.memory_space<hbm>>
    tpu.enqueue_indirect_dma source(%dma_start3A_47 : memref<10016x72xf32, #tpu.memory_space<hbm>>) target(%arg10 : memref<128x72xf32, #tpu.memory_space<vmem>>) offsets(%dma_start3A_44 : memref<128xi32, #tpu.memory_space<vmem>>) semaphore(%arg17 : memref<!tpu.dma_semaphore, #tpu.memory_space<semaphore_mem>>)
    %dma_start3A_48 = arith.constant 1 : i32
    %dma_start3A_49 = arith.constant 0 : i32
    %dma_start3A_50 = tpu.memref_slice %arg8[%dma_start3A_48, %dma_start3A_49] : memref<82x128xi32, #tpu.memory_space<vmem>> -> memref<1x128xi32, #tpu.memory_space<vmem>>
    %dma_start3A_51 = tpu.memref_squeeze %dma_start3A_50 : memref<1x128xi32, #tpu.memory_space<vmem>> -> memref<128xi32, #tpu.memory_space<vmem>>
    %dma_start3A_52 = arith.constant 0 : i32
    %dma_start3A_53 = arith.constant 0 : i32
    %dma_start3A_54 = tpu.memref_slice %arg3[%dma_start3A_52, %dma_start3A_53] : memref<10016x8xf32, #tpu.memory_space<hbm>> -> memref<10016x8xf32, #tpu.memory_space<hbm>>
    tpu.enqueue_indirect_dma source(%dma_start3A_54 : memref<10016x8xf32, #tpu.memory_space<hbm>>) target(%arg12 : memref<128x8xf32, #tpu.memory_space<vmem>>) offsets(%dma_start3A_51 : memref<128xi32, #tpu.memory_space<vmem>>) semaphore(%arg17 : memref<!tpu.dma_semaphore, #tpu.memory_space<semaphore_mem>>)
    %scan3A_55 = arith.constant 0 : i32
    %scan3A_56 = arith.constant 0 : i32
    %scan3A_57 = arith.constant 41 : i32
    %scan3A_58 = arith.addi %scan3A_56, %scan3A_57 : i32
    %scan3A_59 = arith.constant 1 : i32
    %scan3A_60 = scf.for %scan3A_108 = %scan3A_56 to %scan3A_58 step %scan3A_59 iter_args(%scan3A_109 = %scan3A_55) -> (i32)  : i32 {
      %mul3A_110 = arith.constant 2 : i32
      %mul3A_111 = arith.muli %mul3A_110, %scan3A_108 : i32
      %mul3A_112 = arith.constant 2 : i32
      %mul3A_113 = arith.muli %mul3A_112, %scan3A_108 : i32
      %add3A_114 = arith.constant 1 : i32
      %add3A_115 = arith.addi %mul3A_113, %add3A_114 : i32
      %dma_wait3A_116 = arith.constant 0 : i32
      %dma_wait3A_117 = tpu.memref_slice %arg7[%mul3A_111, %dma_wait3A_116] : memref<82x128xi32, #tpu.memory_space<vmem>> -> memref<1x128xi32, #tpu.memory_space<vmem>>
      %dma_wait3A_118 = tpu.memref_squeeze %dma_wait3A_117 : memref<1x128xi32, #tpu.memory_space<vmem>> -> memref<128xi32, #tpu.memory_space<vmem>>
      %dma_wait3A_119 = arith.constant 0 : i32
      %dma_wait3A_120 = arith.constant 0 : i32
      %dma_wait3A_121 = tpu.memref_slice %arg2[%dma_wait3A_119, %dma_wait3A_120] : memref<10016x72xf32, #tpu.memory_space<hbm>> -> memref<10016x72xf32, #tpu.memory_space<hbm>>
      tpu.wait_indirect_dma semaphore(%arg16 : memref<!tpu.dma_semaphore, #tpu.memory_space<semaphore_mem>>) src(%dma_wait3A_121 : memref<10016x72xf32, #tpu.memory_space<hbm>>) dst(%arg9 : memref<128x72xf32, #tpu.memory_space<vmem>>)
      %dma_wait3A_122 = arith.constant 0 : i32
      %dma_wait3A_123 = tpu.memref_slice %arg8[%mul3A_111, %dma_wait3A_122] : memref<82x128xi32, #tpu.memory_space<vmem>> -> memref<1x128xi32, #tpu.memory_space<vmem>>
      %dma_wait3A_124 = tpu.memref_squeeze %dma_wait3A_123 : memref<1x128xi32, #tpu.memory_space<vmem>> -> memref<128xi32, #tpu.memory_space<vmem>>
      %dma_wait3A_125 = arith.constant 0 : i32
      %dma_wait3A_126 = arith.constant 0 : i32
      %dma_wait3A_127 = tpu.memref_slice %arg3[%dma_wait3A_125, %dma_wait3A_126] : memref<10016x8xf32, #tpu.memory_space<hbm>> -> memref<10016x8xf32, #tpu.memory_space<hbm>>
      tpu.wait_indirect_dma semaphore(%arg16 : memref<!tpu.dma_semaphore, #tpu.memory_space<semaphore_mem>>) src(%dma_wait3A_127 : memref<10016x8xf32, #tpu.memory_space<hbm>>) dst(%arg11 : memref<128x8xf32, #tpu.memory_space<vmem>>)
      %gt3A = arith.constant 0 : i32
      %gt3A_128 = arith.cmpi sgt, %scan3A_108, %gt3A : i32
      %convert_element_type3A = arith.extui %gt3A_128 : i1 to i32
      %cond3A = arith.constant 0 : i32
      %cond3A_129 = arith.cmpi ne, %convert_element_type3A, %cond3A : i32
      scf.if %cond3A_129 {
        %dma_wait3A_205 = arith.constant 0 : i32
        %dma_wait3A_206 = tpu.memref_slice %arg8[%mul3A_111, %dma_wait3A_205] : memref<82x128xi32, #tpu.memory_space<vmem>> -> memref<1x128xi32, #tpu.memory_space<vmem>>
        %dma_wait3A_207 = tpu.memref_squeeze %dma_wait3A_206 : memref<1x128xi32, #tpu.memory_space<vmem>> -> memref<128xi32, #tpu.memory_space<vmem>>
        %dma_wait3A_208 = arith.constant 0 : i32
        %dma_wait3A_209 = arith.constant 0 : i32
        %dma_wait3A_210 = tpu.memref_slice %arg15[%dma_wait3A_208, %dma_wait3A_209] : memref<10240x72xf32, #tpu.memory_space<vmem_shared>> -> memref<10240x72xf32, #tpu.memory_space<vmem_shared>>
        tpu.wait_indirect_dma semaphore(%arg18 : memref<!tpu.dma_semaphore, #tpu.memory_space<semaphore_mem>>) src(%arg13 : memref<128x72xf32, #tpu.memory_space<vmem>>) dst(%dma_wait3A_210 : memref<10240x72xf32, #tpu.memory_space<vmem_shared>>)
      } else {
      }
      %scan3A_130 = arith.constant 0 : i32
      %scan3A_131 = arith.constant 0 : i32
      %scan3A_132 = arith.constant 8 : i32
      %scan3A_133 = arith.addi %scan3A_131, %scan3A_132 : i32
      %scan3A_134 = arith.constant 1 : i32
      %scan3A_135 = scf.for %scan3A_205 = %scan3A_131 to %scan3A_133 step %scan3A_134 iter_args(%scan3A_206 = %scan3A_130) -> (i32)  : i32 {
        %mul3A_207 = arith.constant 16 : i32
        %mul3A_208 = arith.muli %scan3A_205, %mul3A_207 : i32
        %add3A_209 = vector.broadcast %mul3A_208 : i32 to vector<16xi32>
        %add3A_210 = arith.addi %iota3A, %add3A_209 : vector<16xi32>
        %broadcast_in_dim3A_211 = arith.constant 64 : i32
        %broadcast_in_dim3A_212 = vector.broadcast %broadcast_in_dim3A_211 : i32 to vector<16xi32>
        %gather3A = tpu.vector_load_idx %arg9[%add3A_210, %broadcast_in_dim3A_212] : memref<128x72xf32, #tpu.memory_space<vmem>>[vector<16xi32>, vector<16xi32>], vector<16xf32>,
        %broadcast_in_dim3A_213 = arith.constant 0 : i32
        %broadcast_in_dim3A_214 = vector.broadcast %broadcast_in_dim3A_213 : i32 to vector<16xi32>
        %gather3A_215 = tpu.vector_load_idx %arg11[%add3A_210, %broadcast_in_dim3A_214] : memref<128x8xf32, #tpu.memory_space<vmem>>[vector<16xi32>, vector<16xi32>], vector<16xf32>,
        %add3A_216 = arith.addf %gather3A, %gather3A_215 : vector<16xf32>
        %ge3A = arith.constant 0.000000e+00 : f32
        %ge3A_217 = vector.broadcast %ge3A : f32 to vector<16xf32>
        %ge3A_218 = arith.cmpf oge, %add3A_216, %ge3A_217 : vector<16xf32>
        %mul3A_219 = arith.constant 2.000000e-01 : f32
        %mul3A_220 = vector.broadcast %mul3A_219 : f32 to vector<16xf32>
        %mul3A_221 = arith.mulf %add3A_216, %mul3A_220 : vector<16xf32>
        %select_n3A = arith.select %ge3A_218, %add3A_216, %mul3A_221 : vector<16xi1>, vector<16xf32>
        %exp3A = math.exp %select_n3A : vector<16xf32>
        tpu.vector_store_idx %arg13[%add3A_210, %broadcast_in_dim3A_212], %exp3A : memref<128x72xf32, #tpu.memory_space<vmem>>[vector<16xi32>, vector<16xi32>], vector<16xf32>,
        %broadcast_in_dim3A_222 = arith.constant 65 : i32
        %broadcast_in_dim3A_223 = vector.broadcast %broadcast_in_dim3A_222 : i32 to vector<16xi32>
        %gather3A_224 = tpu.vector_load_idx %arg9[%add3A_210, %broadcast_in_dim3A_223] : memref<128x72xf32, #tpu.memory_space<vmem>>[vector<16xi32>, vector<16xi32>], vector<16xf32>,
        %broadcast_in_dim3A_225 = arith.constant 1 : i32
        %broadcast_in_dim3A_226 = vector.broadcast %broadcast_in_dim3A_225 : i32 to vector<16xi32>
        %gather3A_227 = tpu.vector_load_idx %arg11[%add3A_210, %broadcast_in_dim3A_226] : memref<128x8xf32, #tpu.memory_space<vmem>>[vector<16xi32>, vector<16xi32>], vector<16xf32>,
        %add3A_228 = arith.addf %gather3A_224, %gather3A_227 : vector<16xf32>
        %ge3A_229 = arith.constant 0.000000e+00 : f32
        %ge3A_230 = vector.broadcast %ge3A_229 : f32 to vector<16xf32>
        %ge3A_231 = arith.cmpf oge, %add3A_228, %ge3A_230 : vector<16xf32>
        %mul3A_232 = arith.constant 2.000000e-01 : f32
        %mul3A_233 = vector.broadcast %mul3A_232 : f32 to vector<16xf32>
        %mul3A_234 = arith.mulf %add3A_228, %mul3A_233 : vector<16xf32>
        %select_n3A_235 = arith.select %ge3A_231, %add3A_228, %mul3A_234 : vector<16xi1>, vector<16xf32>
        %exp3A_236 = math.exp %select_n3A_235 : vector<16xf32>
        tpu.vector_store_idx %arg13[%add3A_210, %broadcast_in_dim3A_223], %exp3A_236 : memref<128x72xf32, #tpu.memory_space<vmem>>[vector<16xi32>, vector<16xi32>], vector<16xf32>,
        %broadcast_in_dim3A_237 = arith.constant 66 : i32
        %broadcast_in_dim3A_238 = vector.broadcast %broadcast_in_dim3A_237 : i32 to vector<16xi32>
        %gather3A_239 = tpu.vector_load_idx %arg9[%add3A_210, %broadcast_in_dim3A_238] : memref<128x72xf32, #tpu.memory_space<vmem>>[vector<16xi32>, vector<16xi32>], vector<16xf32>,
        %broadcast_in_dim3A_240 = arith.constant 2 : i32
        %broadcast_in_dim3A_241 = vector.broadcast %broadcast_in_dim3A_240 : i32 to vector<16xi32>
        %gather3A_242 = tpu.vector_load_idx %arg11[%add3A_210, %broadcast_in_dim3A_241] : memref<128x8xf32, #tpu.memory_space<vmem>>[vector<16xi32>, vector<16xi32>], vector<16xf32>,
        %add3A_243 = arith.addf %gather3A_239, %gather3A_242 : vector<16xf32>
        %ge3A_244 = arith.constant 0.000000e+00 : f32
        %ge3A_245 = vector.broadcast %ge3A_244 : f32 to vector<16xf32>
        %ge3A_246 = arith.cmpf oge, %add3A_243, %ge3A_245 : vector<16xf32>
        %mul3A_247 = arith.constant 2.000000e-01 : f32
        %mul3A_248 = vector.broadcast %mul3A_247 : f32 to vector<16xf32>
        %mul3A_249 = arith.mulf %add3A_243, %mul3A_248 : vector<16xf32>
        %select_n3A_250 = arith.select %ge3A_246, %add3A_243, %mul3A_249 : vector<16xi1>, vector<16xf32>
        %exp3A_251 = math.exp %select_n3A_250 : vector<16xf32>
        tpu.vector_store_idx %arg13[%add3A_210, %broadcast_in_dim3A_238], %exp3A_251 : memref<128x72xf32, #tpu.memory_space<vmem>>[vector<16xi32>, vector<16xi32>], vector<16xf32>,
        %broadcast_in_dim3A_252 = arith.constant 67 : i32
        %broadcast_in_dim3A_253 = vector.broadcast %broadcast_in_dim3A_252 : i32 to vector<16xi32>
        %gather3A_254 = tpu.vector_load_idx %arg9[%add3A_210, %broadcast_in_dim3A_253] : memref<128x72xf32, #tpu.memory_space<vmem>>[vector<16xi32>, vector<16xi32>], vector<16xf32>,
        %broadcast_in_dim3A_255 = arith.constant 3 : i32
        %broadcast_in_dim3A_256 = vector.broadcast %broadcast_in_dim3A_255 : i32 to vector<16xi32>
        %gather3A_257 = tpu.vector_load_idx %arg11[%add3A_210, %broadcast_in_dim3A_256] : memref<128x8xf32, #tpu.memory_space<vmem>>[vector<16xi32>, vector<16xi32>], vector<16xf32>,
        %add3A_258 = arith.addf %gather3A_254, %gather3A_257 : vector<16xf32>
        %ge3A_259 = arith.constant 0.000000e+00 : f32
        %ge3A_260 = vector.broadcast %ge3A_259 : f32 to vector<16xf32>
        %ge3A_261 = arith.cmpf oge, %add3A_258, %ge3A_260 : vector<16xf32>
        %mul3A_262 = arith.constant 2.000000e-01 : f32
        %mul3A_263 = vector.broadcast %mul3A_262 : f32 to vector<16xf32>
        %mul3A_264 = arith.mulf %add3A_258, %mul3A_263 : vector<16xf32>
        %select_n3A_265 = arith.select %ge3A_261, %add3A_258, %mul3A_264 : vector<16xi1>, vector<16xf32>
        %exp3A_266 = math.exp %select_n3A_265 : vector<16xf32>
        tpu.vector_store_idx %arg13[%add3A_210, %broadcast_in_dim3A_253], %exp3A_266 : memref<128x72xf32, #tpu.memory_space<vmem>>[vector<16xi32>, vector<16xi32>], vector<16xf32>,
        %broadcast_in_dim3A_267 = arith.constant 68 : i32
        %broadcast_in_dim3A_268 = vector.broadcast %broadcast_in_dim3A_267 : i32 to vector<16xi32>
        %gather3A_269 = tpu.vector_load_idx %arg9[%add3A_210, %broadcast_in_dim3A_268] : memref<128x72xf32, #tpu.memory_space<vmem>>[vector<16xi32>, vector<16xi32>], vector<16xf32>,
        %broadcast_in_dim3A_270 = arith.constant 4 : i32
        %broadcast_in_dim3A_271 = vector.broadcast %broadcast_in_dim3A_270 : i32 to vector<16xi32>
        %gather3A_272 = tpu.vector_load_idx %arg11[%add3A_210, %broadcast_in_dim3A_271] : memref<128x8xf32, #tpu.memory_space<vmem>>[vector<16xi32>, vector<16xi32>], vector<16xf32>,
        %add3A_273 = arith.addf %gather3A_269, %gather3A_272 : vector<16xf32>
        %ge3A_274 = arith.constant 0.000000e+00 : f32
        %ge3A_275 = vector.broadcast %ge3A_274 : f32 to vector<16xf32>
        %ge3A_276 = arith.cmpf oge, %add3A_273, %ge3A_275 : vector<16xf32>
        %mul3A_277 = arith.constant 2.000000e-01 : f32
        %mul3A_278 = vector.broadcast %mul3A_277 : f32 to vector<16xf32>
        %mul3A_279 = arith.mulf %add3A_273, %mul3A_278 : vector<16xf32>
        %select_n3A_280 = arith.select %ge3A_276, %add3A_273, %mul3A_279 : vector<16xi1>, vector<16xf32>
        %exp3A_281 = math.exp %select_n3A_280 : vector<16xf32>
        tpu.vector_store_idx %arg13[%add3A_210, %broadcast_in_dim3A_268], %exp3A_281 : memref<128x72xf32, #tpu.memory_space<vmem>>[vector<16xi32>, vector<16xi32>], vector<16xf32>,
        %broadcast_in_dim3A_282 = arith.constant 69 : i32
        %broadcast_in_dim3A_283 = vector.broadcast %broadcast_in_dim3A_282 : i32 to vector<16xi32>
        %gather3A_284 = tpu.vector_load_idx %arg9[%add3A_210, %broadcast_in_dim3A_283] : memref<128x72xf32, #tpu.memory_space<vmem>>[vector<16xi32>, vector<16xi32>], vector<16xf32>,
        %broadcast_in_dim3A_285 = arith.constant 5 : i32
        %broadcast_in_dim3A_286 = vector.broadcast %broadcast_in_dim3A_285 : i32 to vector<16xi32>
        %gather3A_287 = tpu.vector_load_idx %arg11[%add3A_210, %broadcast_in_dim3A_286] : memref<128x8xf32, #tpu.memory_space<vmem>>[vector<16xi32>, vector<16xi32>], vector<16xf32>,
        %add3A_288 = arith.addf %gather3A_284, %gather3A_287 : vector<16xf32>
        %ge3A_289 = arith.constant 0.000000e+00 : f32
        %ge3A_290 = vector.broadcast %ge3A_289 : f32 to vector<16xf32>
        %ge3A_291 = arith.cmpf oge, %add3A_288, %ge3A_290 : vector<16xf32>
        %mul3A_292 = arith.constant 2.000000e-01 : f32
        %mul3A_293 = vector.broadcast %mul3A_292 : f32 to vector<16xf32>
        %mul3A_294 = arith.mulf %add3A_288, %mul3A_293 : vector<16xf32>
        %select_n3A_295 = arith.select %ge3A_291, %add3A_288, %mul3A_294 : vector<16xi1>, vector<16xf32>
        %exp3A_296 = math.exp %select_n3A_295 : vector<16xf32>
        tpu.vector_store_idx %arg13[%add3A_210, %broadcast_in_dim3A_283], %exp3A_296 : memref<128x72xf32, #tpu.memory_space<vmem>>[vector<16xi32>, vector<16xi32>], vector<16xf32>,
        %broadcast_in_dim3A_297 = arith.constant 70 : i32
        %broadcast_in_dim3A_298 = vector.broadcast %broadcast_in_dim3A_297 : i32 to vector<16xi32>
        %gather3A_299 = tpu.vector_load_idx %arg9[%add3A_210, %broadcast_in_dim3A_298] : memref<128x72xf32, #tpu.memory_space<vmem>>[vector<16xi32>, vector<16xi32>], vector<16xf32>,
        %broadcast_in_dim3A_300 = arith.constant 6 : i32
        %broadcast_in_dim3A_301 = vector.broadcast %broadcast_in_dim3A_300 : i32 to vector<16xi32>
        %gather3A_302 = tpu.vector_load_idx %arg11[%add3A_210, %broadcast_in_dim3A_301] : memref<128x8xf32, #tpu.memory_space<vmem>>[vector<16xi32>, vector<16xi32>], vector<16xf32>,
        %add3A_303 = arith.addf %gather3A_299, %gather3A_302 : vector<16xf32>
        %ge3A_304 = arith.constant 0.000000e+00 : f32
        %ge3A_305 = vector.broadcast %ge3A_304 : f32 to vector<16xf32>
        %ge3A_306 = arith.cmpf oge, %add3A_303, %ge3A_305 : vector<16xf32>
        %mul3A_307 = arith.constant 2.000000e-01 : f32
        %mul3A_308 = vector.broadcast %mul3A_307 : f32 to vector<16xf32>
        %mul3A_309 = arith.mulf %add3A_303, %mul3A_308 : vector<16xf32>
        %select_n3A_310 = arith.select %ge3A_306, %add3A_303, %mul3A_309 : vector<16xi1>, vector<16xf32>
        %exp3A_311 = math.exp %select_n3A_310 : vector<16xf32>
        tpu.vector_store_idx %arg13[%add3A_210, %broadcast_in_dim3A_298], %exp3A_311 : memref<128x72xf32, #tpu.memory_space<vmem>>[vector<16xi32>, vector<16xi32>], vector<16xf32>,
        %broadcast_in_dim3A_312 = arith.constant 71 : i32
        %broadcast_in_dim3A_313 = vector.broadcast %broadcast_in_dim3A_312 : i32 to vector<16xi32>
        %gather3A_314 = tpu.vector_load_idx %arg9[%add3A_210, %broadcast_in_dim3A_313] : memref<128x72xf32, #tpu.memory_space<vmem>>[vector<16xi32>, vector<16xi32>], vector<16xf32>,
        %broadcast_in_dim3A_315 = arith.constant 7 : i32
        %broadcast_in_dim3A_316 = vector.broadcast %broadcast_in_dim3A_315 : i32 to vector<16xi32>
        %gather3A_317 = tpu.vector_load_idx %arg11[%add3A_210, %broadcast_in_dim3A_316] : memref<128x8xf32, #tpu.memory_space<vmem>>[vector<16xi32>, vector<16xi32>], vector<16xf32>,
        %add3A_318 = arith.addf %gather3A_314, %gather3A_317 : vector<16xf32>
        %ge3A_319 = arith.constant 0.000000e+00 : f32
        %ge3A_320 = vector.broadcast %ge3A_319 : f32 to vector<16xf32>
        %ge3A_321 = arith.cmpf oge, %add3A_318, %ge3A_320 : vector<16xf32>
        %mul3A_322 = arith.constant 2.000000e-01 : f32
        %mul3A_323 = vector.broadcast %mul3A_322 : f32 to vector<16xf32>
        %mul3A_324 = arith.mulf %add3A_318, %mul3A_323 : vector<16xf32>
        %select_n3A_325 = arith.select %ge3A_321, %add3A_318, %mul3A_324 : vector<16xi1>, vector<16xf32>
        %exp3A_326 = math.exp %select_n3A_325 : vector<16xf32>
        tpu.vector_store_idx %arg13[%add3A_210, %broadcast_in_dim3A_313], %exp3A_326 : memref<128x72xf32, #tpu.memory_space<vmem>>[vector<16xi32>, vector<16xi32>], vector<16xf32>,
        %scan3A_327 = arith.constant 0 : i32
        scf.yield %scan3A_327 : i32
      }
      %scan3A_136 = arith.constant 8 : i32
      %dma_start3A_137 = arith.constant 0 : i32
      %dma_start3A_138 = tpu.memref_slice %arg8[%mul3A_111, %dma_start3A_137] : memref<82x128xi32, #tpu.memory_space<vmem>> -> memref<1x128xi32, #tpu.memory_space<vmem>>
      %dma_start3A_139 = tpu.memref_squeeze %dma_start3A_138 : memref<1x128xi32, #tpu.memory_space<vmem>> -> memref<128xi32, #tpu.memory_space<vmem>>
      %dma_start3A_140 = arith.constant 0 : i32
      %dma_start3A_141 = arith.constant 0 : i32
      %dma_start3A_142 = tpu.memref_slice %arg15[%dma_start3A_140, %dma_start3A_141] : memref<10240x72xf32, #tpu.memory_space<vmem_shared>> -> memref<10240x72xf32, #tpu.memory_space<vmem_shared>>
      tpu.enqueue_indirect_dma source(%arg13 : memref<128x72xf32, #tpu.memory_space<vmem>>) target(%dma_start3A_142 : memref<10240x72xf32, #tpu.memory_space<vmem_shared>>) offsets(%dma_start3A_139 : memref<128xi32, #tpu.memory_space<vmem>>) semaphore(%arg18 : memref<!tpu.dma_semaphore, #tpu.memory_space<semaphore_mem>>) {add = true}
      %add3A_143 = arith.constant 2 : i32
      %add3A_144 = arith.addi %mul3A_111, %add3A_143 : i32
      %min3A = arith.constant 80 : i32
      %min3A_145 = arith.minsi %add3A_144, %min3A : i32
      %dma_start3A_146 = arith.constant 0 : i32
      %dma_start3A_147 = tpu.memref_slice %arg7[%min3A_145, %dma_start3A_146] : memref<82x128xi32, #tpu.memory_space<vmem>> -> memref<1x128xi32, #tpu.memory_space<vmem>>
      %dma_start3A_148 = tpu.memref_squeeze %dma_start3A_147 : memref<1x128xi32, #tpu.memory_space<vmem>> -> memref<128xi32, #tpu.memory_space<vmem>>
      %dma_start3A_149 = arith.constant 0 : i32
      %dma_start3A_150 = arith.constant 0 : i32
      %dma_start3A_151 = tpu.memref_slice %arg2[%dma_start3A_149, %dma_start3A_150] : memref<10016x72xf32, #tpu.memory_space<hbm>> -> memref<10016x72xf32, #tpu.memory_space<hbm>>
      tpu.enqueue_indirect_dma source(%dma_start3A_151 : memref<10016x72xf32, #tpu.memory_space<hbm>>) target(%arg9 : memref<128x72xf32, #tpu.memory_space<vmem>>) offsets(%dma_start3A_148 : memref<128xi32, #tpu.memory_space<vmem>>) semaphore(%arg16 : memref<!tpu.dma_semaphore, #tpu.memory_space<semaphore_mem>>)
      %dma_start3A_152 = arith.constant 0 : i32
      %dma_start3A_153 = tpu.memref_slice %arg8[%min3A_145, %dma_start3A_152] : memref<82x128xi32, #tpu.memory_space<vmem>> -> memref<1x128xi32, #tpu.memory_space<vmem>>
      %dma_start3A_154 = tpu.memref_squeeze %dma_start3A_153 : memref<1x128xi32, #tpu.memory_space<vmem>> -> memref<128xi32, #tpu.memory_space<vmem>>
      %dma_start3A_155 = arith.constant 0 : i32
      %dma_start3A_156 = arith.constant 0 : i32
      %dma_start3A_157 = tpu.memref_slice %arg3[%dma_start3A_155, %dma_start3A_156] : memref<10016x8xf32, #tpu.memory_space<hbm>> -> memref<10016x8xf32, #tpu.memory_space<hbm>>
      tpu.enqueue_indirect_dma source(%dma_start3A_157 : memref<10016x8xf32, #tpu.memory_space<hbm>>) target(%arg11 : memref<128x8xf32, #tpu.memory_space<vmem>>) offsets(%dma_start3A_154 : memref<128xi32, #tpu.memory_space<vmem>>) semaphore(%arg16 : memref<!tpu.dma_semaphore, #tpu.memory_space<semaphore_mem>>)
      %dma_wait3A_158 = arith.constant 0 : i32
      %dma_wait3A_159 = tpu.memref_slice %arg7[%add3A_115, %dma_wait3A_158] : memref<82x128xi32, #tpu.memory_space<vmem>> -> memref<1x128xi32, #tpu.memory_space<vmem>>
      %dma_wait3A_160 = tpu.memref_squeeze %dma_wait3A_159 : memref<1x128xi32, #tpu.memory_space<vmem>> -> memref<128xi32, #tpu.memory_space<vmem>>
      %dma_wait3A_161 = arith.constant 0 : i32
      %dma_wait3A_162 = arith.constant 0 : i32
      %dma_wait3A_163 = tpu.memref_slice %arg2[%dma_wait3A_161, %dma_wait3A_162] : memref<10016x72xf32, #tpu.memory_space<hbm>> -> memref<10016x72xf32, #tpu.memory_space<hbm>>
      tpu.wait_indirect_dma semaphore(%arg17 : memref<!tpu.dma_semaphore, #tpu.memory_space<semaphore_mem>>) src(%dma_wait3A_163 : memref<10016x72xf32, #tpu.memory_space<hbm>>) dst(%arg10 : memref<128x72xf32, #tpu.memory_space<vmem>>)
      %dma_wait3A_164 = arith.constant 0 : i32
      %dma_wait3A_165 = tpu.memref_slice %arg8[%add3A_115, %dma_wait3A_164] : memref<82x128xi32, #tpu.memory_space<vmem>> -> memref<1x128xi32, #tpu.memory_space<vmem>>
      %dma_wait3A_166 = tpu.memref_squeeze %dma_wait3A_165 : memref<1x128xi32, #tpu.memory_space<vmem>> -> memref<128xi32, #tpu.memory_space<vmem>>
      %dma_wait3A_167 = arith.constant 0 : i32
      %dma_wait3A_168 = arith.constant 0 : i32
      %dma_wait3A_169 = tpu.memref_slice %arg3[%dma_wait3A_167, %dma_wait3A_168] : memref<10016x8xf32, #tpu.memory_space<hbm>> -> memref<10016x8xf32, #tpu.memory_space<hbm>>
      tpu.wait_indirect_dma semaphore(%arg17 : memref<!tpu.dma_semaphore, #tpu.memory_space<semaphore_mem>>) src(%dma_wait3A_169 : memref<10016x8xf32, #tpu.memory_space<hbm>>) dst(%arg12 : memref<128x8xf32, #tpu.memory_space<vmem>>)
      %gt3A_170 = arith.constant 0 : i32
      %gt3A_171 = arith.cmpi sgt, %scan3A_108, %gt3A_170 : i32
      %convert_element_type3A_172 = arith.extui %gt3A_171 : i1 to i32
      %cond3A_173 = arith.constant 0 : i32
      %cond3A_174 = arith.cmpi ne, %convert_element_type3A_172, %cond3A_173 : i32
      scf.if %cond3A_174 {
        %dma_wait3A_205 = arith.constant 0 : i32
        %dma_wait3A_206 = tpu.memref_slice %arg8[%add3A_115, %dma_wait3A_205] : memref<82x128xi32, #tpu.memory_space<vmem>> -> memref<1x128xi32, #tpu.memory_space<vmem>>
        %dma_wait3A_207 = tpu.memref_squeeze %dma_wait3A_206 : memref<1x128xi32, #tpu.memory_space<vmem>> -> memref<128xi32, #tpu.memory_space<vmem>>
        %dma_wait3A_208 = arith.constant 0 : i32
        %dma_wait3A_209 = arith.constant 0 : i32
        %dma_wait3A_210 = tpu.memref_slice %arg15[%dma_wait3A_208, %dma_wait3A_209] : memref<10240x72xf32, #tpu.memory_space<vmem_shared>> -> memref<10240x72xf32, #tpu.memory_space<vmem_shared>>
        tpu.wait_indirect_dma semaphore(%arg19 : memref<!tpu.dma_semaphore, #tpu.memory_space<semaphore_mem>>) src(%arg14 : memref<128x72xf32, #tpu.memory_space<vmem>>) dst(%dma_wait3A_210 : memref<10240x72xf32, #tpu.memory_space<vmem_shared>>)
      } else {
      }
      %scan3A_175 = arith.constant 0 : i32
      %scan3A_176 = arith.constant 0 : i32
      %scan3A_177 = arith.constant 8 : i32
      %scan3A_178 = arith.addi %scan3A_176, %scan3A_177 : i32
      %scan3A_179 = arith.constant 1 : i32
      %scan3A_180 = scf.for %scan3A_205 = %scan3A_176 to %scan3A_178 step %scan3A_179 iter_args(%scan3A_206 = %scan3A_175) -> (i32)  : i32 {
        %mul3A_207 = arith.constant 16 : i32
        %mul3A_208 = arith.muli %scan3A_205, %mul3A_207 : i32
        %add3A_209 = vector.broadcast %mul3A_208 : i32 to vector<16xi32>
        %add3A_210 = arith.addi %iota3A, %add3A_209 : vector<16xi32>
        %broadcast_in_dim3A_211 = arith.constant 64 : i32
        %broadcast_in_dim3A_212 = vector.broadcast %broadcast_in_dim3A_211 : i32 to vector<16xi32>
        %gather3A = tpu.vector_load_idx %arg10[%add3A_210, %broadcast_in_dim3A_212] : memref<128x72xf32, #tpu.memory_space<vmem>>[vector<16xi32>, vector<16xi32>], vector<16xf32>,
        %broadcast_in_dim3A_213 = arith.constant 0 : i32
        %broadcast_in_dim3A_214 = vector.broadcast %broadcast_in_dim3A_213 : i32 to vector<16xi32>
        %gather3A_215 = tpu.vector_load_idx %arg12[%add3A_210, %broadcast_in_dim3A_214] : memref<128x8xf32, #tpu.memory_space<vmem>>[vector<16xi32>, vector<16xi32>], vector<16xf32>,
        %add3A_216 = arith.addf %gather3A, %gather3A_215 : vector<16xf32>
        %ge3A = arith.constant 0.000000e+00 : f32
        %ge3A_217 = vector.broadcast %ge3A : f32 to vector<16xf32>
        %ge3A_218 = arith.cmpf oge, %add3A_216, %ge3A_217 : vector<16xf32>
        %mul3A_219 = arith.constant 2.000000e-01 : f32
        %mul3A_220 = vector.broadcast %mul3A_219 : f32 to vector<16xf32>
        %mul3A_221 = arith.mulf %add3A_216, %mul3A_220 : vector<16xf32>
        %select_n3A = arith.select %ge3A_218, %add3A_216, %mul3A_221 : vector<16xi1>, vector<16xf32>
        %exp3A = math.exp %select_n3A : vector<16xf32>
        tpu.vector_store_idx %arg14[%add3A_210, %broadcast_in_dim3A_212], %exp3A : memref<128x72xf32, #tpu.memory_space<vmem>>[vector<16xi32>, vector<16xi32>], vector<16xf32>,
        %broadcast_in_dim3A_222 = arith.constant 65 : i32
        %broadcast_in_dim3A_223 = vector.broadcast %broadcast_in_dim3A_222 : i32 to vector<16xi32>
        %gather3A_224 = tpu.vector_load_idx %arg10[%add3A_210, %broadcast_in_dim3A_223] : memref<128x72xf32, #tpu.memory_space<vmem>>[vector<16xi32>, vector<16xi32>], vector<16xf32>,
        %broadcast_in_dim3A_225 = arith.constant 1 : i32
        %broadcast_in_dim3A_226 = vector.broadcast %broadcast_in_dim3A_225 : i32 to vector<16xi32>
        %gather3A_227 = tpu.vector_load_idx %arg12[%add3A_210, %broadcast_in_dim3A_226] : memref<128x8xf32, #tpu.memory_space<vmem>>[vector<16xi32>, vector<16xi32>], vector<16xf32>,
        %add3A_228 = arith.addf %gather3A_224, %gather3A_227 : vector<16xf32>
        %ge3A_229 = arith.constant 0.000000e+00 : f32
        %ge3A_230 = vector.broadcast %ge3A_229 : f32 to vector<16xf32>
        %ge3A_231 = arith.cmpf oge, %add3A_228, %ge3A_230 : vector<16xf32>
        %mul3A_232 = arith.constant 2.000000e-01 : f32
        %mul3A_233 = vector.broadcast %mul3A_232 : f32 to vector<16xf32>
        %mul3A_234 = arith.mulf %add3A_228, %mul3A_233 : vector<16xf32>
        %select_n3A_235 = arith.select %ge3A_231, %add3A_228, %mul3A_234 : vector<16xi1>, vector<16xf32>
        %exp3A_236 = math.exp %select_n3A_235 : vector<16xf32>
        tpu.vector_store_idx %arg14[%add3A_210, %broadcast_in_dim3A_223], %exp3A_236 : memref<128x72xf32, #tpu.memory_space<vmem>>[vector<16xi32>, vector<16xi32>], vector<16xf32>,
        %broadcast_in_dim3A_237 = arith.constant 66 : i32
        %broadcast_in_dim3A_238 = vector.broadcast %broadcast_in_dim3A_237 : i32 to vector<16xi32>
        %gather3A_239 = tpu.vector_load_idx %arg10[%add3A_210, %broadcast_in_dim3A_238] : memref<128x72xf32, #tpu.memory_space<vmem>>[vector<16xi32>, vector<16xi32>], vector<16xf32>,
        %broadcast_in_dim3A_240 = arith.constant 2 : i32
        %broadcast_in_dim3A_241 = vector.broadcast %broadcast_in_dim3A_240 : i32 to vector<16xi32>
        %gather3A_242 = tpu.vector_load_idx %arg12[%add3A_210, %broadcast_in_dim3A_241] : memref<128x8xf32, #tpu.memory_space<vmem>>[vector<16xi32>, vector<16xi32>], vector<16xf32>,
        %add3A_243 = arith.addf %gather3A_239, %gather3A_242 : vector<16xf32>
        %ge3A_244 = arith.constant 0.000000e+00 : f32
        %ge3A_245 = vector.broadcast %ge3A_244 : f32 to vector<16xf32>
        %ge3A_246 = arith.cmpf oge, %add3A_243, %ge3A_245 : vector<16xf32>
        %mul3A_247 = arith.constant 2.000000e-01 : f32
        %mul3A_248 = vector.broadcast %mul3A_247 : f32 to vector<16xf32>
        %mul3A_249 = arith.mulf %add3A_243, %mul3A_248 : vector<16xf32>
        %select_n3A_250 = arith.select %ge3A_246, %add3A_243, %mul3A_249 : vector<16xi1>, vector<16xf32>
        %exp3A_251 = math.exp %select_n3A_250 : vector<16xf32>
        tpu.vector_store_idx %arg14[%add3A_210, %broadcast_in_dim3A_238], %exp3A_251 : memref<128x72xf32, #tpu.memory_space<vmem>>[vector<16xi32>, vector<16xi32>], vector<16xf32>,
        %broadcast_in_dim3A_252 = arith.constant 67 : i32
        %broadcast_in_dim3A_253 = vector.broadcast %broadcast_in_dim3A_252 : i32 to vector<16xi32>
        %gather3A_254 = tpu.vector_load_idx %arg10[%add3A_210, %broadcast_in_dim3A_253] : memref<128x72xf32, #tpu.memory_space<vmem>>[vector<16xi32>, vector<16xi32>], vector<16xf32>,
        %broadcast_in_dim3A_255 = arith.constant 3 : i32
        %broadcast_in_dim3A_256 = vector.broadcast %broadcast_in_dim3A_255 : i32 to vector<16xi32>
        %gather3A_257 = tpu.vector_load_idx %arg12[%add3A_210, %broadcast_in_dim3A_256] : memref<128x8xf32, #tpu.memory_space<vmem>>[vector<16xi32>, vector<16xi32>], vector<16xf32>,
        %add3A_258 = arith.addf %gather3A_254, %gather3A_257 : vector<16xf32>
        %ge3A_259 = arith.constant 0.000000e+00 : f32
        %ge3A_260 = vector.broadcast %ge3A_259 : f32 to vector<16xf32>
        %ge3A_261 = arith.cmpf oge, %add3A_258, %ge3A_260 : vector<16xf32>
        %mul3A_262 = arith.constant 2.000000e-01 : f32
        %mul3A_263 = vector.broadcast %mul3A_262 : f32 to vector<16xf32>
        %mul3A_264 = arith.mulf %add3A_258, %mul3A_263 : vector<16xf32>
        %select_n3A_265 = arith.select %ge3A_261, %add3A_258, %mul3A_264 : vector<16xi1>, vector<16xf32>
        %exp3A_266 = math.exp %select_n3A_265 : vector<16xf32>
        tpu.vector_store_idx %arg14[%add3A_210, %broadcast_in_dim3A_253], %exp3A_266 : memref<128x72xf32, #tpu.memory_space<vmem>>[vector<16xi32>, vector<16xi32>], vector<16xf32>,
        %broadcast_in_dim3A_267 = arith.constant 68 : i32
        %broadcast_in_dim3A_268 = vector.broadcast %broadcast_in_dim3A_267 : i32 to vector<16xi32>
        %gather3A_269 = tpu.vector_load_idx %arg10[%add3A_210, %broadcast_in_dim3A_268] : memref<128x72xf32, #tpu.memory_space<vmem>>[vector<16xi32>, vector<16xi32>], vector<16xf32>,
        %broadcast_in_dim3A_270 = arith.constant 4 : i32
        %broadcast_in_dim3A_271 = vector.broadcast %broadcast_in_dim3A_270 : i32 to vector<16xi32>
        %gather3A_272 = tpu.vector_load_idx %arg12[%add3A_210, %broadcast_in_dim3A_271] : memref<128x8xf32, #tpu.memory_space<vmem>>[vector<16xi32>, vector<16xi32>], vector<16xf32>,
        %add3A_273 = arith.addf %gather3A_269, %gather3A_272 : vector<16xf32>
        %ge3A_274 = arith.constant 0.000000e+00 : f32
        %ge3A_275 = vector.broadcast %ge3A_274 : f32 to vector<16xf32>
        %ge3A_276 = arith.cmpf oge, %add3A_273, %ge3A_275 : vector<16xf32>
        %mul3A_277 = arith.constant 2.000000e-01 : f32
        %mul3A_278 = vector.broadcast %mul3A_277 : f32 to vector<16xf32>
        %mul3A_279 = arith.mulf %add3A_273, %mul3A_278 : vector<16xf32>
        %select_n3A_280 = arith.select %ge3A_276, %add3A_273, %mul3A_279 : vector<16xi1>, vector<16xf32>
        %exp3A_281 = math.exp %select_n3A_280 : vector<16xf32>
        tpu.vector_store_idx %arg14[%add3A_210, %broadcast_in_dim3A_268], %exp3A_281 : memref<128x72xf32, #tpu.memory_space<vmem>>[vector<16xi32>, vector<16xi32>], vector<16xf32>,
        %broadcast_in_dim3A_282 = arith.constant 69 : i32
        %broadcast_in_dim3A_283 = vector.broadcast %broadcast_in_dim3A_282 : i32 to vector<16xi32>
        %gather3A_284 = tpu.vector_load_idx %arg10[%add3A_210, %broadcast_in_dim3A_283] : memref<128x72xf32, #tpu.memory_space<vmem>>[vector<16xi32>, vector<16xi32>], vector<16xf32>,
        %broadcast_in_dim3A_285 = arith.constant 5 : i32
        %broadcast_in_dim3A_286 = vector.broadcast %broadcast_in_dim3A_285 : i32 to vector<16xi32>
        %gather3A_287 = tpu.vector_load_idx %arg12[%add3A_210, %broadcast_in_dim3A_286] : memref<128x8xf32, #tpu.memory_space<vmem>>[vector<16xi32>, vector<16xi32>], vector<16xf32>,
        %add3A_288 = arith.addf %gather3A_284, %gather3A_287 : vector<16xf32>
        %ge3A_289 = arith.constant 0.000000e+00 : f32
        %ge3A_290 = vector.broadcast %ge3A_289 : f32 to vector<16xf32>
        %ge3A_291 = arith.cmpf oge, %add3A_288, %ge3A_290 : vector<16xf32>
        %mul3A_292 = arith.constant 2.000000e-01 : f32
        %mul3A_293 = vector.broadcast %mul3A_292 : f32 to vector<16xf32>
        %mul3A_294 = arith.mulf %add3A_288, %mul3A_293 : vector<16xf32>
        %select_n3A_295 = arith.select %ge3A_291, %add3A_288, %mul3A_294 : vector<16xi1>, vector<16xf32>
        %exp3A_296 = math.exp %select_n3A_295 : vector<16xf32>
        tpu.vector_store_idx %arg14[%add3A_210, %broadcast_in_dim3A_283], %exp3A_296 : memref<128x72xf32, #tpu.memory_space<vmem>>[vector<16xi32>, vector<16xi32>], vector<16xf32>,
        %broadcast_in_dim3A_297 = arith.constant 70 : i32
        %broadcast_in_dim3A_298 = vector.broadcast %broadcast_in_dim3A_297 : i32 to vector<16xi32>
        %gather3A_299 = tpu.vector_load_idx %arg10[%add3A_210, %broadcast_in_dim3A_298] : memref<128x72xf32, #tpu.memory_space<vmem>>[vector<16xi32>, vector<16xi32>], vector<16xf32>,
        %broadcast_in_dim3A_300 = arith.constant 6 : i32
        %broadcast_in_dim3A_301 = vector.broadcast %broadcast_in_dim3A_300 : i32 to vector<16xi32>
        %gather3A_302 = tpu.vector_load_idx %arg12[%add3A_210, %broadcast_in_dim3A_301] : memref<128x8xf32, #tpu.memory_space<vmem>>[vector<16xi32>, vector<16xi32>], vector<16xf32>,
        %add3A_303 = arith.addf %gather3A_299, %gather3A_302 : vector<16xf32>
        %ge3A_304 = arith.constant 0.000000e+00 : f32
        %ge3A_305 = vector.broadcast %ge3A_304 : f32 to vector<16xf32>
        %ge3A_306 = arith.cmpf oge, %add3A_303, %ge3A_305 : vector<16xf32>
        %mul3A_307 = arith.constant 2.000000e-01 : f32
        %mul3A_308 = vector.broadcast %mul3A_307 : f32 to vector<16xf32>
        %mul3A_309 = arith.mulf %add3A_303, %mul3A_308 : vector<16xf32>
        %select_n3A_310 = arith.select %ge3A_306, %add3A_303, %mul3A_309 : vector<16xi1>, vector<16xf32>
        %exp3A_311 = math.exp %select_n3A_310 : vector<16xf32>
        tpu.vector_store_idx %arg14[%add3A_210, %broadcast_in_dim3A_298], %exp3A_311 : memref<128x72xf32, #tpu.memory_space<vmem>>[vector<16xi32>, vector<16xi32>], vector<16xf32>,
        %broadcast_in_dim3A_312 = arith.constant 71 : i32
        %broadcast_in_dim3A_313 = vector.broadcast %broadcast_in_dim3A_312 : i32 to vector<16xi32>
        %gather3A_314 = tpu.vector_load_idx %arg10[%add3A_210, %broadcast_in_dim3A_313] : memref<128x72xf32, #tpu.memory_space<vmem>>[vector<16xi32>, vector<16xi32>], vector<16xf32>,
        %broadcast_in_dim3A_315 = arith.constant 7 : i32
        %broadcast_in_dim3A_316 = vector.broadcast %broadcast_in_dim3A_315 : i32 to vector<16xi32>
        %gather3A_317 = tpu.vector_load_idx %arg12[%add3A_210, %broadcast_in_dim3A_316] : memref<128x8xf32, #tpu.memory_space<vmem>>[vector<16xi32>, vector<16xi32>], vector<16xf32>,
        %add3A_318 = arith.addf %gather3A_314, %gather3A_317 : vector<16xf32>
        %ge3A_319 = arith.constant 0.000000e+00 : f32
        %ge3A_320 = vector.broadcast %ge3A_319 : f32 to vector<16xf32>
        %ge3A_321 = arith.cmpf oge, %add3A_318, %ge3A_320 : vector<16xf32>
        %mul3A_322 = arith.constant 2.000000e-01 : f32
        %mul3A_323 = vector.broadcast %mul3A_322 : f32 to vector<16xf32>
        %mul3A_324 = arith.mulf %add3A_318, %mul3A_323 : vector<16xf32>
        %select_n3A_325 = arith.select %ge3A_321, %add3A_318, %mul3A_324 : vector<16xi1>, vector<16xf32>
        %exp3A_326 = math.exp %select_n3A_325 : vector<16xf32>
        tpu.vector_store_idx %arg14[%add3A_210, %broadcast_in_dim3A_313], %exp3A_326 : memref<128x72xf32, #tpu.memory_space<vmem>>[vector<16xi32>, vector<16xi32>], vector<16xf32>,
        %scan3A_327 = arith.constant 0 : i32
        scf.yield %scan3A_327 : i32
      }
      %scan3A_181 = arith.constant 8 : i32
      %dma_start3A_182 = arith.constant 0 : i32
      %dma_start3A_183 = tpu.memref_slice %arg8[%add3A_115, %dma_start3A_182] : memref<82x128xi32, #tpu.memory_space<vmem>> -> memref<1x128xi32, #tpu.memory_space<vmem>>
      %dma_start3A_184 = tpu.memref_squeeze %dma_start3A_183 : memref<1x128xi32, #tpu.memory_space<vmem>> -> memref<128xi32, #tpu.memory_space<vmem>>
      %dma_start3A_185 = arith.constant 0 : i32
      %dma_start3A_186 = arith.constant 0 : i32
      %dma_start3A_187 = tpu.memref_slice %arg15[%dma_start3A_185, %dma_start3A_186] : memref<10240x72xf32, #tpu.memory_space<vmem_shared>> -> memref<10240x72xf32, #tpu.memory_space<vmem_shared>>
      tpu.enqueue_indirect_dma source(%arg14 : memref<128x72xf32, #tpu.memory_space<vmem>>) target(%dma_start3A_187 : memref<10240x72xf32, #tpu.memory_space<vmem_shared>>) offsets(%dma_start3A_184 : memref<128xi32, #tpu.memory_space<vmem>>) semaphore(%arg19 : memref<!tpu.dma_semaphore, #tpu.memory_space<semaphore_mem>>) {add = true}
      %add3A_188 = arith.constant 2 : i32
      %add3A_189 = arith.addi %add3A_115, %add3A_188 : i32
      %min3A_190 = arith.constant 81 : i32
      %min3A_191 = arith.minsi %add3A_189, %min3A_190 : i32
      %dma_start3A_192 = arith.constant 0 : i32
      %dma_start3A_193 = tpu.memref_slice %arg7[%min3A_191, %dma_start3A_192] : memref<82x128xi32, #tpu.memory_space<vmem>> -> memref<1x128xi32, #tpu.memory_space<vmem>>
      %dma_start3A_194 = tpu.memref_squeeze %dma_start3A_193 : memref<1x128xi32, #tpu.memory_space<vmem>> -> memref<128xi32, #tpu.memory_space<vmem>>
      %dma_start3A_195 = arith.constant 0 : i32
      %dma_start3A_196 = arith.constant 0 : i32
      %dma_start3A_197 = tpu.memref_slice %arg2[%dma_start3A_195, %dma_start3A_196] : memref<10016x72xf32, #tpu.memory_space<hbm>> -> memref<10016x72xf32, #tpu.memory_space<hbm>>
      tpu.enqueue_indirect_dma source(%dma_start3A_197 : memref<10016x72xf32, #tpu.memory_space<hbm>>) target(%arg10 : memref<128x72xf32, #tpu.memory_space<vmem>>) offsets(%dma_start3A_194 : memref<128xi32, #tpu.memory_space<vmem>>) semaphore(%arg17 : memref<!tpu.dma_semaphore, #tpu.memory_space<semaphore_mem>>)
      %dma_start3A_198 = arith.constant 0 : i32
      %dma_start3A_199 = tpu.memref_slice %arg8[%min3A_191, %dma_start3A_198] : memref<82x128xi32, #tpu.memory_space<vmem>> -> memref<1x128xi32, #tpu.memory_space<vmem>>
      %dma_start3A_200 = tpu.memref_squeeze %dma_start3A_199 : memref<1x128xi32, #tpu.memory_space<vmem>> -> memref<128xi32, #tpu.memory_space<vmem>>
      %dma_start3A_201 = arith.constant 0 : i32
      %dma_start3A_202 = arith.constant 0 : i32
      %dma_start3A_203 = tpu.memref_slice %arg3[%dma_start3A_201, %dma_start3A_202] : memref<10016x8xf32, #tpu.memory_space<hbm>> -> memref<10016x8xf32, #tpu.memory_space<hbm>>
      tpu.enqueue_indirect_dma source(%dma_start3A_203 : memref<10016x8xf32, #tpu.memory_space<hbm>>) target(%arg12 : memref<128x8xf32, #tpu.memory_space<vmem>>) offsets(%dma_start3A_200 : memref<128xi32, #tpu.memory_space<vmem>>) semaphore(%arg17 : memref<!tpu.dma_semaphore, #tpu.memory_space<semaphore_mem>>)
      %scan3A_204 = arith.constant 0 : i32
      scf.yield %scan3A_204 : i32
    }
    %scan3A_61 = arith.constant 41 : i32
    %dma_wait3A = arith.constant 0 : i32
    %dma_wait3A_62 = arith.constant 0 : i32
    %dma_wait3A_63 = tpu.memref_slice %arg8[%dma_wait3A, %dma_wait3A_62] : memref<82x128xi32, #tpu.memory_space<vmem>> -> memref<1x128xi32, #tpu.memory_space<vmem>>
    %dma_wait3A_64 = tpu.memref_squeeze %dma_wait3A_63 : memref<1x128xi32, #tpu.memory_space<vmem>> -> memref<128xi32, #tpu.memory_space<vmem>>
    %dma_wait3A_65 = arith.constant 0 : i32
    %dma_wait3A_66 = arith.constant 0 : i32
    %dma_wait3A_67 = tpu.memref_slice %arg15[%dma_wait3A_65, %dma_wait3A_66] : memref<10240x72xf32, #tpu.memory_space<vmem_shared>> -> memref<10240x72xf32, #tpu.memory_space<vmem_shared>>
    tpu.wait_indirect_dma semaphore(%arg18 : memref<!tpu.dma_semaphore, #tpu.memory_space<semaphore_mem>>) src(%arg13 : memref<128x72xf32, #tpu.memory_space<vmem>>) dst(%dma_wait3A_67 : memref<10240x72xf32, #tpu.memory_space<vmem_shared>>)
    %dma_wait3A_68 = arith.constant 0 : i32
    %dma_wait3A_69 = arith.constant 0 : i32
    %dma_wait3A_70 = tpu.memref_slice %arg8[%dma_wait3A_68, %dma_wait3A_69] : memref<82x128xi32, #tpu.memory_space<vmem>> -> memref<1x128xi32, #tpu.memory_space<vmem>>
    %dma_wait3A_71 = tpu.memref_squeeze %dma_wait3A_70 : memref<1x128xi32, #tpu.memory_space<vmem>> -> memref<128xi32, #tpu.memory_space<vmem>>
    %dma_wait3A_72 = arith.constant 0 : i32
    %dma_wait3A_73 = arith.constant 0 : i32
    %dma_wait3A_74 = tpu.memref_slice %arg15[%dma_wait3A_72, %dma_wait3A_73] : memref<10240x72xf32, #tpu.memory_space<vmem_shared>> -> memref<10240x72xf32, #tpu.memory_space<vmem_shared>>
    tpu.wait_indirect_dma semaphore(%arg19 : memref<!tpu.dma_semaphore, #tpu.memory_space<semaphore_mem>>) src(%arg14 : memref<128x72xf32, #tpu.memory_space<vmem>>) dst(%dma_wait3A_74 : memref<10240x72xf32, #tpu.memory_space<vmem_shared>>)
    %dma_wait3A_75 = arith.constant 0 : i32
    %dma_wait3A_76 = arith.constant 0 : i32
    %dma_wait3A_77 = tpu.memref_slice %arg7[%dma_wait3A_75, %dma_wait3A_76] : memref<82x128xi32, #tpu.memory_space<vmem>> -> memref<1x128xi32, #tpu.memory_space<vmem>>
    %dma_wait3A_78 = tpu.memref_squeeze %dma_wait3A_77 : memref<1x128xi32, #tpu.memory_space<vmem>> -> memref<128xi32, #tpu.memory_space<vmem>>
    %dma_wait3A_79 = arith.constant 0 : i32
    %dma_wait3A_80 = arith.constant 0 : i32
    %dma_wait3A_81 = tpu.memref_slice %arg2[%dma_wait3A_79, %dma_wait3A_80] : memref<10016x72xf32, #tpu.memory_space<hbm>> -> memref<10016x72xf32, #tpu.memory_space<hbm>>
    tpu.wait_indirect_dma semaphore(%arg16 : memref<!tpu.dma_semaphore, #tpu.memory_space<semaphore_mem>>) src(%dma_wait3A_81 : memref<10016x72xf32, #tpu.memory_space<hbm>>) dst(%arg9 : memref<128x72xf32, #tpu.memory_space<vmem>>)
    %dma_wait3A_82 = arith.constant 0 : i32
    %dma_wait3A_83 = arith.constant 0 : i32
    %dma_wait3A_84 = tpu.memref_slice %arg8[%dma_wait3A_82, %dma_wait3A_83] : memref<82x128xi32, #tpu.memory_space<vmem>> -> memref<1x128xi32, #tpu.memory_space<vmem>>
    %dma_wait3A_85 = tpu.memref_squeeze %dma_wait3A_84 : memref<1x128xi32, #tpu.memory_space<vmem>> -> memref<128xi32, #tpu.memory_space<vmem>>
    %dma_wait3A_86 = arith.constant 0 : i32
    %dma_wait3A_87 = arith.constant 0 : i32
    %dma_wait3A_88 = tpu.memref_slice %arg3[%dma_wait3A_86, %dma_wait3A_87] : memref<10016x8xf32, #tpu.memory_space<hbm>> -> memref<10016x8xf32, #tpu.memory_space<hbm>>
    tpu.wait_indirect_dma semaphore(%arg16 : memref<!tpu.dma_semaphore, #tpu.memory_space<semaphore_mem>>) src(%dma_wait3A_88 : memref<10016x8xf32, #tpu.memory_space<hbm>>) dst(%arg11 : memref<128x8xf32, #tpu.memory_space<vmem>>)
    %dma_wait3A_89 = arith.constant 0 : i32
    %dma_wait3A_90 = arith.constant 0 : i32
    %dma_wait3A_91 = tpu.memref_slice %arg7[%dma_wait3A_89, %dma_wait3A_90] : memref<82x128xi32, #tpu.memory_space<vmem>> -> memref<1x128xi32, #tpu.memory_space<vmem>>
    %dma_wait3A_92 = tpu.memref_squeeze %dma_wait3A_91 : memref<1x128xi32, #tpu.memory_space<vmem>> -> memref<128xi32, #tpu.memory_space<vmem>>
    %dma_wait3A_93 = arith.constant 0 : i32
    %dma_wait3A_94 = arith.constant 0 : i32
    %dma_wait3A_95 = tpu.memref_slice %arg2[%dma_wait3A_93, %dma_wait3A_94] : memref<10016x72xf32, #tpu.memory_space<hbm>> -> memref<10016x72xf32, #tpu.memory_space<hbm>>
    tpu.wait_indirect_dma semaphore(%arg17 : memref<!tpu.dma_semaphore, #tpu.memory_space<semaphore_mem>>) src(%dma_wait3A_95 : memref<10016x72xf32, #tpu.memory_space<hbm>>) dst(%arg10 : memref<128x72xf32, #tpu.memory_space<vmem>>)
    %dma_wait3A_96 = arith.constant 0 : i32
    %dma_wait3A_97 = arith.constant 0 : i32
    %dma_wait3A_98 = tpu.memref_slice %arg8[%dma_wait3A_96, %dma_wait3A_97] : memref<82x128xi32, #tpu.memory_space<vmem>> -> memref<1x128xi32, #tpu.memory_space<vmem>>
    %dma_wait3A_99 = tpu.memref_squeeze %dma_wait3A_98 : memref<1x128xi32, #tpu.memory_space<vmem>> -> memref<128xi32, #tpu.memory_space<vmem>>
    %dma_wait3A_100 = arith.constant 0 : i32
    %dma_wait3A_101 = arith.constant 0 : i32
    %dma_wait3A_102 = tpu.memref_slice %arg3[%dma_wait3A_100, %dma_wait3A_101] : memref<10016x8xf32, #tpu.memory_space<hbm>> -> memref<10016x8xf32, #tpu.memory_space<hbm>>
    tpu.wait_indirect_dma semaphore(%arg17 : memref<!tpu.dma_semaphore, #tpu.memory_space<semaphore_mem>>) src(%dma_wait3A_102 : memref<10016x8xf32, #tpu.memory_space<hbm>>) dst(%arg12 : memref<128x8xf32, #tpu.memory_space<vmem>>)
    %barrier3A_103 = arith.constant 0 : index
    tpu.barrier barrier_id(%barrier3A_103)
    %mul3A_104 = arith.constant 640 : i32
    %mul3A_105 = arith.muli %arg1, %mul3A_104 : i32
    %mul3A_106 = arith.constant 640 : i32
    %mul3A_107 = arith.muli %arg1, %mul3A_106 : i32
    "tpu.region"() ({
      %run_scoped3A = tpu.sem_alloc : memref<!tpu.dma_semaphore, #tpu.memory_space<semaphore_mem>>
      %dma_start3A_108 = arith.constant 0 : i32
      %dma_start3A_109 = arith.constant 0 : i32
      %dma_start3A_110 = tpu.memref_slice %arg6[%arg0, %dma_start3A_108, %dma_start3A_109] : memref<2x10240x72xf32, #tpu.memory_space<hbm>> -> memref<1x10240x72xf32, #tpu.memory_space<hbm>>
      %dma_start3A_111 = tpu.memref_squeeze %dma_start3A_110 : memref<1x10240x72xf32, #tpu.memory_space<hbm>> -> memref<10240x72xf32, #tpu.memory_space<hbm>>
      %dma_start3A_112 = arith.constant 0 : i32
      %dma_start3A_113 = tpu.memref_slice %dma_start3A_111[%mul3A_107, %dma_start3A_112] : memref<10240x72xf32, #tpu.memory_space<hbm>> -> memref<640x72xf32, #tpu.memory_space<hbm>>
      %dma_start3A_114 = arith.constant 0 : i32
      %dma_start3A_115 = tpu.memref_slice %arg15[%mul3A_105, %dma_start3A_114] : memref<10240x72xf32, #tpu.memory_space<vmem_shared>> -> memref<640x72xf32, #tpu.memory_space<vmem_shared>>
      tpu.enqueue_dma source(%dma_start3A_115 : memref<640x72xf32, #tpu.memory_space<vmem_shared>>) target(%dma_start3A_113 : memref<640x72xf32, #tpu.memory_space<hbm>>) target_semaphore(%run_scoped3A : memref<!tpu.dma_semaphore, #tpu.memory_space<semaphore_mem>>)
      %dma_wait3A_116 = arith.constant 0 : i32
      %dma_wait3A_117 = arith.constant 0 : i32
      %dma_wait3A_118 = tpu.memref_slice %arg6[%arg0, %dma_wait3A_116, %dma_wait3A_117] : memref<2x10240x72xf32, #tpu.memory_space<hbm>> -> memref<1x10240x72xf32, #tpu.memory_space<hbm>>
      %dma_wait3A_119 = tpu.memref_squeeze %dma_wait3A_118 : memref<1x10240x72xf32, #tpu.memory_space<hbm>> -> memref<10240x72xf32, #tpu.memory_space<hbm>>
      %dma_wait3A_120 = arith.constant 0 : i32
      %dma_wait3A_121 = tpu.memref_slice %dma_wait3A_119[%mul3A_107, %dma_wait3A_120] : memref<10240x72xf32, #tpu.memory_space<hbm>> -> memref<640x72xf32, #tpu.memory_space<hbm>>
      %dma_wait3A_122 = arith.constant 0 : i32
      %dma_wait3A_123 = tpu.memref_slice %arg15[%mul3A_105, %dma_wait3A_122] : memref<10240x72xf32, #tpu.memory_space<vmem_shared>> -> memref<640x72xf32, #tpu.memory_space<vmem_shared>>
      tpu.wait_dma2 semaphore(%run_scoped3A : memref<!tpu.dma_semaphore, #tpu.memory_space<semaphore_mem>>) src(%dma_wait3A_123 : memref<640x72xf32, #tpu.memory_space<vmem_shared>>) dst(%dma_wait3A_121 : memref<640x72xf32, #tpu.memory_space<hbm>>)
      tpu.yield
    }) : () -> ()
    return
  }
}

module attributes {stable_mosaic.version = 14 : i64} {
  func.func @_dense1_body(%arg0: i32, %arg1: memref<128x128xf32, #tpu.memory_space<vmem>>, %arg2: memref<128x64xf32, #tpu.memory_space<vmem>>, %arg3: memref<64x16xf32, #tpu.memory_space<vmem>>, %arg4: memref<128x72xf32, #tpu.memory_space<vmem>>, %arg5: memref<128x8xf32, #tpu.memory_space<vmem>>) attributes {dimension_semantics = [#tpu.dimension_semantics<arbitrary>], iteration_bounds = array<i64: 79>, scalar_prefetch = 0 : i64, scratch_operands = 0 : i64, tpu.core_type = #tpu.core_type<tc>, window_params = [{transform_indices = @transform_0, window_bounds = array<i64: 128, 128>}, {pipeline_mode = #tpu.pipeline_mode<synchronous>, transform_indices = @transform_1, window_bounds = array<i64: 128, 64>}, {pipeline_mode = #tpu.pipeline_mode<synchronous>, transform_indices = @transform_2, window_bounds = array<i64: 64, 16>}, {transform_indices = @transform_3, window_bounds = array<i64: 128, 72>}, {transform_indices = @transform_4, window_bounds = array<i64: 128, 8>}]} {
    %get3A = arith.constant 0 : index
    %get3A_0 = arith.constant 0 : index
    %get3A_1 = vector.load %arg1[%get3A, %get3A_0] : memref<128x128xf32, #tpu.memory_space<vmem>>, vector<128x128xf32>
    %get3A_2 = arith.constant 0 : index
    %get3A_3 = arith.constant 0 : index
    %get3A_4 = vector.load %arg2[%get3A_2, %get3A_3] : memref<128x64xf32, #tpu.memory_space<vmem>>, vector<128x64xf32>
    %dot_general3A = arith.constant dense<0.000000e+00> : vector<128x64xf32>
    %dot_general3A_5 = tpu.matmul %get3A_1, %get3A_4, %dot_general3A {dimension_numbers = #tpu.dot_dimension_numbers<[1], [0], [0], [1], [0, 0, 1, 1], [], []>, transpose_lhs_hint = false} : vector<128x128xf32>, vector<128x64xf32>, vector<128x64xf32> -> vector<128x64xf32>
    %get3A_6 = arith.constant 0 : index
    %get3A_7 = arith.constant 0 : index
    %get3A_8 = vector.load %arg3[%get3A_6, %get3A_7] : memref<64x16xf32, #tpu.memory_space<vmem>>, vector<64x16xf32>
    %dot_general3A_9 = arith.constant dense<0.000000e+00> : vector<128x16xf32>
    %dot_general3A_10 = tpu.matmul %dot_general3A_5, %get3A_8, %dot_general3A_9 {dimension_numbers = #tpu.dot_dimension_numbers<[1], [0], [0], [1], [0, 0, 1, 1], [], []>, transpose_lhs_hint = false} : vector<128x64xf32>, vector<64x16xf32>, vector<128x16xf32> -> vector<128x16xf32>
    %mul3A = arith.constant 128 : i32
    %mul3A_11 = arith.muli %arg0, %mul3A : i32
    %iota3A = tpu.iota {dimensions = array<i32: 0>} : vector<128x1xi32>
    %add3A = vector.broadcast %mul3A_11 : i32 to vector<128x1xi32>
    %add3A_12 = arith.addi %add3A, %iota3A : vector<128x1xi32>
    %lt3A = arith.constant 10000 : i32
    %lt3A_13 = vector.broadcast %lt3A : i32 to vector<128x1xi32>
    %lt3A_14 = arith.cmpi slt, %add3A_12, %lt3A_13 : vector<128x1xi32>
    %slice3A = vector.extract_strided_slice %dot_general3A_10 {offsets = [0, 0], sizes = [128, 8], strides = [1, 1]} : vector<128x16xf32> to vector<128x8xf32>
    %concatenate3A = tpu.concatenate %dot_general3A_5, %slice3A in 1 : vector<128x64xf32>, vector<128x8xf32> -> vector<128x72xf32>
    %jit3A = arith.constant 0.000000e+00 : f32
    %broadcast_in_dim3A = vector.shape_cast %lt3A_14 : vector<128x1xi1> to vector<128x1xi1>
    %broadcast_in_dim3A_15 = vector.broadcast %broadcast_in_dim3A : vector<128x1xi1> to vector<128x72xi1>
    %broadcast_in_dim3A_16 = vector.broadcast %jit3A : f32 to vector<128x72xf32>
    %select_n3A = arith.select %broadcast_in_dim3A_15, %concatenate3A, %broadcast_in_dim3A_16 : vector<128x72xi1>, vector<128x72xf32>
    %swap3A = arith.constant 0 : index
    %swap3A_17 = arith.constant 0 : index
    %swap3A_18 = vector.load %arg4[%swap3A, %swap3A_17] : memref<128x72xf32, #tpu.memory_space<vmem>>, vector<128x72xf32>
    tpu.vector_store %arg4[%swap3A, %swap3A_17], %select_n3A {strides = array<i32>} : memref<128x72xf32, #tpu.memory_space<vmem>>, vector<128x72xf32>,
    %slice3A_19 = vector.extract_strided_slice %dot_general3A_10 {offsets = [0, 8], sizes = [128, 8], strides = [1, 1]} : vector<128x16xf32> to vector<128x8xf32>
    %jit3A_20 = arith.constant 0.000000e+00 : f32
    %broadcast_in_dim3A_21 = vector.shape_cast %lt3A_14 : vector<128x1xi1> to vector<128x1xi1>
    %broadcast_in_dim3A_22 = vector.broadcast %broadcast_in_dim3A_21 : vector<128x1xi1> to vector<128x8xi1>
    %broadcast_in_dim3A_23 = vector.broadcast %jit3A_20 : f32 to vector<128x8xf32>
    %select_n3A_24 = arith.select %broadcast_in_dim3A_22, %slice3A_19, %broadcast_in_dim3A_23 : vector<128x8xi1>, vector<128x8xf32>
    %swap3A_25 = arith.constant 0 : index
    %swap3A_26 = arith.constant 0 : index
    %swap3A_27 = vector.load %arg5[%swap3A_25, %swap3A_26] : memref<128x8xf32, #tpu.memory_space<vmem>>, vector<128x8xf32>
    tpu.vector_store %arg5[%swap3A_25, %swap3A_26], %select_n3A_24 {strides = array<i32>} : memref<128x8xf32, #tpu.memory_space<vmem>>, vector<128x8xf32>,
    return
  }
  func.func @transform_0(%arg0: i32) -> (i32, i32) {
    %c0_i32 = arith.constant 0 : i32
    %c0_i32_0 = arith.constant 0 : i32
    return %arg0, %c0_i32 : i32, i32
  }
  func.func @transform_1(%arg0: i32) -> (i32, i32) {
    %c0_i32 = arith.constant 0 : i32
    %c0_i32_0 = arith.constant 0 : i32
    %c0_i32_1 = arith.constant 0 : i32
    return %c0_i32, %c0_i32_0 : i32, i32
  }
  func.func @transform_2(%arg0: i32) -> (i32, i32) {
    %c0_i32 = arith.constant 0 : i32
    %c0_i32_0 = arith.constant 0 : i32
    %c0_i32_1 = arith.constant 0 : i32
    return %c0_i32, %c0_i32_0 : i32, i32
  }
  func.func @transform_3(%arg0: i32) -> (i32, i32) {
    %c0_i32 = arith.constant 0 : i32
    %c0_i32_0 = arith.constant 0 : i32
    return %arg0, %c0_i32 : i32, i32
  }
  func.func @transform_4(%arg0: i32) -> (i32, i32) {
    %c0_i32 = arith.constant 0 : i32
    %c0_i32_0 = arith.constant 0 : i32
    return %arg0, %c0_i32 : i32, i32
  }
}

module attributes {stable_mosaic.version = 14 : i64} {
  func.func @_dense2_body(%arg0: i32, %arg1: memref<2x128x72xf32, #tpu.memory_space<vmem>>, %arg2: memref<1x64xf32, #tpu.memory_space<vmem>>, %arg3: memref<8x64xf32, #tpu.memory_space<vmem>>, %arg4: memref<64x32xf32, #tpu.memory_space<vmem>>, %arg5: memref<32x2xf32, #tpu.memory_space<vmem>>, %arg6: memref<128x32xf32, #tpu.memory_space<vmem>>, %arg7: memref<128x2xf32, #tpu.memory_space<vmem>>) attributes {dimension_semantics = [#tpu.dimension_semantics<arbitrary>], iteration_bounds = array<i64: 79>, scalar_prefetch = 0 : i64, scratch_operands = 0 : i64, tpu.core_type = #tpu.core_type<tc>, window_params = [{transform_indices = @transform_0, window_bounds = array<i64: 2, 128, 72>}, {pipeline_mode = #tpu.pipeline_mode<synchronous>, transform_indices = @transform_1, window_bounds = array<i64: 1, 64>}, {pipeline_mode = #tpu.pipeline_mode<synchronous>, transform_indices = @transform_2, window_bounds = array<i64: 8, 64>}, {pipeline_mode = #tpu.pipeline_mode<synchronous>, transform_indices = @transform_3, window_bounds = array<i64: 64, 32>}, {pipeline_mode = #tpu.pipeline_mode<synchronous>, transform_indices = @transform_4, window_bounds = array<i64: 32, 2>}, {transform_indices = @transform_5, window_bounds = array<i64: 128, 32>}, {transform_indices = @transform_6, window_bounds = array<i64: 128, 2>}]} {
    %get3A = arith.constant 0 : index
    %get3A_0 = arith.constant 0 : index
    %get3A_1 = arith.constant 0 : index
    %get3A_2 = vector.load %arg1[%get3A, %get3A_0, %get3A_1] : memref<2x128x72xf32, #tpu.memory_space<vmem>>, vector<1x128x64xf32>
    %get3A_3 = vector.shape_cast %get3A_2 : vector<1x128x64xf32> to vector<128x64xf32>
    %get3A_4 = arith.constant 1 : index
    %get3A_5 = arith.constant 0 : index
    %get3A_6 = arith.constant 0 : index
    %get3A_7 = vector.load %arg1[%get3A_4, %get3A_5, %get3A_6] : memref<2x128x72xf32, #tpu.memory_space<vmem>>, vector<1x128x64xf32>
    %get3A_8 = vector.shape_cast %get3A_7 : vector<1x128x64xf32> to vector<128x64xf32>
    %add3A = arith.addf %get3A_3, %get3A_8 : vector<128x64xf32>
    %get3A_9 = arith.constant 0 : index
    %get3A_10 = arith.constant 0 : index
    %get3A_11 = arith.constant 64 : index
    %get3A_12 = vector.load %arg1[%get3A_9, %get3A_10, %get3A_11] : memref<2x128x72xf32, #tpu.memory_space<vmem>>, vector<1x128x8xf32>
    %get3A_13 = vector.shape_cast %get3A_12 : vector<1x128x8xf32> to vector<128x8xf32>
    %get3A_14 = arith.constant 1 : index
    %get3A_15 = arith.constant 0 : index
    %get3A_16 = arith.constant 64 : index
    %get3A_17 = vector.load %arg1[%get3A_14, %get3A_15, %get3A_16] : memref<2x128x72xf32, #tpu.memory_space<vmem>>, vector<1x128x8xf32>
    %get3A_18 = vector.shape_cast %get3A_17 : vector<1x128x8xf32> to vector<128x8xf32>
    %add3A_19 = arith.addf %get3A_13, %get3A_18 : vector<128x8xf32>
    %add3A_20 = arith.constant 1.000000e-16 : f32
    %add3A_21 = vector.broadcast %add3A_20 : f32 to vector<128x8xf32>
    %add3A_22 = arith.addf %add3A_19, %add3A_21 : vector<128x8xf32>
    %div3A = arith.constant 1.000000e+00 : f32
    %div3A_23 = vector.broadcast %div3A : f32 to vector<128x8xf32>
    %div3A_24 = arith.divf %div3A_23, %add3A_22 : vector<128x8xf32>
    %get3A_25 = arith.constant 0 : index
    %get3A_26 = arith.constant 0 : index
    %get3A_27 = vector.load %arg3[%get3A_25, %get3A_26] : memref<8x64xf32, #tpu.memory_space<vmem>>, vector<8x64xf32>
    %dot_general3A = arith.constant dense<0.000000e+00> : vector<128x64xf32>
    %dot_general3A_28 = tpu.matmul %div3A_24, %get3A_27, %dot_general3A {dimension_numbers = #tpu.dot_dimension_numbers<[1], [0], [0], [1], [0, 0, 1, 1], [], []>, transpose_lhs_hint = false} : vector<128x8xf32>, vector<8x64xf32>, vector<128x64xf32> -> vector<128x64xf32>
    %mul3A = arith.mulf %add3A, %dot_general3A_28 : vector<128x64xf32>
    %get3A_29 = arith.constant 0 : index
    %get3A_30 = arith.constant 0 : index
    %get3A_31 = vector.load %arg2[%get3A_29, %get3A_30] : memref<1x64xf32, #tpu.memory_space<vmem>>, vector<1x64xf32>
    %add3A_32 = vector.broadcast %get3A_31 : vector<1x64xf32> to vector<128x64xf32>
    %add3A_33 = arith.addf %mul3A, %add3A_32 : vector<128x64xf32>
    %gt3A = arith.constant 0.000000e+00 : f32
    %gt3A_34 = vector.broadcast %gt3A : f32 to vector<128x64xf32>
    %gt3A_35 = arith.cmpf ogt, %add3A_33, %gt3A_34 : vector<128x64xf32>
    %min3A = arith.constant 0.000000e+00 : f32
    %min3A_36 = vector.broadcast %min3A : f32 to vector<128x64xf32>
    %min3A_37 = arith.minimumf %add3A_33, %min3A_36 : vector<128x64xf32>
    %exp3A = math.exp %min3A_37 : vector<128x64xf32>
    %sub3A = arith.constant 1.000000e+00 : f32
    %sub3A_38 = vector.broadcast %sub3A : f32 to vector<128x64xf32>
    %sub3A_39 = arith.subf %exp3A, %sub3A_38 : vector<128x64xf32>
    %select_n3A = arith.select %gt3A_35, %add3A_33, %sub3A_39 : vector<128x64xi1>, vector<128x64xf32>
    %get3A_40 = arith.constant 0 : index
    %get3A_41 = arith.constant 0 : index
    %get3A_42 = vector.load %arg4[%get3A_40, %get3A_41] : memref<64x32xf32, #tpu.memory_space<vmem>>, vector<64x32xf32>
    %dot_general3A_43 = arith.constant dense<0.000000e+00> : vector<128x32xf32>
    %dot_general3A_44 = tpu.matmul %select_n3A, %get3A_42, %dot_general3A_43 {dimension_numbers = #tpu.dot_dimension_numbers<[1], [0], [0], [1], [0, 0, 1, 1], [], []>, transpose_lhs_hint = false} : vector<128x64xf32>, vector<64x32xf32>, vector<128x32xf32> -> vector<128x32xf32>
    %get3A_45 = arith.constant 0 : index
    %get3A_46 = arith.constant 0 : index
    %get3A_47 = vector.load %arg5[%get3A_45, %get3A_46] : memref<32x2xf32, #tpu.memory_space<vmem>>, vector<32x2xf32>
    %dot_general3A_48 = arith.constant dense<0.000000e+00> : vector<128x2xf32>
    %dot_general3A_49 = tpu.matmul %dot_general3A_44, %get3A_47, %dot_general3A_48 {dimension_numbers = #tpu.dot_dimension_numbers<[1], [0], [0], [1], [0, 0, 1, 1], [], []>, transpose_lhs_hint = false} : vector<128x32xf32>, vector<32x2xf32>, vector<128x2xf32> -> vector<128x2xf32>
    %mul3A_50 = arith.constant 128 : i32
    %mul3A_51 = arith.muli %arg0, %mul3A_50 : i32
    %iota3A = tpu.iota {dimensions = array<i32: 0>} : vector<128x1xi32>
    %add3A_52 = vector.broadcast %mul3A_51 : i32 to vector<128x1xi32>
    %add3A_53 = arith.addi %add3A_52, %iota3A : vector<128x1xi32>
    %lt3A = arith.constant 10000 : i32
    %lt3A_54 = vector.broadcast %lt3A : i32 to vector<128x1xi32>
    %lt3A_55 = arith.cmpi slt, %add3A_53, %lt3A_54 : vector<128x1xi32>
    %jit3A = arith.constant 0.000000e+00 : f32
    %broadcast_in_dim3A = vector.shape_cast %lt3A_55 : vector<128x1xi1> to vector<128x1xi1>
    %broadcast_in_dim3A_56 = vector.broadcast %broadcast_in_dim3A : vector<128x1xi1> to vector<128x32xi1>
    %broadcast_in_dim3A_57 = vector.broadcast %jit3A : f32 to vector<128x32xf32>
    %select_n3A_58 = arith.select %broadcast_in_dim3A_56, %dot_general3A_44, %broadcast_in_dim3A_57 : vector<128x32xi1>, vector<128x32xf32>
    %swap3A = arith.constant 0 : index
    %swap3A_59 = arith.constant 0 : index
    %swap3A_60 = vector.load %arg6[%swap3A, %swap3A_59] : memref<128x32xf32, #tpu.memory_space<vmem>>, vector<128x32xf32>
    tpu.vector_store %arg6[%swap3A, %swap3A_59], %select_n3A_58 {strides = array<i32>} : memref<128x32xf32, #tpu.memory_space<vmem>>, vector<128x32xf32>,
    %jit3A_61 = arith.constant 0.000000e+00 : f32
    %broadcast_in_dim3A_62 = vector.shape_cast %lt3A_55 : vector<128x1xi1> to vector<128x1xi1>
    %broadcast_in_dim3A_63 = vector.broadcast %broadcast_in_dim3A_62 : vector<128x1xi1> to vector<128x2xi1>
    %broadcast_in_dim3A_64 = vector.broadcast %jit3A_61 : f32 to vector<128x2xf32>
    %select_n3A_65 = arith.select %broadcast_in_dim3A_63, %dot_general3A_49, %broadcast_in_dim3A_64 : vector<128x2xi1>, vector<128x2xf32>
    %swap3A_66 = arith.constant 0 : index
    %swap3A_67 = arith.constant 0 : index
    %swap3A_68 = vector.load %arg7[%swap3A_66, %swap3A_67] : memref<128x2xf32, #tpu.memory_space<vmem>>, vector<128x2xf32>
    tpu.vector_store %arg7[%swap3A_66, %swap3A_67], %select_n3A_65 {strides = array<i32>} : memref<128x2xf32, #tpu.memory_space<vmem>>, vector<128x2xf32>,
    return
  }
  func.func @transform_0(%arg0: i32) -> (i32, i32, i32) {
    %c0_i32 = arith.constant 0 : i32
    %c0_i32_0 = arith.constant 0 : i32
    %c0_i32_1 = arith.constant 0 : i32
    return %c0_i32, %arg0, %c0_i32_0 : i32, i32, i32
  }
  func.func @transform_1(%arg0: i32) -> (i32, i32) {
    %c0_i32 = arith.constant 0 : i32
    %c0_i32_0 = arith.constant 0 : i32
    %c0_i32_1 = arith.constant 0 : i32
    return %c0_i32, %c0_i32_0 : i32, i32
  }
  func.func @transform_2(%arg0: i32) -> (i32, i32) {
    %c0_i32 = arith.constant 0 : i32
    %c0_i32_0 = arith.constant 0 : i32
    %c0_i32_1 = arith.constant 0 : i32
    return %c0_i32, %c0_i32_0 : i32, i32
  }
  func.func @transform_3(%arg0: i32) -> (i32, i32) {
    %c0_i32 = arith.constant 0 : i32
    %c0_i32_0 = arith.constant 0 : i32
    %c0_i32_1 = arith.constant 0 : i32
    return %c0_i32, %c0_i32_0 : i32, i32
  }
  func.func @transform_4(%arg0: i32) -> (i32, i32) {
    %c0_i32 = arith.constant 0 : i32
    %c0_i32_0 = arith.constant 0 : i32
    %c0_i32_1 = arith.constant 0 : i32
    return %c0_i32, %c0_i32_0 : i32, i32
  }
  func.func @transform_5(%arg0: i32) -> (i32, i32) {
    %c0_i32 = arith.constant 0 : i32
    %c0_i32_0 = arith.constant 0 : i32
    return %arg0, %c0_i32 : i32, i32
  }
  func.func @transform_6(%arg0: i32) -> (i32, i32) {
    %c0_i32 = arith.constant 0 : i32
    %c0_i32_0 = arith.constant 0 : i32
    return %arg0, %c0_i32 : i32, i32
  }
}

module attributes {stable_mosaic.version = 14 : i64} {
  func.func @_pool_body(%arg0: i32, %arg1: memref<2x128x40xf32, #tpu.memory_space<vmem>>, %arg2: memref<1x128xi32, #tpu.memory_space<vmem>>, %arg3: memref<1x32xf32, #tpu.memory_space<vmem>>, %arg4: memref<32x2xf32, #tpu.memory_space<vmem>>, %arg5: memref<1x2xf32, #tpu.memory_space<vmem>>, %arg6: memref<128x2xf32, #tpu.memory_space<vmem>>, %arg7: memref<128x32xf32, #tpu.memory_space<vmem>>, %arg8: memref<128x1xf32, #tpu.memory_space<vmem>>) attributes {dimension_semantics = [#tpu.dimension_semantics<arbitrary>], iteration_bounds = array<i64: 79>, scalar_prefetch = 0 : i64, scratch_operands = 2 : i64, tpu.core_type = #tpu.core_type<tc>, window_params = [{transform_indices = @transform_0, window_bounds = array<i64: 2, 128, 40>}, {transform_indices = @transform_1, window_bounds = array<i64: 1, 128>}, {pipeline_mode = #tpu.pipeline_mode<synchronous>, transform_indices = @transform_2, window_bounds = array<i64: 1, 32>}, {pipeline_mode = #tpu.pipeline_mode<synchronous>, transform_indices = @transform_3, window_bounds = array<i64: 32, 2>}, {pipeline_mode = #tpu.pipeline_mode<synchronous>, transform_indices = @transform_4, window_bounds = array<i64: 1, 2>}, {pipeline_mode = #tpu.pipeline_mode<synchronous>, transform_indices = @transform_5, window_bounds = array<i64: 128, 2>}]} {
    %eq3A = arith.constant 0 : i32
    %eq3A_0 = arith.cmpi eq, %arg0, %eq3A : i32
    %convert_element_type3A = arith.extui %eq3A_0 : i1 to i32
    %cond3A = arith.constant 0 : i32
    %cond3A_1 = arith.cmpi ne, %convert_element_type3A, %cond3A : i32
    scf.if %cond3A_1 {
      %broadcast_in_dim3A_66 = arith.constant 0.000000e+00 : f32
      %broadcast_in_dim3A_67 = vector.broadcast %broadcast_in_dim3A_66 : f32 to vector<128x32xf32>
      %swap3A_68 = arith.constant 0 : index
      %swap3A_69 = arith.constant 0 : index
      %swap3A_70 = vector.load %arg7[%swap3A_68, %swap3A_69] : memref<128x32xf32, #tpu.memory_space<vmem>>, vector<128x32xf32>
      tpu.vector_store %arg7[%swap3A_68, %swap3A_69], %broadcast_in_dim3A_67 {strides = array<i32>} : memref<128x32xf32, #tpu.memory_space<vmem>>, vector<128x32xf32>,
      %broadcast_in_dim3A_71 = arith.constant 0.000000e+00 : f32
      %broadcast_in_dim3A_72 = vector.broadcast %broadcast_in_dim3A_71 : f32 to vector<128x1xf32>
      %swap3A_73 = arith.constant 0 : index
      %swap3A_74 = arith.constant 0 : index
      %swap3A_75 = vector.load %arg8[%swap3A_73, %swap3A_74] : memref<128x1xf32, #tpu.memory_space<vmem>>, vector<128x1xf32>
      tpu.vector_store %arg8[%swap3A_73, %swap3A_74], %broadcast_in_dim3A_72 {strides = array<i32>} : memref<128x1xf32, #tpu.memory_space<vmem>>, vector<128x1xf32>,
    } else {
    }
    %get3A = arith.constant 0 : index
    %get3A_2 = arith.constant 0 : index
    %get3A_3 = arith.constant 0 : index
    %get3A_4 = vector.load %arg1[%get3A, %get3A_2, %get3A_3] : memref<2x128x40xf32, #tpu.memory_space<vmem>>, vector<1x128x32xf32>
    %get3A_5 = vector.shape_cast %get3A_4 : vector<1x128x32xf32> to vector<128x32xf32>
    %get3A_6 = arith.constant 1 : index
    %get3A_7 = arith.constant 0 : index
    %get3A_8 = arith.constant 0 : index
    %get3A_9 = vector.load %arg1[%get3A_6, %get3A_7, %get3A_8] : memref<2x128x40xf32, #tpu.memory_space<vmem>>, vector<1x128x32xf32>
    %get3A_10 = vector.shape_cast %get3A_9 : vector<1x128x32xf32> to vector<128x32xf32>
    %add3A = arith.addf %get3A_5, %get3A_10 : vector<128x32xf32>
    %get3A_11 = arith.constant 0 : index
    %get3A_12 = arith.constant 0 : index
    %get3A_13 = arith.constant 32 : index
    %get3A_14 = vector.load %arg1[%get3A_11, %get3A_12, %get3A_13] : memref<2x128x40xf32, #tpu.memory_space<vmem>>, vector<1x128x1xf32>
    %get3A_15 = vector.shape_cast %get3A_14 : vector<1x128x1xf32> to vector<128x1xf32>
    %get3A_16 = arith.constant 1 : index
    %get3A_17 = arith.constant 0 : index
    %get3A_18 = arith.constant 32 : index
    %get3A_19 = vector.load %arg1[%get3A_16, %get3A_17, %get3A_18] : memref<2x128x40xf32, #tpu.memory_space<vmem>>, vector<1x128x1xf32>
    %get3A_20 = vector.shape_cast %get3A_19 : vector<1x128x1xf32> to vector<128x1xf32>
    %add3A_21 = arith.addf %get3A_15, %get3A_20 : vector<128x1xf32>
    %add3A_22 = arith.constant 1.000000e-16 : f32
    %add3A_23 = vector.broadcast %add3A_22 : f32 to vector<128x1xf32>
    %add3A_24 = arith.addf %add3A_21, %add3A_23 : vector<128x1xf32>
    %div3A = vector.broadcast %add3A_24 : vector<128x1xf32> to vector<128x32xf32>
    %div3A_25 = arith.divf %add3A, %div3A : vector<128x32xf32>
    %get3A_26 = arith.constant 0 : index
    %get3A_27 = arith.constant 0 : index
    %get3A_28 = vector.load %arg3[%get3A_26, %get3A_27] : memref<1x32xf32, #tpu.memory_space<vmem>>, vector<1x32xf32>
    %add3A_29 = vector.broadcast %get3A_28 : vector<1x32xf32> to vector<128x32xf32>
    %add3A_30 = arith.addf %div3A_25, %add3A_29 : vector<128x32xf32>
    %mul3A = arith.constant 128 : i32
    %mul3A_31 = arith.muli %arg0, %mul3A : i32
    %iota3A = tpu.iota {dimensions = array<i32: 1>} : vector<1x128xi32>
    %add3A_32 = vector.broadcast %mul3A_31 : i32 to vector<1x128xi32>
    %add3A_33 = arith.addi %add3A_32, %iota3A : vector<1x128xi32>
    %lt3A = arith.constant 10000 : i32
    %lt3A_34 = vector.broadcast %lt3A : i32 to vector<1x128xi32>
    %lt3A_35 = arith.cmpi slt, %add3A_33, %lt3A_34 : vector<1x128xi32>
    %iota3A_36 = tpu.iota {dimensions = array<i32: 0>} : vector<128x128xi32>
    %get3A_37 = arith.constant 0 : index
    %get3A_38 = arith.constant 0 : index
    %get3A_39 = vector.load %arg2[%get3A_37, %get3A_38] : memref<1x128xi32, #tpu.memory_space<vmem>>, vector<1x128xi32>
    %eq3A_40 = vector.broadcast %get3A_39 : vector<1x128xi32> to vector<128x128xi32>
    %eq3A_41 = arith.cmpi eq, %eq3A_40, %iota3A_36 : vector<128x128xi32>
    %and3A = vector.broadcast %lt3A_35 : vector<1x128xi1> to vector<128x128xi1>
    %and3A_42 = arith.andi %eq3A_41, %and3A : vector<128x128xi1>
    %jit3A = arith.constant 1.000000e+00 : f32
    %jit3A_43 = arith.constant 0.000000e+00 : f32
    %broadcast_in_dim3A = vector.broadcast %jit3A : f32 to vector<128x128xf32>
    %broadcast_in_dim3A_44 = vector.broadcast %jit3A_43 : f32 to vector<128x128xf32>
    %select_n3A = arith.select %and3A_42, %broadcast_in_dim3A, %broadcast_in_dim3A_44 : vector<128x128xi1>, vector<128x128xf32>
    %get3A_45 = arith.constant 0 : index
    %get3A_46 = arith.constant 0 : index
    %get3A_47 = vector.load %arg7[%get3A_45, %get3A_46] : memref<128x32xf32, #tpu.memory_space<vmem>>, vector<128x32xf32>
    %dot_general3A = arith.constant dense<0.000000e+00> : vector<128x32xf32>
    %dot_general3A_48 = tpu.matmul %select_n3A, %add3A_30, %dot_general3A {dimension_numbers = #tpu.dot_dimension_numbers<[1], [0], [0], [1], [0, 0, 1, 1], [], []>, transpose_lhs_hint = false} : vector<128x128xf32>, vector<128x32xf32>, vector<128x32xf32> -> vector<128x32xf32>
    %add3A_49 = arith.addf %get3A_47, %dot_general3A_48 : vector<128x32xf32>
    %swap3A = arith.constant 0 : index
    %swap3A_50 = arith.constant 0 : index
    %swap3A_51 = vector.load %arg7[%swap3A, %swap3A_50] : memref<128x32xf32, #tpu.memory_space<vmem>>, vector<128x32xf32>
    tpu.vector_store %arg7[%swap3A, %swap3A_50], %add3A_49 {strides = array<i32>} : memref<128x32xf32, #tpu.memory_space<vmem>>, vector<128x32xf32>,
    %get3A_52 = arith.constant 0 : index
    %get3A_53 = arith.constant 0 : index
    %get3A_54 = vector.load %arg8[%get3A_52, %get3A_53] : memref<128x1xf32, #tpu.memory_space<vmem>>, vector<128x1xf32>
    %reduce_sum3A = arith.constant dense<0.000000e+00> : vector<128xf32>
    %reduce_sum3A_55 = vector.multi_reduction <add>, %select_n3A, %reduce_sum3A [1] : vector<128x128xf32> to vector<128xf32>
    %broadcast_in_dim3A_56 = vector.shape_cast %reduce_sum3A_55 : vector<128xf32> to vector<128x1xf32>
    %add3A_57 = arith.addf %get3A_54, %broadcast_in_dim3A_56 : vector<128x1xf32>
    %swap3A_58 = arith.constant 0 : index
    %swap3A_59 = arith.constant 0 : index
    %swap3A_60 = vector.load %arg8[%swap3A_58, %swap3A_59] : memref<128x1xf32, #tpu.memory_space<vmem>>, vector<128x1xf32>
    tpu.vector_store %arg8[%swap3A_58, %swap3A_59], %add3A_57 {strides = array<i32>} : memref<128x1xf32, #tpu.memory_space<vmem>>, vector<128x1xf32>,
    %eq3A_61 = arith.constant 78 : i32
    %eq3A_62 = arith.cmpi eq, %arg0, %eq3A_61 : i32
    %convert_element_type3A_63 = arith.extui %eq3A_62 : i1 to i32
    %cond3A_64 = arith.constant 0 : i32
    %cond3A_65 = arith.cmpi ne, %convert_element_type3A_63, %cond3A_64 : i32
    scf.if %cond3A_65 {
      %get3A_66 = arith.constant 0 : index
      %get3A_67 = arith.constant 0 : index
      %get3A_68 = vector.load %arg7[%get3A_66, %get3A_67] : memref<128x32xf32, #tpu.memory_space<vmem>>, vector<128x32xf32>
      %get3A_69 = arith.constant 0 : index
      %get3A_70 = arith.constant 0 : index
      %get3A_71 = vector.load %arg8[%get3A_69, %get3A_70] : memref<128x1xf32, #tpu.memory_space<vmem>>, vector<128x1xf32>
      %max3A = arith.constant 1.000000e+00 : f32
      %max3A_72 = vector.broadcast %max3A : f32 to vector<128x1xf32>
      %max3A_73 = arith.maximumf %get3A_71, %max3A_72 : vector<128x1xf32>
      %div3A_74 = vector.broadcast %max3A_73 : vector<128x1xf32> to vector<128x32xf32>
      %div3A_75 = arith.divf %get3A_68, %div3A_74 : vector<128x32xf32>
      %get3A_76 = arith.constant 0 : index
      %get3A_77 = arith.constant 0 : index
      %get3A_78 = vector.load %arg4[%get3A_76, %get3A_77] : memref<32x2xf32, #tpu.memory_space<vmem>>, vector<32x2xf32>
      %dot_general3A_79 = arith.constant dense<0.000000e+00> : vector<128x2xf32>
      %dot_general3A_80 = tpu.matmul %div3A_75, %get3A_78, %dot_general3A_79 {dimension_numbers = #tpu.dot_dimension_numbers<[1], [0], [0], [1], [0, 0, 1, 1], [], []>, transpose_lhs_hint = false} : vector<128x32xf32>, vector<32x2xf32>, vector<128x2xf32> -> vector<128x2xf32>
      %get3A_81 = arith.constant 0 : index
      %get3A_82 = arith.constant 0 : index
      %get3A_83 = vector.load %arg5[%get3A_81, %get3A_82] : memref<1x2xf32, #tpu.memory_space<vmem>>, vector<1x2xf32>
      %add3A_84 = vector.broadcast %get3A_83 : vector<1x2xf32> to vector<128x2xf32>
      %add3A_85 = arith.addf %dot_general3A_80, %add3A_84 : vector<128x2xf32>
      %swap3A_86 = arith.constant 0 : index
      %swap3A_87 = arith.constant 0 : index
      %swap3A_88 = vector.load %arg6[%swap3A_86, %swap3A_87] : memref<128x2xf32, #tpu.memory_space<vmem>>, vector<128x2xf32>
      tpu.vector_store %arg6[%swap3A_86, %swap3A_87], %add3A_85 {strides = array<i32>} : memref<128x2xf32, #tpu.memory_space<vmem>>, vector<128x2xf32>,
    } else {
    }
    return
  }
  func.func @transform_0(%arg0: i32) -> (i32, i32, i32) {
    %c0_i32 = arith.constant 0 : i32
    %c0_i32_0 = arith.constant 0 : i32
    %c0_i32_1 = arith.constant 0 : i32
    return %c0_i32, %arg0, %c0_i32_0 : i32, i32, i32
  }
  func.func @transform_1(%arg0: i32) -> (i32, i32) {
    %c0_i32 = arith.constant 0 : i32
    %c0_i32_0 = arith.constant 0 : i32
    return %c0_i32, %arg0 : i32, i32
  }
  func.func @transform_2(%arg0: i32) -> (i32, i32) {
    %c0_i32 = arith.constant 0 : i32
    %c0_i32_0 = arith.constant 0 : i32
    %c0_i32_1 = arith.constant 0 : i32
    return %c0_i32, %c0_i32_0 : i32, i32
  }
  func.func @transform_3(%arg0: i32) -> (i32, i32) {
    %c0_i32 = arith.constant 0 : i32
    %c0_i32_0 = arith.constant 0 : i32
    %c0_i32_1 = arith.constant 0 : i32
    return %c0_i32, %c0_i32_0 : i32, i32
  }
  func.func @transform_4(%arg0: i32) -> (i32, i32) {
    %c0_i32 = arith.constant 0 : i32
    %c0_i32_0 = arith.constant 0 : i32
    %c0_i32_1 = arith.constant 0 : i32
    return %c0_i32, %c0_i32_0 : i32, i32
  }
  func.func @transform_5(%arg0: i32) -> (i32, i32) {
    %c0_i32 = arith.constant 0 : i32
    %c0_i32_0 = arith.constant 0 : i32
    %c0_i32_1 = arith.constant 0 : i32
    return %c0_i32, %c0_i32_0 : i32, i32
  }
}

</mosaic_0001>

<sc_bundles>
// kernel: kernel.10.cloned.1.call-start
scs
__scs_entry_jumppad:
0x0: {  	(pc) =	sbr.rel $0x88, $3  }
0x1: {  	(tag) =	ssettag $0x0;
	lr =	simm.s32 $0x1  }
0x2: {  	[smem:$0x3F94] =	sst lr;
	_ =	strace $0xD0000000  }
0x3: {  	_ = 	snop  }
0x4: {  	_ = 	snop  }
0x5: {  	_ = 	snop  }
0x6: {  	_ = 	snop  }
0x7: {  	_ = 	snop  }
__scs_overlays_trampoline_lowered:
0x8: {  	[smem:$0x3FA3] =	sst s0  }
0x9: {  	[smem:$0x3FA4] =	sst s1  }
0xa: {  	[smem:$0x3FA5] =	sst s2  }
0xb: {  	[smem:$0x3FA6] =	sst s3  }
0xc: {  	[smem:$0x3FA7] =	sst s4  }
0xd: {  	[smem:$0x3FA8] =	sst s5  }
0xe: {  	[smem:$0x3FA9] =	sst s6  }
0xf: {  	[smem:$0x3FAA] =	sst s7  }
0x10: {  	[smem:$0x3FAB] =	sst s8  }
0x11: {  	[smem:$0x3FAC] =	sst s9;
	s0 =	simm.s32 @!p0 $0x0  }
0x12: {  	s1 =	sld [smem:$0x3F92];
	s0 =	simm.s32 @p0 $0x1  }
0x13: {  	[smem:$0x3FAD] =	sst s0;
	s0 =	simm.s32 @!p1 $0x0  }
0x14: {  	s2 =	sld [smem:$0x3F91];
	s0 =	simm.s32 @p1 $0x1  }
0x15: {  	[smem:$0x3FAE] =	sst s0;
	s0 =	simm.s32 @!p2 $0x0  }
0x16: {  	s3 =	sld [smem:$0x3FDB];
	s0 =	simm.s32 @p2 $0x1  }
0x17: {  	s4 =	simm.s32 $0x1BF5;
	[smem:$0x3FB0] =	sst s0  }
0x18: {  	s0 =	sld [smem:$0x3F93];
	_ =	swait.ge [sflag:s4], $0x0  }
0x19: {  	s7 =	sld [smem:$0x3F94]  }
0x1a: {  	s8 =	sadd.s32 $0xFFFFE003, lr  }
0x1b: {  	s9 =	sadd.s32 $0xFFFFFEF7, lr;
	s5 =	simm.s32 $0xFFFFFFFF;
	p2 =	slt.u32 s8, $0xFFFFF086  }
0x1c: {  	p1 =	slt.u32 s9, $0xF7A;
	s5 =	simm.s32 @!p2 $0x0  }
0x1d: {  	s5 =	simm.s32 @p1 $0x1;
	p0 =	seq.s32 s7, s2  }
0x1e: {  	s7 =	smul.u32 @!p0 $0xF7A, s2;
	p2 =	seq.s32 @!p0 s5, $0x0  }
0x1f: {  	s9 =	smul.u32 $0xF7A, s1;
	s8 =	simm.s32 @!p0 $0x1BF5;
	p2 =	por !p2, p0  }
0x20: {  	[sflag:s8] =	ssyncset.s32 @!p0 $0xFFFFF086;
	s6 =	sadd.s32 @!p0 s3, s7;
	s7 =	simm.s32 @!p0 $0x108  }
0x21: {  	s3 =	sadd.s32 s3, s9;
	s6 =	sadd.s32 @!p0 $0x88, s6;
	s7 =	simm.s32 @p2 $0x1082  }
0x22: {  	[simem:s7], [sflag:s8] =	dma.local @!p0 [hbm:s6], $0xF7A  }
0x23: {  	s9 =	sor.u32 $0xD0000000, s2;
	s6 =	simm.s32 $0x108;
	_ =	swait.ge @!p0 [sflag:s8], $0x0  }
0x24: {  	s3 =	sadd.s32 $0x88, s3;
	s6 =	simm.s32 @!p1 $0x1082;
	[sflag:s4] =	ssyncset.s32 $0xFFFFF086  }
0x25: {  	[simem:s6], [sflag:s4] =	dma.local [hbm:s3], $0xF7A  }
0x26: {  	[smem:$0x3F94] =	sst s1;
	(tag) =	ssettag s2;
	_ =	strace s9  }
0x27: {  	s1 =	sld [smem:$0x3FA4]  }
0x28: {  	s2 =	sld [smem:$0x3FA5]  }
0x29: {  	s4 =	sld [smem:$0x3FA7]  }
0x2a: {  	p0 =	seq.s32 s5, $0x0;
	s5 =	sld [smem:$0x3FA8]  }
0x2b: {  	s6 =	sld [smem:$0x3FA9]  }
0x2c: {  	s7 =	sld [smem:$0x3FAA]  }
0x2d: {  	s3 =	simm.s32 $0x108;
	s8 =	sld [smem:$0x3FAB]  }
0x2e: {  	s3 =	simm.s32 @!p0 $0x1082;
	s9 =	sld [smem:$0x3FAC]  }
0x2f: {  	lr =	sadd.s32 s0, s3;
	s0 =	sld [smem:$0x3FA3]  }
0x30: {  	s3 =	sld [smem:$0x3FA6]  }
0x31: {  	[smem:$0x3FAF] =	sst s10  }
0x32: {  	s10 =	sld [smem:$0x3FAD];
	_ =	sdelay $0x3  }
0x33: {  	p0 =	seq.s32 s10, $0x1;
	s10 =	sld [smem:$0x3FAF];
	_ =	sdelay $0x3  }
0x34: {  	[smem:$0x3FAF] =	sst s10  }
0x35: {  	s10 =	sld [smem:$0x3FAE];
	_ =	sdelay $0x3  }
0x36: {  	p1 =	seq.s32 s10, $0x1;
	s10 =	sld [smem:$0x3FAF];
	_ =	sdelay $0x3  }
0x37: {  	[smem:$0x3FAF] =	sst s10  }
0x38: {  	s10 =	sld [smem:$0x3FB0]  }
0x39: {  	_ = 	snop;
	(pc) =	sbr.ind lr, $3  }
0x3a: {  	_ = 	snop  }
0x3b: {  	_ = 	snop  }
0x3c: {  	p2 =	seq.s32 s10, $0x1;
	s10 =	sld [smem:$0x3FAF]  }
0x3d: {  	_ =	shalt  }
0x3e: {  	_ =	shalt  }
0x3f: {  	_ =	shalt  }
0x40: {  	_ =	shalt  }
0x41: {  	_ =	shalt  }
0x42: {  	_ =	shalt  }
0x43: {  	_ =	shalt  }
0x44: {  	_ =	shalt  }
0x45: {  	_ =	shalt  }
0x46: {  	_ =	shalt  }
0x47: {  	_ =	shalt  }
0x48: {  	_ =	shalt  }
0x49: {  	_ =	shalt  }
0x4a: {  	_ =	shalt  }
0x4b: {  	_ =	shalt  }
0x4c: {  	_ =	shalt  }
0x4d: {  	_ =	shalt  }
0x4e: {  	_ =	shalt  }
0x4f: {  	_ =	shalt  }
0x50: {  	_ =	shalt  }
0x51: {  	_ =	shalt  }
0x52: {  	_ =	shalt  }
0x53: {  	_ =	shalt  }
0x54: {  	_ =	shalt  }
0x55: {  	_ =	shalt  }
0x56: {  	_ =	shalt  }
0x57: {  	_ =	shalt  }
0x58: {  	_ =	shalt  }
0x59: {  	_ =	shalt  }
0x5a: {  	_ =	shalt  }
0x5b: {  	_ =	shalt  }
0x5c: {  	_ =	shalt  }
0x5d: {  	_ =	shalt  }
0x5e: {  	_ =	shalt  }
0x5f: {  	_ =	shalt  }
0x60: {  	_ =	shalt  }
0x61: {  	_ =	shalt  }
0x62: {  	_ =	shalt  }
0x63: {  	_ =	shalt  }
0x64: {  	_ =	shalt  }
0x65: {  	_ =	shalt  }
0x66: {  	_ =	shalt  }
0x67: {  	_ =	shalt  }
0x68: {  	_ =	shalt  }
0x69: {  	_ =	shalt  }
0x6a: {  	_ =	shalt  }
0x6b: {  	_ =	shalt  }
0x6c: {  	_ =	shalt  }
0x6d: {  	_ =	shalt  }
0x6e: {  	_ =	shalt  }
0x6f: {  	_ =	shalt  }
0x70: {  	_ =	shalt  }
0x71: {  	_ =	shalt  }
0x72: {  	_ =	shalt  }
0x73: {  	_ =	shalt  }
0x74: {  	_ =	shalt  }
0x75: {  	_ =	shalt  }
0x76: {  	_ =	shalt  }
0x77: {  	_ =	shalt  }
0x78: {  	_ =	shalt  }
0x79: {  	_ =	shalt  }
0x7a: {  	_ =	shalt  }
0x7b: {  	_ =	shalt  }
0x7c: {  	_ =	shalt  }
0x7d: {  	_ =	shalt  }
0x7e: {  	_ =	shalt  }
0x7f: {  	_ =	shalt  }
0x80: {  	_ =	shalt  }
0x81: {  	_ =	shalt  }
0x82: {  	_ =	shalt  }
0x83: {  	_ =	shalt  }
0x84: {  	_ =	shalt  }
0x85: {  	_ =	shalt  }
0x86: {  	_ =	shalt  }
0x87: {  	_ =	shalt  }
.Lfunc_end0:
.L_simem_size_0:
called_computation.1_lowered:
.L_overlay_start_0:
0x88: {  	s2 =	sld [smem:$0x3FD9]  }
0x89: {  	s3 =	sld [smem:$0x3FFE];
	_ =	sdelay $0x1  }
0x8a: {  	s1 =	srdreg.scid  }
0x8b: {  	s0 =	sand.u32 $0x1, s1  }
0x8c: {  	s16 =	sshll.u32 s0, $0xA;
	s2 =	sadd.s32 s3, s2  }
0x8d: {  	s2 =	sadd.s32 s2, s16  }
0x8e: {  	[smem:$0x3FBB] =	sst s2  }
0x8f: {  	_ = 	snop  }
0x90: {  	(tm) =	ssettm $0x1  }
0x91: {  	s17 =	sld [smem:$0x3FFB];
	_ =	sdelay $0x3  }
0x92: {  	_ =	strace s17  }
0x93: {  	s2 =	sld [smem:$0x3FFC];
	_ =	sdelay $0x3  }
0x94: {  	_ =	strace s2  }
0x95: {  	s2 =	sld [smem:$0x3FFD];
	_ =	sdelay $0x3  }
0x96: {  	_ =	strace s2  }
0x97: {  	_ =	strace $0x8FFFFFFF  }
0x98: {  	s18 =	sld [smem:$0x3FDB];
	_ =	sdelay $0x1  }
0x99: {  	s19 =	simm.s32 $_scs_section_size  }
0x9a: {  	s4 =	simm.s32 $_size__tile_overlayer_lowered;
	s5 =	simm.s32 $_tile_overlayer_lowered  }
0x9b: {  	s22 =	simm.s32 $0x1BFF;
	s21 =	sshll.u32 s5, $0x1;
	s2 =	sadd.s32 s19, s18  }
0x9c: {  	s6 =	simm.s32 $0x0;
	s20 =	sshll.u32 s4, $0x1;
	s4 =	sadd.s32 s21, s2  }
0x9d: {  	[timem:s6], [sflag:s22] =	dma.local [hbm:s4], s20  }
0x9e: {  	_ =	swait.ge [sflag:s22], s20  }
0x9f: {  	s3 =	ssub.s32 $0x0, s20;
	[sflag:s22] =	ssyncset.done $0x0  }
0xa0: {  	[sflag:s22] =	ssyncadd.s32 s3;
	_ =	sdelay $0x1  }
0xa1: {  	s23 =	simm.s32 $0x1B8B  }
0xa2: {  	_ =	swait.ge [sflag:s23], $0x1  }
0xa3: {  	[sflag:s23] =	ssyncset.done $0x0  }
0xa4: {  	s25 =	simm.s32 $0x1B8E;
	s24 =	sld [smem:$0x3FFE];
	[sflag:s23] =	ssyncadd.s32 $0xFFFFFFFF  }
0xa5: {  	s26 =	simm.s32 $execute0_lowered;
	[smem:$0x3FD2] =	sst s25  }
0xa6: {  	s4 =	sshll.u32 s26, $0x1;
	_ =	strace $0x80000049;
	[dreg:$0x1] =	wrdreg $0xFFFFFFFF  }
0xa7: {  	s28 =	simm.s32 $_size_execute0_lowered;
	s2 =	sadd.s32 s2, s4;
	[dreg:$0x0] =	wrdreg $0x0  }
0xa8: {  	s4 =	sshll.u32 s28, $0x1;
	[dreg:$0x2] =	wrdreg s2  }
0xa9: {  	[dreg:$0x3] =	wrdreg s4  }
0xaa: {  	[dreg:$0x4] =	wrdreg $0xC0  }
0xab: {  	_ =	task [dreg:s6], $0x5FFFF  }
0xac: {  	[dreg:$0x1] =	wrdreg $0xFFFFFFFF  }
0xad: {  	[dreg:$0x0] =	wrdreg $0x60  }
0xae: {  	[dreg:$0x2] =	wrdreg s24  }
0xaf: {  	[dreg:$0x3] =	wrdreg $0xE8400  }
0xb0: {  	[dreg:$0x4] =	wrdreg $0x9  }
0xb1: {  	_ =	task.clear_ibuf [dreg:s6], $0x5FFFF;
	_ =	strace $0x90000049  }
0xb2: {  	s29 =	simm.s32 $0x9;
	_ =	strace $0x8000004B  }
0xb3: {  	_ =	swait.ge [sflag:s29], $0x1  }
0xb4: {  	[sflag:s29] =	ssyncadd.s32 $0xFFFFFFFF  }
0xb5: {  	_ =	strace $0x9000004B  }
0xb6: {  	_ =	sfence  }
0xb7: {  	s30 =	sld [smem:$0x0];
	_ =	sdelay $0x2  }
0xb8: {  	s31 =	sshll.u32 s1, $0xD;
	s1 =	sshrl.u32 s1, $0x2  }
0xb9: {  	s3 =	sand.u32 $0x4000, s31;
	s1 =	sadd.s32 s1, s30  }
0xba: {  	s0 =	sor.u32 s3, s0;
	s1 =	sshll.u32 s1, $0x11  }
0xbb: {  	s0 =	sor.u32 s1, s0  }
0xbc: {  	s0 =	sadd.s32 $0x8F2B, s0  }
0xbd: {  	[sflag:s0] =	ssyncadd.remote.s32 $0x1  }
0xbe: {  	_ =	sfence.sel $0xFFFF  }
0xbf: {  	[dreg:$0x0] =	wrdreg $0xFFFFFFFF;
	(pc) =	sbr.abs _section_cstart, $3  }
0xc0: {  	[dreg:$0x1] =	wrdreg $0xFFFFFFFF  }
0xc1: {  	_ =	task.clear_ibuf [dreg:s6], $0x2FFFF;
	_ =	strace $0x9FFFFFFF  }
0xc2: {  	(tm) =	ssettm $0x7FFFFFFF  }
0xc3: {  	_ =	shalt  }
tec
execute0_lowered:
.L_overlay_start_1:
0x0: {  	(tag) =	ssettag $0x1  }
0x1: {  	s0 =	rddreg [dreg:$0x0]  }
0x2: {  	s1 =	srdreg.scid;
	s8 =	stileid.u32  }
0x3: {  	s2 =	rddreg [dreg:$0x1];
	s3 =	simm.s32 $0x0;
	s15 =	simm.s32 $0x5  }
0x4: {  	s17 =	simm.s32 $0x9A00;
	s18 =	simm.s32 $0xC120;
	s19 =	simm.s32 $0x7200  }
0x5: {  	s28 =	simm.s32 $0x3;
	s29 =	simm.s32 $0x4;
	s30 =	simm.s32 $0x0  }
0x6: {  	s1 =	sand.u32 $0x1, s1;
	s4 =	sshll.u32 s8, $0x1;
	[smem:$0x7FF] =	sst s3  }
0x7: {  	s7 =	sadd.s32 $0x1600, s0;
	s20 =	sadd.s32 $0x1000, s0;
	s21 =	smul.u32 $0x19000, s8  }
0x8: {  	s8 =	smul.u32 $0x6400, s8;
	_ =	strace $0x8000004A;
	[dreg:$0x3] =	wrdreg s7  }
0x9: {  	s4 =	sor.u32 s1, s4;
	s6 =	smul.u32 $0xC800, s1;
	[dreg:$0x4] =	wrdreg s20  }
0xa: {  	s1 =	ssub.s32 $0x2, s1;
	s20 =	simm.s32 $0x5200;
	s5 =	smul.u32 $0x520, s4  }
0xb: {  	s4 =	sadd.s32 $0x1C00, s0;
	s22 =	sshrl.u32 s1, $0x1;
	s7 =	sshrl.u32 s21, $0x2  }
0xc: {  	s9 =	sadd.s32 s8, s2;
	s31 =	sshrl.u32 s8, $0x3;
	s21 =	simm.s32 $0x6200  }
0xd: {  	s1 =	ssub.s32 s1, s22;
	s24 =	sadd.s32 s7, s2;
	s22 =	simm.s32 $0x1  }
0xe: {  	s5 =	sadd.s32 s5, s0;
	s0 =	sadd.s32 s6, s0;
	s25 =	sadd.s32 $0x1400, s24  }
0xf: {  	s26 =	sadd.s32 $0x2800, s24;
	s12 =	sadd.s32 $0x3C00, s24;
	s13 =	sadd.s32 $0x5000, s24  }
0x10: {  	s14 =	smax.u32 s1, $0x1;
	s23 =	sadd.s32 $0x23E00, s5;
	[dreg:$0x7] =	wrdreg s25  }
0x11: {  	s5 =	sadd.s32 $0x19A00, s5;
	[dreg:$0x8] =	wrdreg s26;
	s0 =	sadd.s32 $0x2E200, s0  }
0x12: {  	s25 =	simm.s32 $0x2;
	s26 =	simm.s32 $0x8600;
	[dreg:$0x5] =	wrdreg s23  }
0x13: {  	v0 =	vimm.f32 $0.0e+00;
	v1 =	vlaneseq.u32;
	[dreg:$0x6] =	wrdreg s5;
	s23 =	simm.s32 $0x80;
	s24 =	sadd.s32 s31, s0  }
.LBB2_1:
0x14: {  	s0 =	rddreg [dreg:$0x5]  }
0x15: {  	[tilespmem:s3], [sflag:$0x5] =	stream.linear.gather [hbm4b:s0+s3], $0x2900, $0x38;
	[tilespmem:$0x14C40] =	vst v63  }
0x16: {  	_ =	swait.ge [sflag:s15], $0x2900  }
0x17: {  	[sflag:s15] =	ssyncset.done $0x0  }
0x18: {  	s1 =	simm.s32 $0x2900;
	s11 =	rddreg [dreg:$0x6];
	[sflag:s15] =	ssyncadd.s32 $0xFFFFD700  }
0x19: {  	[tilespmem:s1], [sflag:$0x5] =	stream.linear.gather [hbm4b:s11+s3], $0x2900, $0x38;
	[tilespmem:$0x14C40] =	vst v63  }
0x1a: {  	_ =	swait.ge [sflag:s15], $0x2900  }
0x1b: {  	[sflag:s15] =	ssyncset.done $0x0  }
0x1c: {  	s16 =	rddreg [dreg:$0x3];
	[sflag:s15] =	ssyncadd.s32 $0xFFFFD700  }
0x1d: {  	[tilespmem:s17], [sflag:$0x5] =	stream.linear.gather [hbm4b:s16+s3], $0x2720, $0x38;
	[tilespmem:$0x14C40] =	vst v63  }
0x1e: {  	_ =	swait.ge [sflag:s15], $0x2720  }
0x1f: {  	[sflag:s15] =	ssyncset.done $0x0  }
0x20: {  	s31 =	rddreg [dreg:$0x4];
	[sflag:s15] =	ssyncadd.s32 $0xFFFFD8E0  }
0x21: {  	[tilespmem:s18], [sflag:$0x5] =	stream.linear.gather [hbm4b:s31+s3], $0x2720, $0x38;
	[tilespmem:$0x14C40] =	vst v63  }
0x22: {  	_ =	swait.ge [sflag:s15], $0x2720  }
0x23: {  	[sflag:s15] =	ssyncset.done $0x0  }
0x24: {  	s0 =	simm.s32 $0x18;
	[sflag:s15] =	ssyncadd.s32 $0xFFFFD8E0  }
0x25: {  	[tilespmem:s0+$0x71F8] =	vst v0  }
0x26: {  	[tilespmem:s0+$0x85F8] =	vst v0  }
0x27: {  	[tilespmem:s0+$0x71E8] =	vst v0  }
0x28: {  	[tilespmem:s0+$0x7200] =	vst v0  }
0x29: {  	s1 =	simm.s32 $0x100;
	[tilespmem:s0+$0x8600] =	vst v0  }
.LBB2_2:
0x2a: {  	[tilespmem:s0+$0x85E8] =	vst v0;
	s0 =	sshra.s32 s1, $0x2;
	p0 =	sne.s32 s1, $0x4FC0  }
.Ltmp0:
0x2b: {  	[tilespmem:s0+$0x71F8] =	vst v0;
	(pc) =	sbr.rel @p0 .LBB2_2-.Ltmp0, $4  }
0x2c: {  	[tilespmem:s0+$0x7200] =	vst v0  }
0x2d: {  	s1 =	sadd.s32 $0xA0, s1;
	[tilespmem:s0+$0x85F8] =	vst v0  }
0x2e: {  	[tilespmem:s0+$0x8600] =	vst v0  }
0x2f: {  	[tilespmem:s0+$0x71E8] =	vst v0  }
0x30: {  	[tilespmem:s0+$0x85E8] =	vst v0  }
0x31: {  	[spmem:s9] =	stream.linear.scatter [tilespmem:s19], [sflag:$0x5], $0x1400, $0x38;
	[tilespmem:$0x14C40] =	vst v63  }
0x32: {  	_ =	swait.ge [sflag:s15], $0x1400  }
0x33: {  	[sflag:s15] =	ssyncset.done $0x0  }
0x34: {  	s11 =	rddreg [dreg:$0x7];
	[sflag:s15] =	ssyncadd.s32 $0xFFFFEC00  }
0x35: {  	[spmem:s11] =	stream.linear.scatter [tilespmem:s19], [sflag:$0x5], $0x1400, $0x38;
	[tilespmem:$0x14C40] =	vst v63  }
0x36: {  	_ =	swait.ge [sflag:s15], $0x1400  }
0x37: {  	[sflag:s15] =	ssyncset.done $0x0  }
0x38: {  	s16 =	rddreg [dreg:$0x8];
	[sflag:s15] =	ssyncadd.s32 $0xFFFFEC00  }
0x39: {  	[spmem:s16] =	stream.linear.scatter [tilespmem:s19], [sflag:$0x5], $0x1400, $0x38;
	[tilespmem:$0x14C40] =	vst v63  }
0x3a: {  	_ =	swait.ge [sflag:s15], $0x1400  }
0x3b: {  	[sflag:s15] =	ssyncset.done $0x0  }
0x3c: {  	[sflag:s15] =	ssyncadd.s32 $0xFFFFEC00  }
0x3d: {  	[spmem:s12] =	stream.linear.scatter [tilespmem:s19], [sflag:$0x5], $0x1400, $0x38;
	[tilespmem:$0x14C40] =	vst v63  }
0x3e: {  	_ =	swait.ge [sflag:s15], $0x1400  }
0x3f: {  	[sflag:s15] =	ssyncset.done $0x0  }
0x40: {  	[sflag:s15] =	ssyncadd.s32 $0xFFFFEC00  }
0x41: {  	[spmem:s13] =	stream.linear.scatter [tilespmem:s19], [sflag:$0x5], $0x1400, $0x38;
	[tilespmem:$0x14C40] =	vst v63  }
0x42: {  	_ =	swait.ge [sflag:s15], $0x1400  }
0x43: {  	[sflag:s15] =	ssyncset.done $0x0  }
0x44: {  	[sflag:s15] =	ssyncadd.s32 $0xFFFFEC00  }
0x45: {  	s31 =	simm.s32 $0x80;
	s10 =	simm.s32 $0x0;
	[bflag:$0x0] =	sbarrier.arrive $0xFFFF  }
0x46: {  	[tilespmem:s20], [sflag:$0x1] =	stream.indirect.gather [hbm4b:s4+s31], $0x20, s10, s31, $0xb8;
	[tilespmem:$0x14C40] =	vst v63  }
0x47: {  	s8 =	simm.s32 $0x2900;
	s0 =	simm.s32 $0x2980;
	s5 =	simm.s32 $0x0  }
0x48: {  	[tilespmem:s21], [sflag:$0x2] =	stream.indirect.gather [hbm4b:s4+s31], $0x20, s31, s31, $0xb8;
	[tilespmem:$0x14C40] =	vst v63  }
.LBB2_4:
0x49: {  	_ =	swait.ge [sflag:s22], $0x1000  }
0x4a: {  	p0 =	seq.s32 s5, $0x0;
	[sflag:s22] =	ssyncset.done $0x0  }
0x4b: {  	s1 =	simm.s32 @!p0 $0x3;
	[sflag:s22] =	ssyncadd.s32 $0xFFFFF000  }
0x4c: {  	s7 =	sshll.u32 s5, $0x1;
	_ =	swait.ge @!p0 [sflag:s1], $0x1400  }
0x4d: {  	s6 =	sshllo.u32 s5, $0x1;
	s16 =	smov.u32 s8;
	[sflag:s1] =	ssyncset.done @!p0 $0x0  }
0x4e: {  	s11 =	simm.s32 $0x0;
	[sflag:s1] =	ssyncadd.s32 @!p0 $0xFFFFEC00;
	s1 =	smov.u32 s10  }
.LBB2_5:
0x4f: {  	v2 =	vld [tilespmem:s1+$0x0]  }
0x50: {  	v3 =	vld [tilespmem:s16+$0x0];
	_ =	sdelay $0x6  }
0x51: {  	v2 =	vld.idx.msk [tilespmem:v2+s17+$0x0], $0xffff  }
0x52: {  	v3 =	vld.idx.msk [tilespmem:v3+s18+$0x0], $0xffff;
	_ =	sdelay $0x4  }
0x53: {  	v2 =	vadd.f32 v3, v2;
	_ =	sdelay $0x1  }
0x54: {  	v3 =	vmul.f32 $2.000000030e-01, v2  }
0x55: {  	vm0 =	vge.f32 v2, $0.0e+00  }
0x56: {  	v2 =	vsel vm0, v2, v3  }
0x57: {  	v2 =	vmul.f32 $1.442695020e+00, v2;
	_ =	sdelay $0x1  }
0x58: {  	(erf) = vpow2.f32 v2;
	_ =	sdelay $0x1  }
0x59: {  	v3 =	vor.u32 s11, v1  }
0x5a: {  	v2 =	vmul.u32 $0x28, v3;
	_ =	sdelay $0x1  }
0x5b: {  	v5 =	vadd.s32 $0x20, v2  }
0x5c: {  	v4 =	vshll.u32 v3, $0x5;
	_ =	sdelay $0x2  }
0x5d: {  	v3 =	vpop (erf)  }
0x5e: {  	[tilespmem:v5+s19+$0x0] =	vst.idx.msk $0xffff, v3  }
0x5f: {  	v5 =	vld.idx.msk [tilespmem:v4+s20+$0x0], $0xffff;
	_ =	sdelay $0x2  }
0x60: {  	v6 =	vor.u32 $0x1, v4;
	_ =	sdelay $0x1  }
0x61: {  	v5 =	vmul.f32 v3, v5;
	_ =	sdelay $0x1  }
0x62: {  	[tilespmem:v2+s19+$0x0] =	vst.idx.msk $0xffff, v5  }
0x63: {  	v5 =	vld.idx.msk [tilespmem:v6+s20+$0x0], $0xffff;
	_ =	sdelay $0x1  }
0x64: {  	v61 =	vor.u32 $0x1, v2  }
0x65: {  	v7 =	vor.u32 $0x2, v4;
	_ =	sdelay $0x1  }
0x66: {  	v5 =	vmul.f32 v3, v5;
	_ =	sdelay $0x1  }
0x67: {  	[tilespmem:v61+s19+$0x0] =	vst.idx.msk $0xffff, v5  }
0x68: {  	v5 =	vld.idx.msk [tilespmem:v7+s20+$0x0], $0xffff;
	_ =	sdelay $0x1  }
0x69: {  	v62 =	vor.u32 $0x2, v2  }
0x6a: {  	v63 =	vor.u32 $0x3, v4;
	_ =	sdelay $0x1  }
0x6b: {  	v5 =	vmul.f32 v5, v3;
	_ =	sdelay $0x1  }
0x6c: {  	[tilespmem:v62+s19+$0x0] =	vst.idx.msk $0xffff, v5  }
0x6d: {  	v5 =	vld.idx.msk [tilespmem:v63+s20+$0x0], $0xffff;
	_ =	sdelay $0x1  }
0x6e: {  	v9 =	vor.u32 $0x3, v2  }
0x6f: {  	v10 =	vor.u32 $0x4, v4;
	_ =	sdelay $0x1  }
0x70: {  	v5 =	vmul.f32 v5, v3;
	_ =	sdelay $0x1  }
0x71: {  	[tilespmem:v9+s19+$0x0] =	vst.idx.msk $0xffff, v5  }
0x72: {  	v5 =	vld.idx.msk [tilespmem:v10+s20+$0x0], $0xffff;
	_ =	sdelay $0x1  }
0x73: {  	v11 =	vor.u32 $0x4, v2  }
0x74: {  	v12 =	vor.u32 $0x5, v4;
	_ =	sdelay $0x1  }
0x75: {  	v5 =	vmul.f32 v5, v3;
	_ =	sdelay $0x1  }
0x76: {  	[tilespmem:v11+s19+$0x0] =	vst.idx.msk $0xffff, v5  }
0x77: {  	v5 =	vld.idx.msk [tilespmem:v12+s20+$0x0], $0xffff;
	_ =	sdelay $0x1  }
0x78: {  	v13 =	vor.u32 $0x5, v2  }
0x79: {  	v14 =	vor.u32 $0x6, v4;
	_ =	sdelay $0x1  }
0x7a: {  	v5 =	vmul.f32 v5, v3;
	_ =	sdelay $0x1  }
0x7b: {  	[tilespmem:v13+s19+$0x0] =	vst.idx.msk $0xffff, v5  }
0x7c: {  	v5 =	vld.idx.msk [tilespmem:v14+s20+$0x0], $0xffff;
	_ =	sdelay $0x1  }
0x7d: {  	v15 =	vor.u32 $0x6, v2  }
0x7e: {  	v16 =	vor.u32 $0x7, v4;
	_ =	sdelay $0x1  }
0x7f: {  	v5 =	vmul.f32 v5, v3;
	_ =	sdelay $0x1  }
0x80: {  	[tilespmem:v15+s19+$0x0] =	vst.idx.msk $0xffff, v5  }
0x81: {  	v5 =	vld.idx.msk [tilespmem:v16+s20+$0x0], $0xffff;
	_ =	sdelay $0x1  }
0x82: {  	v17 =	vor.u32 $0x7, v2  }
0x83: {  	v18 =	vor.u32 $0x8, v4;
	_ =	sdelay $0x1  }
0x84: {  	v5 =	vmul.f32 v5, v3;
	_ =	sdelay $0x1  }
0x85: {  	[tilespmem:v17+s19+$0x0] =	vst.idx.msk $0xffff, v5  }
0x86: {  	v5 =	vld.idx.msk [tilespmem:v18+s20+$0x0], $0xffff;
	_ =	sdelay $0x1  }
0x87: {  	v19 =	vadd.s32 $0x8, v2  }
0x88: {  	v20 =	vor.u32 $0x9, v4;
	_ =	sdelay $0x1  }
0x89: {  	v5 =	vmul.f32 v5, v3;
	_ =	sdelay $0x1  }
0x8a: {  	[tilespmem:v19+s19+$0x0] =	vst.idx.msk $0xffff, v5  }
0x8b: {  	v5 =	vld.idx.msk [tilespmem:v20+s20+$0x0], $0xffff;
	_ =	sdelay $0x1  }
0x8c: {  	v21 =	vadd.s32 $0x9, v2  }
0x8d: {  	v22 =	vor.u32 $0xA, v4;
	_ =	sdelay $0x1  }
0x8e: {  	v5 =	vmul.f32 v5, v3;
	_ =	sdelay $0x1  }
0x8f: {  	[tilespmem:v21+s19+$0x0] =	vst.idx.msk $0xffff, v5  }
0x90: {  	v5 =	vld.idx.msk [tilespmem:v22+s20+$0x0], $0xffff;
	_ =	sdelay $0x1  }
0x91: {  	v23 =	vadd.s32 $0xA, v2  }
0x92: {  	v24 =	vor.u32 $0xB, v4;
	_ =	sdelay $0x1  }
0x93: {  	v5 =	vmul.f32 v5, v3;
	_ =	sdelay $0x1  }
0x94: {  	[tilespmem:v23+s19+$0x0] =	vst.idx.msk $0xffff, v5  }
0x95: {  	v5 =	vld.idx.msk [tilespmem:v24+s20+$0x0], $0xffff;
	_ =	sdelay $0x1  }
0x96: {  	v25 =	vadd.s32 $0xB, v2  }
0x97: {  	v26 =	vor.u32 $0xC, v4;
	_ =	sdelay $0x1  }
0x98: {  	v5 =	vmul.f32 v5, v3;
	_ =	sdelay $0x1  }
0x99: {  	[tilespmem:v25+s19+$0x0] =	vst.idx.msk $0xffff, v5  }
0x9a: {  	v5 =	vld.idx.msk [tilespmem:v26+s20+$0x0], $0xffff;
	_ =	sdelay $0x1  }
0x9b: {  	v27 =	vadd.s32 $0xC, v2  }
0x9c: {  	v28 =	vor.u32 $0xD, v4;
	_ =	sdelay $0x1  }
0x9d: {  	v5 =	vmul.f32 v5, v3;
	_ =	sdelay $0x1  }
0x9e: {  	[tilespmem:v27+s19+$0x0] =	vst.idx.msk $0xffff, v5  }
0x9f: {  	v5 =	vld.idx.msk [tilespmem:v28+s20+$0x0], $0xffff;
	_ =	sdelay $0x1  }
0xa0: {  	v29 =	vadd.s32 $0xD, v2  }
0xa1: {  	v30 =	vor.u32 $0xE, v4;
	_ =	sdelay $0x1  }
0xa2: {  	v5 =	vmul.f32 v5, v3;
	_ =	sdelay $0x1  }
0xa3: {  	[tilespmem:v29+s19+$0x0] =	vst.idx.msk $0xffff, v5  }
0xa4: {  	v5 =	vld.idx.msk [tilespmem:v30+s20+$0x0], $0xffff;
	_ =	sdelay $0x1  }
0xa5: {  	v31 =	vadd.s32 $0xE, v2  }
0xa6: {  	v32 =	vor.u32 $0xF, v4;
	_ =	sdelay $0x1  }
0xa7: {  	v5 =	vmul.f32 v5, v3;
	_ =	sdelay $0x1  }
0xa8: {  	[tilespmem:v31+s19+$0x0] =	vst.idx.msk $0xffff, v5  }
0xa9: {  	v5 =	vld.idx.msk [tilespmem:v32+s20+$0x0], $0xffff;
	_ =	sdelay $0x1  }
0xaa: {  	v33 =	vadd.s32 $0xF, v2  }
0xab: {  	v34 =	vor.u32 $0x10, v4;
	_ =	sdelay $0x1  }
0xac: {  	v5 =	vmul.f32 v5, v3;
	_ =	sdelay $0x1  }
0xad: {  	[tilespmem:v33+s19+$0x0] =	vst.idx.msk $0xffff, v5  }
0xae: {  	v5 =	vld.idx.msk [tilespmem:v34+s20+$0x0], $0xffff;
	_ =	sdelay $0x1  }
0xaf: {  	v35 =	vadd.s32 $0x10, v2  }
0xb0: {  	v36 =	vor.u32 $0x11, v4;
	_ =	sdelay $0x1  }
0xb1: {  	v5 =	vmul.f32 v5, v3;
	_ =	sdelay $0x1  }
0xb2: {  	[tilespmem:v35+s19+$0x0] =	vst.idx.msk $0xffff, v5  }
0xb3: {  	v5 =	vld.idx.msk [tilespmem:v36+s20+$0x0], $0xffff;
	_ =	sdelay $0x1  }
0xb4: {  	v37 =	vadd.s32 $0x11, v2  }
0xb5: {  	v38 =	vor.u32 $0x12, v4;
	_ =	sdelay $0x1  }
0xb6: {  	v5 =	vmul.f32 v5, v3;
	_ =	sdelay $0x1  }
0xb7: {  	[tilespmem:v37+s19+$0x0] =	vst.idx.msk $0xffff, v5  }
0xb8: {  	v5 =	vld.idx.msk [tilespmem:v38+s20+$0x0], $0xffff;
	_ =	sdelay $0x1  }
0xb9: {  	v39 =	vadd.s32 $0x12, v2  }
0xba: {  	v40 =	vor.u32 $0x13, v4;
	_ =	sdelay $0x1  }
0xbb: {  	v5 =	vmul.f32 v5, v3;
	_ =	sdelay $0x1  }
0xbc: {  	[tilespmem:v39+s19+$0x0] =	vst.idx.msk $0xffff, v5  }
0xbd: {  	v5 =	vld.idx.msk [tilespmem:v40+s20+$0x0], $0xffff;
	_ =	sdelay $0x1  }
0xbe: {  	v41 =	vadd.s32 $0x13, v2  }
0xbf: {  	v42 =	vor.u32 $0x14, v4;
	_ =	sdelay $0x1  }
0xc0: {  	v5 =	vmul.f32 v5, v3;
	_ =	sdelay $0x1  }
0xc1: {  	[tilespmem:v41+s19+$0x0] =	vst.idx.msk $0xffff, v5  }
0xc2: {  	v5 =	vld.idx.msk [tilespmem:v42+s20+$0x0], $0xffff;
	_ =	sdelay $0x1  }
0xc3: {  	v43 =	vadd.s32 $0x14, v2  }
0xc4: {  	v44 =	vor.u32 $0x15, v4;
	_ =	sdelay $0x1  }
0xc5: {  	v5 =	vmul.f32 v5, v3;
	_ =	sdelay $0x1  }
0xc6: {  	[tilespmem:v43+s19+$0x0] =	vst.idx.msk $0xffff, v5  }
0xc7: {  	v5 =	vld.idx.msk [tilespmem:v44+s20+$0x0], $0xffff;
	_ =	sdelay $0x1  }
0xc8: {  	v45 =	vadd.s32 $0x15, v2  }
0xc9: {  	v46 =	vor.u32 $0x16, v4;
	_ =	sdelay $0x1  }
0xca: {  	v5 =	vmul.f32 v5, v3;
	_ =	sdelay $0x1  }
0xcb: {  	[tilespmem:v45+s19+$0x0] =	vst.idx.msk $0xffff, v5  }
0xcc: {  	v5 =	vld.idx.msk [tilespmem:v46+s20+$0x0], $0xffff;
	_ =	sdelay $0x1  }
0xcd: {  	v47 =	vadd.s32 $0x16, v2  }
0xce: {  	v48 =	vor.u32 $0x17, v4;
	_ =	sdelay $0x1  }
0xcf: {  	v5 =	vmul.f32 v5, v3;
	_ =	sdelay $0x1  }
0xd0: {  	[tilespmem:v47+s19+$0x0] =	vst.idx.msk $0xffff, v5  }
0xd1: {  	v5 =	vld.idx.msk [tilespmem:v48+s20+$0x0], $0xffff;
	_ =	sdelay $0x1  }
0xd2: {  	v49 =	vadd.s32 $0x17, v2  }
0xd3: {  	v50 =	vor.u32 $0x18, v4;
	_ =	sdelay $0x1  }
0xd4: {  	v5 =	vmul.f32 v5, v3;
	_ =	sdelay $0x1  }
0xd5: {  	[tilespmem:v49+s19+$0x0] =	vst.idx.msk $0xffff, v5  }
0xd6: {  	v5 =	vld.idx.msk [tilespmem:v50+s20+$0x0], $0xffff;
	_ =	sdelay $0x1  }
0xd7: {  	v51 =	vadd.s32 $0x18, v2  }
0xd8: {  	v52 =	vor.u32 $0x19, v4;
	_ =	sdelay $0x1  }
0xd9: {  	v5 =	vmul.f32 v5, v3;
	_ =	sdelay $0x1  }
0xda: {  	[tilespmem:v51+s19+$0x0] =	vst.idx.msk $0xffff, v5  }
0xdb: {  	v5 =	vld.idx.msk [tilespmem:v52+s20+$0x0], $0xffff;
	_ =	sdelay $0x1  }
0xdc: {  	v53 =	vadd.s32 $0x19, v2  }
0xdd: {  	v54 =	vor.u32 $0x1A, v4;
	_ =	sdelay $0x1  }
0xde: {  	v5 =	vmul.f32 v5, v3;
	_ =	sdelay $0x1  }
0xdf: {  	[tilespmem:v53+s19+$0x0] =	vst.idx.msk $0xffff, v5  }
0xe0: {  	v5 =	vld.idx.msk [tilespmem:v54+s20+$0x0], $0xffff;
	_ =	sdelay $0x1  }
0xe1: {  	v55 =	vadd.s32 $0x1A, v2  }
0xe2: {  	v56 =	vor.u32 $0x1B, v4;
	_ =	sdelay $0x1  }
0xe3: {  	v5 =	vmul.f32 v5, v3;
	_ =	sdelay $0x1  }
0xe4: {  	[tilespmem:v55+s19+$0x0] =	vst.idx.msk $0xffff, v5  }
0xe5: {  	v5 =	vld.idx.msk [tilespmem:v56+s20+$0x0], $0xffff;
	_ =	sdelay $0x1  }
0xe6: {  	v57 =	vadd.s32 $0x1B, v2  }
0xe7: {  	v58 =	vor.u32 $0x1C, v4;
	_ =	sdelay $0x1  }
0xe8: {  	v5 =	vmul.f32 v5, v3;
	_ =	sdelay $0x1  }
0xe9: {  	[tilespmem:v57+s19+$0x0] =	vst.idx.msk $0xffff, v5  }
0xea: {  	v5 =	vld.idx.msk [tilespmem:v58+s20+$0x0], $0xffff;
	_ =	sdelay $0x1  }
0xeb: {  	v59 =	vadd.s32 $0x1C, v2  }
0xec: {  	v60 =	vor.u32 $0x1D, v4;
	_ =	sdelay $0x1  }
0xed: {  	v5 =	vmul.f32 v5, v3;
	_ =	sdelay $0x1  }
0xee: {  	[tilespmem:v59+s19+$0x0] =	vst.idx.msk $0xffff, v5  }
0xef: {  	v5 =	vld.idx.msk [tilespmem:v60+s20+$0x0], $0xffff;
	_ =	sdelay $0x1  }
0xf0: {  	v61 =	vadd.s32 $0x1D, v2  }
0xf1: {  	v62 =	vor.u32 $0x1E, v4;
	_ =	sdelay $0x1  }
0xf2: {  	v5 =	vmul.f32 v5, v3;
	_ =	sdelay $0x1  }
0xf3: {  	[tilespmem:v61+s19+$0x0] =	vst.idx.msk $0xffff, v5  }
0xf4: {  	v5 =	vld.idx.msk [tilespmem:v62+s20+$0x0], $0xffff;
	_ =	sdelay $0x1  }
0xf5: {  	v63 =	vadd.s32 $0x1E, v2  }
0xf6: {  	v4 =	vor.u32 $0x1F, v4;
	_ =	sdelay $0x1  }
0xf7: {  	v5 =	vmul.f32 v5, v3;
	_ =	sdelay $0x1  }
0xf8: {  	[tilespmem:v63+s19+$0x0] =	vst.idx.msk $0xffff, v5  }
0xf9: {  	v4 =	vld.idx.msk [tilespmem:v4+s20+$0x0], $0xffff;
	_ =	sdelay $0x1  }
0xfa: {  	p1 =	sne.s32 s11, $0x70;
	v2 =	vadd.s32 $0x1F, v2  }
.Ltmp1:
0xfb: {  	_ = 	snop;
	(pc) =	sbr.rel @p1 .LBB2_5-.Ltmp1, $3  }
0xfc: {  	_ = 	snop  }
0xfd: {  	v3 =	vmul.f32 v4, v3;
	_ =	sdelay $0x1  }
0xfe: {  	s1 =	sadd.s32 $0x10, s1;
	s16 =	sadd.s32 $0x10, s16;
	s11 =	sadd.s32 $0x10, s11;
	[tilespmem:v2+s19+$0x0] =	vst.idx.msk $0xffff, v3  }
0xff: {  	s1 =	sshll.u32 s5, $0x8  }
0x100: {  	s16 =	smin.u32 s7, $0x4E;
	s1 =	sand.u32 $0x3FFFFF00, s1  }
0x101: {  	s7 =	sshll.u32 s16, $0x7;
	s1 =	sadd.s32 $0x2900, s1  }
0x102: {  	[spmem:s2] =	stream.indirect.scatter.add.f32 [tilespmem:s19], [sflag:$0x3], $0x28, s1, s23, $0xb8;
	[tilespmem:$0x14C40] =	vst v63  }
0x103: {  	s1 =	sadd.s32 $0x100, s7  }
0x104: {  	[tilespmem:s20], [sflag:$0x1] =	stream.indirect.gather [hbm4b:s4+s23], $0x20, s1, s23, $0xb8;
	[tilespmem:$0x14C40] =	vst v63  }
0x105: {  	_ =	swait.ge [sflag:s25], $0x1000  }
0x106: {  	[sflag:s25] =	ssyncset.done $0x0  }
0x107: {  	s1 =	simm.s32 @!p0 $0x4;
	[sflag:s25] =	ssyncadd.s32 $0xFFFFF000  }
0x108: {  	_ =	swait.ge @!p0 [sflag:s1], $0x1400  }
0x109: {  	s11 =	smov.u32 s31;
	[sflag:s1] =	ssyncset.done @!p0 $0x0  }
0x10a: {  	s16 =	simm.s32 $0x0;
	[sflag:s1] =	ssyncadd.s32 @!p0 $0xFFFFEC00;
	s1 =	smov.u32 s0  }
.LBB2_7:
0x10b: {  	v2 =	vld [tilespmem:s11+$0x0]  }
0x10c: {  	v3 =	vld [tilespmem:s1+$0x0];
	_ =	sdelay $0x6  }
0x10d: {  	v2 =	vld.idx.msk [tilespmem:v2+s17+$0x0], $0xffff  }
0x10e: {  	v3 =	vld.idx.msk [tilespmem:v3+s18+$0x0], $0xffff;
	_ =	sdelay $0x4  }
0x10f: {  	v2 =	vadd.f32 v3, v2;
	_ =	sdelay $0x1  }
0x110: {  	v3 =	vmul.f32 $2.000000030e-01, v2  }
0x111: {  	vm0 =	vge.f32 v2, $0.0e+00  }
0x112: {  	v2 =	vsel vm0, v2, v3  }
0x113: {  	v2 =	vmul.f32 $1.442695020e+00, v2;
	_ =	sdelay $0x1  }
0x114: {  	(erf) = vpow2.f32 v2;
	_ =	sdelay $0x1  }
0x115: {  	v3 =	vor.u32 s16, v1  }
0x116: {  	v2 =	vmul.u32 $0x28, v3;
	_ =	sdelay $0x1  }
0x117: {  	v5 =	vadd.s32 $0x20, v2  }
0x118: {  	v4 =	vshll.u32 v3, $0x5;
	_ =	sdelay $0x2  }
0x119: {  	v3 =	vpop (erf)  }
0x11a: {  	[tilespmem:v5+s26+$0x0] =	vst.idx.msk $0xffff, v3  }
0x11b: {  	v5 =	vld.idx.msk [tilespmem:v4+s21+$0x0], $0xffff;
	_ =	sdelay $0x2  }
0x11c: {  	v6 =	vor.u32 $0x1, v4;
	_ =	sdelay $0x1  }
0x11d: {  	v5 =	vmul.f32 v3, v5;
	_ =	sdelay $0x1  }
0x11e: {  	[tilespmem:v2+s26+$0x0] =	vst.idx.msk $0xffff, v5  }
0x11f: {  	v5 =	vld.idx.msk [tilespmem:v6+s21+$0x0], $0xffff;
	_ =	sdelay $0x1  }
0x120: {  	v61 =	vor.u32 $0x1, v2  }
0x121: {  	v7 =	vor.u32 $0x2, v4;
	_ =	sdelay $0x1  }
0x122: {  	v5 =	vmul.f32 v3, v5;
	_ =	sdelay $0x1  }
0x123: {  	[tilespmem:v61+s26+$0x0] =	vst.idx.msk $0xffff, v5  }
0x124: {  	v5 =	vld.idx.msk [tilespmem:v7+s21+$0x0], $0xffff;
	_ =	sdelay $0x1  }
0x125: {  	v62 =	vor.u32 $0x2, v2  }
0x126: {  	v63 =	vor.u32 $0x3, v4;
	_ =	sdelay $0x1  }
0x127: {  	v5 =	vmul.f32 v5, v3;
	_ =	sdelay $0x1  }
0x128: {  	[tilespmem:v62+s26+$0x0] =	vst.idx.msk $0xffff, v5  }
0x129: {  	v5 =	vld.idx.msk [tilespmem:v63+s21+$0x0], $0xffff;
	_ =	sdelay $0x1  }
0x12a: {  	v9 =	vor.u32 $0x3, v2  }
0x12b: {  	v10 =	vor.u32 $0x4, v4;
	_ =	sdelay $0x1  }
0x12c: {  	v5 =	vmul.f32 v5, v3;
	_ =	sdelay $0x1  }
0x12d: {  	[tilespmem:v9+s26+$0x0] =	vst.idx.msk $0xffff, v5  }
0x12e: {  	v5 =	vld.idx.msk [tilespmem:v10+s21+$0x0], $0xffff;
	_ =	sdelay $0x1  }
0x12f: {  	v11 =	vor.u32 $0x4, v2  }
0x130: {  	v12 =	vor.u32 $0x5, v4;
	_ =	sdelay $0x1  }
0x131: {  	v5 =	vmul.f32 v5, v3;
	_ =	sdelay $0x1  }
0x132: {  	[tilespmem:v11+s26+$0x0] =	vst.idx.msk $0xffff, v5  }
0x133: {  	v5 =	vld.idx.msk [tilespmem:v12+s21+$0x0], $0xffff;
	_ =	sdelay $0x1  }
0x134: {  	v13 =	vor.u32 $0x5, v2  }
0x135: {  	v14 =	vor.u32 $0x6, v4;
	_ =	sdelay $0x1  }
0x136: {  	v5 =	vmul.f32 v5, v3;
	_ =	sdelay $0x1  }
0x137: {  	[tilespmem:v13+s26+$0x0] =	vst.idx.msk $0xffff, v5  }
0x138: {  	v5 =	vld.idx.msk [tilespmem:v14+s21+$0x0], $0xffff;
	_ =	sdelay $0x1  }
0x139: {  	v15 =	vor.u32 $0x6, v2  }
0x13a: {  	v16 =	vor.u32 $0x7, v4;
	_ =	sdelay $0x1  }
0x13b: {  	v5 =	vmul.f32 v5, v3;
	_ =	sdelay $0x1  }
0x13c: {  	[tilespmem:v15+s26+$0x0] =	vst.idx.msk $0xffff, v5  }
0x13d: {  	v5 =	vld.idx.msk [tilespmem:v16+s21+$0x0], $0xffff;
	_ =	sdelay $0x1  }
0x13e: {  	v17 =	vor.u32 $0x7, v2  }
0x13f: {  	v18 =	vor.u32 $0x8, v4;
	_ =	sdelay $0x1  }
0x140: {  	v5 =	vmul.f32 v5, v3;
	_ =	sdelay $0x1  }
0x141: {  	[tilespmem:v17+s26+$0x0] =	vst.idx.msk $0xffff, v5  }
0x142: {  	v5 =	vld.idx.msk [tilespmem:v18+s21+$0x0], $0xffff;
	_ =	sdelay $0x1  }
0x143: {  	v19 =	vadd.s32 $0x8, v2  }
0x144: {  	v20 =	vor.u32 $0x9, v4;
	_ =	sdelay $0x1  }
0x145: {  	v5 =	vmul.f32 v5, v3;
	_ =	sdelay $0x1  }
0x146: {  	[tilespmem:v19+s26+$0x0] =	vst.idx.msk $0xffff, v5  }
0x147: {  	v5 =	vld.idx.msk [tilespmem:v20+s21+$0x0], $0xffff;
	_ =	sdelay $0x1  }
0x148: {  	v21 =	vadd.s32 $0x9, v2  }
0x149: {  	v22 =	vor.u32 $0xA, v4;
	_ =	sdelay $0x1  }
0x14a: {  	v5 =	vmul.f32 v5, v3;
	_ =	sdelay $0x1  }
0x14b: {  	[tilespmem:v21+s26+$0x0] =	vst.idx.msk $0xffff, v5  }
0x14c: {  	v5 =	vld.idx.msk [tilespmem:v22+s21+$0x0], $0xffff;
	_ =	sdelay $0x1  }
0x14d: {  	v23 =	vadd.s32 $0xA, v2  }
0x14e: {  	v24 =	vor.u32 $0xB, v4;
	_ =	sdelay $0x1  }
0x14f: {  	v5 =	vmul.f32 v5, v3;
	_ =	sdelay $0x1  }
0x150: {  	[tilespmem:v23+s26+$0x0] =	vst.idx.msk $0xffff, v5  }
0x151: {  	v5 =	vld.idx.msk [tilespmem:v24+s21+$0x0], $0xffff;
	_ =	sdelay $0x1  }
0x152: {  	v25 =	vadd.s32 $0xB, v2  }
0x153: {  	v26 =	vor.u32 $0xC, v4;
	_ =	sdelay $0x1  }
0x154: {  	v5 =	vmul.f32 v5, v3;
	_ =	sdelay $0x1  }
0x155: {  	[tilespmem:v25+s26+$0x0] =	vst.idx.msk $0xffff, v5  }
0x156: {  	v5 =	vld.idx.msk [tilespmem:v26+s21+$0x0], $0xffff;
	_ =	sdelay $0x1  }
0x157: {  	v27 =	vadd.s32 $0xC, v2  }
0x158: {  	v28 =	vor.u32 $0xD, v4;
	_ =	sdelay $0x1  }
0x159: {  	v5 =	vmul.f32 v5, v3;
	_ =	sdelay $0x1  }
0x15a: {  	[tilespmem:v27+s26+$0x0] =	vst.idx.msk $0xffff, v5  }
0x15b: {  	v5 =	vld.idx.msk [tilespmem:v28+s21+$0x0], $0xffff;
	_ =	sdelay $0x1  }
0x15c: {  	v29 =	vadd.s32 $0xD, v2  }
0x15d: {  	v30 =	vor.u32 $0xE, v4;
	_ =	sdelay $0x1  }
0x15e: {  	v5 =	vmul.f32 v5, v3;
	_ =	sdelay $0x1  }
0x15f: {  	[tilespmem:v29+s26+$0x0] =	vst.idx.msk $0xffff, v5  }
0x160: {  	v5 =	vld.idx.msk [tilespmem:v30+s21+$0x0], $0xffff;
	_ =	sdelay $0x1  }
0x161: {  	v31 =	vadd.s32 $0xE, v2  }
0x162: {  	v32 =	vor.u32 $0xF, v4;
	_ =	sdelay $0x1  }
0x163: {  	v5 =	vmul.f32 v5, v3;
	_ =	sdelay $0x1  }
0x164: {  	[tilespmem:v31+s26+$0x0] =	vst.idx.msk $0xffff, v5  }
0x165: {  	v5 =	vld.idx.msk [tilespmem:v32+s21+$0x0], $0xffff;
	_ =	sdelay $0x1  }
0x166: {  	v33 =	vadd.s32 $0xF, v2  }
0x167: {  	v34 =	vor.u32 $0x10, v4;
	_ =	sdelay $0x1  }
0x168: {  	v5 =	vmul.f32 v5, v3;
	_ =	sdelay $0x1  }
0x169: {  	[tilespmem:v33+s26+$0x0] =	vst.idx.msk $0xffff, v5  }
0x16a: {  	v5 =	vld.idx.msk [tilespmem:v34+s21+$0x0], $0xffff;
	_ =	sdelay $0x1  }
0x16b: {  	v35 =	vadd.s32 $0x10, v2  }
0x16c: {  	v36 =	vor.u32 $0x11, v4;
	_ =	sdelay $0x1  }
0x16d: {  	v5 =	vmul.f32 v5, v3;
	_ =	sdelay $0x1  }
0x16e: {  	[tilespmem:v35+s26+$0x0] =	vst.idx.msk $0xffff, v5  }
0x16f: {  	v5 =	vld.idx.msk [tilespmem:v36+s21+$0x0], $0xffff;
	_ =	sdelay $0x1  }
0x170: {  	v37 =	vadd.s32 $0x11, v2  }
0x171: {  	v38 =	vor.u32 $0x12, v4;
	_ =	sdelay $0x1  }
0x172: {  	v5 =	vmul.f32 v5, v3;
	_ =	sdelay $0x1  }
0x173: {  	[tilespmem:v37+s26+$0x0] =	vst.idx.msk $0xffff, v5  }
0x174: {  	v5 =	vld.idx.msk [tilespmem:v38+s21+$0x0], $0xffff;
	_ =	sdelay $0x1  }
0x175: {  	v39 =	vadd.s32 $0x12, v2  }
0x176: {  	v40 =	vor.u32 $0x13, v4;
	_ =	sdelay $0x1  }
0x177: {  	v5 =	vmul.f32 v5, v3;
	_ =	sdelay $0x1  }
0x178: {  	[tilespmem:v39+s26+$0x0] =	vst.idx.msk $0xffff, v5  }
0x179: {  	v5 =	vld.idx.msk [tilespmem:v40+s21+$0x0], $0xffff;
	_ =	sdelay $0x1  }
0x17a: {  	v41 =	vadd.s32 $0x13, v2  }
0x17b: {  	v42 =	vor.u32 $0x14, v4;
	_ =	sdelay $0x1  }
0x17c: {  	v5 =	vmul.f32 v5, v3;
	_ =	sdelay $0x1  }
0x17d: {  	[tilespmem:v41+s26+$0x0] =	vst.idx.msk $0xffff, v5  }
0x17e: {  	v5 =	vld.idx.msk [tilespmem:v42+s21+$0x0], $0xffff;
	_ =	sdelay $0x1  }
0x17f: {  	v43 =	vadd.s32 $0x14, v2  }
0x180: {  	v44 =	vor.u32 $0x15, v4;
	_ =	sdelay $0x1  }
0x181: {  	v5 =	vmul.f32 v5, v3;
	_ =	sdelay $0x1  }
0x182: {  	[tilespmem:v43+s26+$0x0] =	vst.idx.msk $0xffff, v5  }
0x183: {  	v5 =	vld.idx.msk [tilespmem:v44+s21+$0x0], $0xffff;
	_ =	sdelay $0x1  }
0x184: {  	v45 =	vadd.s32 $0x15, v2  }
0x185: {  	v46 =	vor.u32 $0x16, v4;
	_ =	sdelay $0x1  }
0x186: {  	v5 =	vmul.f32 v5, v3;
	_ =	sdelay $0x1  }
0x187: {  	[tilespmem:v45+s26+$0x0] =	vst.idx.msk $0xffff, v5  }
0x188: {  	v5 =	vld.idx.msk [tilespmem:v46+s21+$0x0], $0xffff;
	_ =	sdelay $0x1  }
0x189: {  	v47 =	vadd.s32 $0x16, v2  }
0x18a: {  	v48 =	vor.u32 $0x17, v4;
	_ =	sdelay $0x1  }
0x18b: {  	v5 =	vmul.f32 v5, v3;
	_ =	sdelay $0x1  }
0x18c: {  	[tilespmem:v47+s26+$0x0] =	vst.idx.msk $0xffff, v5  }
0x18d: {  	v5 =	vld.idx.msk [tilespmem:v48+s21+$0x0], $0xffff;
	_ =	sdelay $0x1  }
0x18e: {  	v49 =	vadd.s32 $0x17, v2  }
0x18f: {  	v50 =	vor.u32 $0x18, v4;
	_ =	sdelay $0x1  }
0x190: {  	v5 =	vmul.f32 v5, v3;
	_ =	sdelay $0x1  }
0x191: {  	[tilespmem:v49+s26+$0x0] =	vst.idx.msk $0xffff, v5  }
0x192: {  	v5 =	vld.idx.msk [tilespmem:v50+s21+$0x0], $0xffff;
	_ =	sdelay $0x1  }
0x193: {  	v51 =	vadd.s32 $0x18, v2  }
0x194: {  	v52 =	vor.u32 $0x19, v4;
	_ =	sdelay $0x1  }
0x195: {  	v5 =	vmul.f32 v5, v3;
	_ =	sdelay $0x1  }
0x196: {  	[tilespmem:v51+s26+$0x0] =	vst.idx.msk $0xffff, v5  }
0x197: {  	v5 =	vld.idx.msk [tilespmem:v52+s21+$0x0], $0xffff;
	_ =	sdelay $0x1  }
0x198: {  	v53 =	vadd.s32 $0x19, v2  }
0x199: {  	v54 =	vor.u32 $0x1A, v4;
	_ =	sdelay $0x1  }
0x19a: {  	v5 =	vmul.f32 v5, v3;
	_ =	sdelay $0x1  }
0x19b: {  	[tilespmem:v53+s26+$0x0] =	vst.idx.msk $0xffff, v5  }
0x19c: {  	v5 =	vld.idx.msk [tilespmem:v54+s21+$0x0], $0xffff;
	_ =	sdelay $0x1  }
0x19d: {  	v55 =	vadd.s32 $0x1A, v2  }
0x19e: {  	v56 =	vor.u32 $0x1B, v4;
	_ =	sdelay $0x1  }
0x19f: {  	v5 =	vmul.f32 v5, v3;
	_ =	sdelay $0x1  }
0x1a0: {  	[tilespmem:v55+s26+$0x0] =	vst.idx.msk $0xffff, v5  }
0x1a1: {  	v5 =	vld.idx.msk [tilespmem:v56+s21+$0x0], $0xffff;
	_ =	sdelay $0x1  }
0x1a2: {  	v57 =	vadd.s32 $0x1B, v2  }
0x1a3: {  	v58 =	vor.u32 $0x1C, v4;
	_ =	sdelay $0x1  }
0x1a4: {  	v5 =	vmul.f32 v5, v3;
	_ =	sdelay $0x1  }
0x1a5: {  	[tilespmem:v57+s26+$0x0] =	vst.idx.msk $0xffff, v5  }
0x1a6: {  	v5 =	vld.idx.msk [tilespmem:v58+s21+$0x0], $0xffff;
	_ =	sdelay $0x1  }
0x1a7: {  	v59 =	vadd.s32 $0x1C, v2  }
0x1a8: {  	v60 =	vor.u32 $0x1D, v4;
	_ =	sdelay $0x1  }
0x1a9: {  	v5 =	vmul.f32 v5, v3;
	_ =	sdelay $0x1  }
0x1aa: {  	[tilespmem:v59+s26+$0x0] =	vst.idx.msk $0xffff, v5  }
0x1ab: {  	v5 =	vld.idx.msk [tilespmem:v60+s21+$0x0], $0xffff;
	_ =	sdelay $0x1  }
0x1ac: {  	v61 =	vadd.s32 $0x1D, v2  }
0x1ad: {  	v62 =	vor.u32 $0x1E, v4;
	_ =	sdelay $0x1  }
0x1ae: {  	v5 =	vmul.f32 v5, v3;
	_ =	sdelay $0x1  }
0x1af: {  	[tilespmem:v61+s26+$0x0] =	vst.idx.msk $0xffff, v5  }
0x1b0: {  	v5 =	vld.idx.msk [tilespmem:v62+s21+$0x0], $0xffff;
	_ =	sdelay $0x1  }
0x1b1: {  	v63 =	vadd.s32 $0x1E, v2  }
0x1b2: {  	v4 =	vor.u32 $0x1F, v4;
	_ =	sdelay $0x1  }
0x1b3: {  	v5 =	vmul.f32 v5, v3;
	_ =	sdelay $0x1  }
0x1b4: {  	[tilespmem:v63+s26+$0x0] =	vst.idx.msk $0xffff, v5  }
0x1b5: {  	v4 =	vld.idx.msk [tilespmem:v4+s21+$0x0], $0xffff;
	_ =	sdelay $0x1  }
0x1b6: {  	p0 =	sne.s32 s16, $0x70;
	v2 =	vadd.s32 $0x1F, v2  }
.Ltmp2:
0x1b7: {  	_ = 	snop;
	(pc) =	sbr.rel @p0 .LBB2_7-.Ltmp2, $3  }
0x1b8: {  	_ = 	snop  }
0x1b9: {  	v3 =	vmul.f32 v4, v3;
	_ =	sdelay $0x1  }
0x1ba: {  	s11 =	sadd.s32 $0x10, s11;
	s1 =	sadd.s32 $0x10, s1;
	s16 =	sadd.s32 $0x10, s16;
	[tilespmem:v2+s26+$0x0] =	vst.idx.msk $0xffff, v3  }
0x1bb: {  	s5 =	sadd.s32 $0x1, s5  }
0x1bc: {  	s1 =	sshll.u32 s6, $0x7;
	p0 =	sne.s32 s5, $0x29  }
.Ltmp3:
0x1bd: {  	s1 =	sand.u32 $0x3FFFFF80, s1;
	(pc) =	sbr.rel @p0 .LBB2_4-.Ltmp3, $4  }
0x1be: {  	s16 =	sadd.s32 $0x180, s7;
	s10 =	sadd.s32 $0x100, s10;
	s1 =	sadd.s32 $0x2900, s1  }
0x1bf: {  	[spmem:s2] =	stream.indirect.scatter.add.f32 [tilespmem:s26], [sflag:$0x4], $0x28, s1, s23, $0xb8;
	[tilespmem:$0x14C40] =	vst v63  }
0x1c0: {  	s8 =	sadd.s32 $0x100, s8;
	s31 =	sadd.s32 $0x100, s31;
	s0 =	sadd.s32 $0x100, s0  }
0x1c1: {  	[tilespmem:s21], [sflag:$0x2] =	stream.indirect.gather [hbm4b:s4+s23], $0x20, s16, s23, $0xb8;
	[tilespmem:$0x14C40] =	vst v63  }
0x1c2: {  	_ =	swait.ge [sflag:s28], $0x1400  }
0x1c3: {  	[sflag:s28] =	ssyncset.done $0x0  }
0x1c4: {  	[sflag:s28] =	ssyncadd.s32 $0xFFFFEC00  }
0x1c5: {  	_ =	swait.ge [sflag:s29], $0x1400  }
0x1c6: {  	[sflag:s29] =	ssyncset.done $0x0  }
0x1c7: {  	[sflag:s29] =	ssyncadd.s32 $0xFFFFEC00  }
0x1c8: {  	_ =	swait.ge [sflag:s22], $0x1000  }
0x1c9: {  	[sflag:s22] =	ssyncset.done $0x0  }
0x1ca: {  	[sflag:s22] =	ssyncadd.s32 $0xFFFFF000  }
0x1cb: {  	s0 =	stileid.u32;
	_ =	swait.ge [sflag:s25], $0x1000  }
0x1cc: {  	s1 =	sshrl.u32 s9, $0x3;
	s30 =	sadd.s32 $0x1, s30;
	[sflag:s25] =	ssyncset.done $0x0  }
0x1cd: {  	s0 =	sshll.u32 s0, $0x6;
	p0 =	sne.s32 s30, s14;
	[sflag:s25] =	ssyncadd.s32 $0xFFFFF000  }
.Ltmp4:
0x1ce: {  	s0 =	sor.u32 $0x1C05, s0;
	[bflag:$0x0] =	sbarrier.arrive $0xFFFF;
	(pc) =	sbr.rel @p0 .LBB2_1-.Ltmp4, $4  }
0x1cf: {  	[hbm:s24], [sflag:s0] =	dma.local [spmem:s1], $0xC80  }
0x1d0: {  	_ =	swait.ge [sflag:s15], $0xC80  }
0x1d1: {  	[sflag:s15] =	ssyncset.done $0x0  }
0x1d2: {  	[sflag:s15] =	ssyncadd.s32 $0xFFFFF380  }
0x1d3: {  	_ =	sfence.sel $0x180000  }
0x1d4: {  	[bflag:$0x0] =	sbarrier.arrive $0xFFFF  }
0x1d5: {  	_ =	strace $0x9000004A  }
0x1d6: {  	s0 =	stileid.u32;
	[bflag:$0x2] =	sbarrier.arrive $0xFFFF  }
0x1d7: {  	p0 =	sne.s32 s0, $0x0;
	s0 =	rddreg [dreg:$0x2]  }
0x1d8: {  	s0 =	sadd.s32 @!p0 $0x100000, s0  }
0x1d9: {  	[sflag:s0] =	ssyncadd.tile.s32 @!p0 $0x1;
	_ =	shalt  }
.Lfunc_end2:
_tile_overlayer_lowered:
.L_overlay_start_2:
0x1da: {  	(tag) =	ssettag $0x2  }
0x1db: {  	s0 =	rddreg [dreg:$0x0];
	s2 =	stileid.u32  }
0x1dc: {  	s1 =	rddreg [dreg:$0x1];
	p0 =	sne.s32 s2, $0x0  }
0x1dd: {  	s3 =	rddreg [dreg:$0x2];
	[bflag:$0x3] =	sbarrier.arrive $0xFFFF;
	s2 =	simm.s32 @!p0 $0x1C05  }
0x1de: {  	[timem:s3], [sflag:s2] =	dma.local @!p0 [hbm:s0], s1  }
0x1df: {  	s0 =	simm.s32 @!p0 $0x5  }
0x1e0: {  	_ =	swait.ge @!p0 [sflag:s0], s1  }
0x1e1: {  	s1 =	ssub.s32 @!p0 $0x0, s1;
	[sflag:s0] =	ssyncset.done @!p0 $0x0  }
0x1e2: {  	[sflag:s0] =	ssyncadd.s32 @!p0 s1  }
0x1e3: {  	[bflag:$0x3] =	sbarrier.arrive $0xFFFF  }
0x1e4: {  	_ =	shalt  }

// kernel: kernel.7.cloned.1.call-start
scs
__scs_entry_jumppad:
0x0: {  	(pc) =	sbr.rel $0x88, $3  }
0x1: {  	(tag) =	ssettag $0x0;
	lr =	simm.s32 $0x1  }
0x2: {  	[smem:$0x3F94] =	sst lr;
	_ =	strace $0xD0000000  }
0x3: {  	_ = 	snop  }
0x4: {  	_ = 	snop  }
0x5: {  	_ = 	snop  }
0x6: {  	_ = 	snop  }
0x7: {  	_ = 	snop  }
__scs_overlays_trampoline_lowered:
0x8: {  	[smem:$0x3FA3] =	sst s0  }
0x9: {  	[smem:$0x3FA4] =	sst s1  }
0xa: {  	[smem:$0x3FA5] =	sst s2  }
0xb: {  	[smem:$0x3FA6] =	sst s3  }
0xc: {  	[smem:$0x3FA7] =	sst s4  }
0xd: {  	[smem:$0x3FA8] =	sst s5  }
0xe: {  	[smem:$0x3FA9] =	sst s6  }
0xf: {  	[smem:$0x3FAA] =	sst s7  }
0x10: {  	[smem:$0x3FAB] =	sst s8  }
0x11: {  	[smem:$0x3FAC] =	sst s9;
	s0 =	simm.s32 @!p0 $0x0  }
0x12: {  	s1 =	sld [smem:$0x3F92];
	s0 =	simm.s32 @p0 $0x1  }
0x13: {  	[smem:$0x3FAD] =	sst s0;
	s0 =	simm.s32 @!p1 $0x0  }
0x14: {  	s2 =	sld [smem:$0x3F91];
	s0 =	simm.s32 @p1 $0x1  }
0x15: {  	[smem:$0x3FAE] =	sst s0;
	s0 =	simm.s32 @!p2 $0x0  }
0x16: {  	s3 =	sld [smem:$0x3FDB];
	s0 =	simm.s32 @p2 $0x1  }
0x17: {  	s4 =	simm.s32 $0x1BF5;
	[smem:$0x3FB0] =	sst s0  }
0x18: {  	s0 =	sld [smem:$0x3F93];
	_ =	swait.ge [sflag:s4], $0x0  }
0x19: {  	s7 =	sld [smem:$0x3F94]  }
0x1a: {  	s8 =	sadd.s32 $0xFFFFE003, lr  }
0x1b: {  	s9 =	sadd.s32 $0xFFFFFEF7, lr;
	s5 =	simm.s32 $0xFFFFFFFF;
	p2 =	slt.u32 s8, $0xFFFFF086  }
0x1c: {  	p1 =	slt.u32 s9, $0xF7A;
	s5 =	simm.s32 @!p2 $0x0  }
0x1d: {  	s5 =	simm.s32 @p1 $0x1;
	p0 =	seq.s32 s7, s2  }
0x1e: {  	s7 =	smul.u32 @!p0 $0xF7A, s2;
	p2 =	seq.s32 @!p0 s5, $0x0  }
0x1f: {  	s9 =	smul.u32 $0xF7A, s1;
	s8 =	simm.s32 @!p0 $0x1BF5;
	p2 =	por !p2, p0  }
0x20: {  	[sflag:s8] =	ssyncset.s32 @!p0 $0xFFFFF086;
	s6 =	sadd.s32 @!p0 s3, s7;
	s7 =	simm.s32 @!p0 $0x108  }
0x21: {  	s3 =	sadd.s32 s3, s9;
	s6 =	sadd.s32 @!p0 $0x88, s6;
	s7 =	simm.s32 @p2 $0x1082  }
0x22: {  	[simem:s7], [sflag:s8] =	dma.local @!p0 [hbm:s6], $0xF7A  }
0x23: {  	s9 =	sor.u32 $0xD0000000, s2;
	s6 =	simm.s32 $0x108;
	_ =	swait.ge @!p0 [sflag:s8], $0x0  }
0x24: {  	s3 =	sadd.s32 $0x88, s3;
	s6 =	simm.s32 @!p1 $0x1082;
	[sflag:s4] =	ssyncset.s32 $0xFFFFF086  }
0x25: {  	[simem:s6], [sflag:s4] =	dma.local [hbm:s3], $0xF7A  }
0x26: {  	[smem:$0x3F94] =	sst s1;
	(tag) =	ssettag s2;
	_ =	strace s9  }
0x27: {  	s1 =	sld [smem:$0x3FA4]  }
0x28: {  	s2 =	sld [smem:$0x3FA5]  }
0x29: {  	s4 =	sld [smem:$0x3FA7]  }
0x2a: {  	p0 =	seq.s32 s5, $0x0;
	s5 =	sld [smem:$0x3FA8]  }
0x2b: {  	s6 =	sld [smem:$0x3FA9]  }
0x2c: {  	s7 =	sld [smem:$0x3FAA]  }
0x2d: {  	s3 =	simm.s32 $0x108;
	s8 =	sld [smem:$0x3FAB]  }
0x2e: {  	s3 =	simm.s32 @!p0 $0x1082;
	s9 =	sld [smem:$0x3FAC]  }
0x2f: {  	lr =	sadd.s32 s0, s3;
	s0 =	sld [smem:$0x3FA3]  }
0x30: {  	s3 =	sld [smem:$0x3FA6]  }
0x31: {  	[smem:$0x3FAF] =	sst s10  }
0x32: {  	s10 =	sld [smem:$0x3FAD];
	_ =	sdelay $0x3  }
0x33: {  	p0 =	seq.s32 s10, $0x1;
	s10 =	sld [smem:$0x3FAF];
	_ =	sdelay $0x3  }
0x34: {  	[smem:$0x3FAF] =	sst s10  }
0x35: {  	s10 =	sld [smem:$0x3FAE];
	_ =	sdelay $0x3  }
0x36: {  	p1 =	seq.s32 s10, $0x1;
	s10 =	sld [smem:$0x3FAF];
	_ =	sdelay $0x3  }
0x37: {  	[smem:$0x3FAF] =	sst s10  }
0x38: {  	s10 =	sld [smem:$0x3FB0]  }
0x39: {  	_ = 	snop;
	(pc) =	sbr.ind lr, $3  }
0x3a: {  	_ = 	snop  }
0x3b: {  	_ = 	snop  }
0x3c: {  	p2 =	seq.s32 s10, $0x1;
	s10 =	sld [smem:$0x3FAF]  }
0x3d: {  	_ =	shalt  }
0x3e: {  	_ =	shalt  }
0x3f: {  	_ =	shalt  }
0x40: {  	_ =	shalt  }
0x41: {  	_ =	shalt  }
0x42: {  	_ =	shalt  }
0x43: {  	_ =	shalt  }
0x44: {  	_ =	shalt  }
0x45: {  	_ =	shalt  }
0x46: {  	_ =	shalt  }
0x47: {  	_ =	shalt  }
0x48: {  	_ =	shalt  }
0x49: {  	_ =	shalt  }
0x4a: {  	_ =	shalt  }
0x4b: {  	_ =	shalt  }
0x4c: {  	_ =	shalt  }
0x4d: {  	_ =	shalt  }
0x4e: {  	_ =	shalt  }
0x4f: {  	_ =	shalt  }
0x50: {  	_ =	shalt  }
0x51: {  	_ =	shalt  }
0x52: {  	_ =	shalt  }
0x53: {  	_ =	shalt  }
0x54: {  	_ =	shalt  }
0x55: {  	_ =	shalt  }
0x56: {  	_ =	shalt  }
0x57: {  	_ =	shalt  }
0x58: {  	_ =	shalt  }
0x59: {  	_ =	shalt  }
0x5a: {  	_ =	shalt  }
0x5b: {  	_ =	shalt  }
0x5c: {  	_ =	shalt  }
0x5d: {  	_ =	shalt  }
0x5e: {  	_ =	shalt  }
0x5f: {  	_ =	shalt  }
0x60: {  	_ =	shalt  }
0x61: {  	_ =	shalt  }
0x62: {  	_ =	shalt  }
0x63: {  	_ =	shalt  }
0x64: {  	_ =	shalt  }
0x65: {  	_ =	shalt  }
0x66: {  	_ =	shalt  }
0x67: {  	_ =	shalt  }
0x68: {  	_ =	shalt  }
0x69: {  	_ =	shalt  }
0x6a: {  	_ =	shalt  }
0x6b: {  	_ =	shalt  }
0x6c: {  	_ =	shalt  }
0x6d: {  	_ =	shalt  }
0x6e: {  	_ =	shalt  }
0x6f: {  	_ =	shalt  }
0x70: {  	_ =	shalt  }
0x71: {  	_ =	shalt  }
0x72: {  	_ =	shalt  }
0x73: {  	_ =	shalt  }
0x74: {  	_ =	shalt  }
0x75: {  	_ =	shalt  }
0x76: {  	_ =	shalt  }
0x77: {  	_ =	shalt  }
0x78: {  	_ =	shalt  }
0x79: {  	_ =	shalt  }
0x7a: {  	_ =	shalt  }
0x7b: {  	_ =	shalt  }
0x7c: {  	_ =	shalt  }
0x7d: {  	_ =	shalt  }
0x7e: {  	_ =	shalt  }
0x7f: {  	_ =	shalt  }
0x80: {  	_ =	shalt  }
0x81: {  	_ =	shalt  }
0x82: {  	_ =	shalt  }
0x83: {  	_ =	shalt  }
0x84: {  	_ =	shalt  }
0x85: {  	_ =	shalt  }
0x86: {  	_ =	shalt  }
0x87: {  	_ =	shalt  }
.Lfunc_end0:
.L_simem_size_0:
called_computation_lowered:
.L_overlay_start_0:
0x88: {  	s2 =	sld [smem:$0x3FD9]  }
0x89: {  	s3 =	sld [smem:$0x3FFE];
	_ =	sdelay $0x1  }
0x8a: {  	s1 =	srdreg.scid  }
0x8b: {  	s0 =	sand.u32 $0x1, s1  }
0x8c: {  	s16 =	sshll.u32 s0, $0xA;
	s2 =	sadd.s32 s3, s2  }
0x8d: {  	s2 =	sadd.s32 s2, s16  }
0x8e: {  	[smem:$0x3FBB] =	sst s2  }
0x8f: {  	_ = 	snop  }
0x90: {  	(tm) =	ssettm $0x1  }
0x91: {  	s17 =	sld [smem:$0x3FFB];
	_ =	sdelay $0x3  }
0x92: {  	_ =	strace s17  }
0x93: {  	s2 =	sld [smem:$0x3FFC];
	_ =	sdelay $0x3  }
0x94: {  	_ =	strace s2  }
0x95: {  	s2 =	sld [smem:$0x3FFD];
	_ =	sdelay $0x3  }
0x96: {  	_ =	strace s2  }
0x97: {  	_ =	strace $0x8FFFFFFF  }
0x98: {  	s18 =	sld [smem:$0x3FDB];
	_ =	sdelay $0x1  }
0x99: {  	s19 =	simm.s32 $_scs_section_size  }
0x9a: {  	s4 =	simm.s32 $_size__tile_overlayer_lowered;
	s5 =	simm.s32 $_tile_overlayer_lowered  }
0x9b: {  	s22 =	simm.s32 $0x1BFF;
	s21 =	sshll.u32 s5, $0x1;
	s2 =	sadd.s32 s19, s18  }
0x9c: {  	s6 =	simm.s32 $0x0;
	s20 =	sshll.u32 s4, $0x1;
	s4 =	sadd.s32 s21, s2  }
0x9d: {  	[timem:s6], [sflag:s22] =	dma.local [hbm:s4], s20  }
0x9e: {  	_ =	swait.ge [sflag:s22], s20  }
0x9f: {  	s3 =	ssub.s32 $0x0, s20;
	[sflag:s22] =	ssyncset.done $0x0  }
0xa0: {  	[sflag:s22] =	ssyncadd.s32 s3;
	_ =	sdelay $0x1  }
0xa1: {  	s23 =	simm.s32 $0x1B8B  }
0xa2: {  	_ =	swait.ge [sflag:s23], $0x1  }
0xa3: {  	[sflag:s23] =	ssyncset.done $0x0  }
0xa4: {  	s25 =	simm.s32 $0x1B8E;
	s24 =	sld [smem:$0x3FFE];
	[sflag:s23] =	ssyncadd.s32 $0xFFFFFFFF  }
0xa5: {  	s26 =	simm.s32 $execute0_lowered;
	[smem:$0x3FD2] =	sst s25  }
0xa6: {  	s4 =	sshll.u32 s26, $0x1;
	_ =	strace $0x80000046;
	[dreg:$0x1] =	wrdreg $0xFFFFFFFF  }
0xa7: {  	s28 =	simm.s32 $_size_execute0_lowered;
	s2 =	sadd.s32 s2, s4;
	[dreg:$0x0] =	wrdreg $0x0  }
0xa8: {  	s4 =	sshll.u32 s28, $0x1;
	[dreg:$0x2] =	wrdreg s2  }
0xa9: {  	[dreg:$0x3] =	wrdreg s4  }
0xaa: {  	[dreg:$0x4] =	wrdreg $0xC0  }
0xab: {  	_ =	task [dreg:s6], $0x5FFFF  }
0xac: {  	[dreg:$0x1] =	wrdreg $0xFFFFFFFF  }
0xad: {  	[dreg:$0x0] =	wrdreg $0x60  }
0xae: {  	[dreg:$0x2] =	wrdreg s24  }
0xaf: {  	[dreg:$0x3] =	wrdreg $0xEA000  }
0xb0: {  	[dreg:$0x4] =	wrdreg $0x9  }
0xb1: {  	_ =	task.clear_ibuf [dreg:s6], $0x5FFFF;
	_ =	strace $0x90000046  }
0xb2: {  	s29 =	simm.s32 $0x9;
	_ =	strace $0x80000048  }
0xb3: {  	_ =	swait.ge [sflag:s29], $0x1  }
0xb4: {  	[sflag:s29] =	ssyncadd.s32 $0xFFFFFFFF  }
0xb5: {  	_ =	strace $0x90000048  }
0xb6: {  	_ =	sfence  }
0xb7: {  	s30 =	sld [smem:$0x0];
	_ =	sdelay $0x2  }
0xb8: {  	s31 =	sshll.u32 s1, $0xD;
	s1 =	sshrl.u32 s1, $0x2  }
0xb9: {  	s3 =	sand.u32 $0x4000, s31;
	s1 =	sadd.s32 s1, s30  }
0xba: {  	s0 =	sor.u32 s3, s0;
	s1 =	sshll.u32 s1, $0x11  }
0xbb: {  	s0 =	sor.u32 s1, s0  }
0xbc: {  	s0 =	sadd.s32 $0x8F2B, s0  }
0xbd: {  	[sflag:s0] =	ssyncadd.remote.s32 $0x1  }
0xbe: {  	_ =	sfence.sel $0xFFFF  }
0xbf: {  	[dreg:$0x0] =	wrdreg $0xFFFFFFFF;
	(pc) =	sbr.abs _section_cstart, $3  }
0xc0: {  	[dreg:$0x1] =	wrdreg $0xFFFFFFFF  }
0xc1: {  	_ =	task.clear_ibuf [dreg:s6], $0x2FFFF;
	_ =	strace $0x9FFFFFFF  }
0xc2: {  	(tm) =	ssettm $0x7FFFFFFF  }
0xc3: {  	_ =	shalt  }
tec
execute0_lowered:
.L_overlay_start_1:
0x0: {  	(tag) =	ssettag $0x1  }
0x1: {  	s0 =	rddreg [dreg:$0x0];
	s1 =	srdreg.scid  }
0x2: {  	s8 =	stileid.u32;
	s2 =	rddreg [dreg:$0x1]  }
0x3: {  	s4 =	simm.s32 $0x0;
	s14 =	simm.s32 $0x5;
	s15 =	simm.s32 $0x2900  }
0x4: {  	s16 =	simm.s32 $0xA200;
	s17 =	simm.s32 $0x80;
	s18 =	simm.s32 $0x5200  }
0x5: {  	s19 =	simm.s32 $0x9A00;
	s20 =	simm.s32 $0x7600;
	s22 =	simm.s32 $0x9E00  }
0x6: {  	s28 =	simm.s32 $0x3;
	s29 =	simm.s32 $0x4;
	s30 =	simm.s32 $0x0  }
0x7: {  	s31 =	simm.s32 $0x0;
	s1 =	sand.u32 $0x1, s1;
	s3 =	sshll.u32 s8, $0x1  }
0x8: {  	[smem:$0x7FF] =	sst s4;
	s4 =	sadd.s32 $0x1000, s0;
	s7 =	smul.u32 $0x2D000, s8  }
0x9: {  	s5 =	sadd.s32 $0x17200, s0;
	s13 =	smul.u32 $0xB400, s8;
	s3 =	sor.u32 s1, s3  }
0xa: {  	_ =	strace $0x80000047;
	s6 =	smul.u32 $0x16800, s1;
	s1 =	ssub.s32 $0x2, s1  }
0xb: {  	s3 =	smul.u32 $0x520, s3;
	s23 =	sshrl.u32 s1, $0x1;
	s24 =	sshrl.u32 s7, $0x2  }
0xc: {  	s8 =	sadd.s32 s13, s2;
	s26 =	sshrl.u32 s13, $0x3;
	s1 =	ssub.s32 s1, s23  }
0xd: {  	s25 =	sadd.s32 s24, s2;
	s23 =	simm.s32 $0x1;
	s3 =	sadd.s32 s3, s0  }
0xe: {  	s0 =	sadd.s32 s6, s0;
	s9 =	sadd.s32 $0x2400, s25;
	s10 =	sadd.s32 $0x4800, s25  }
0xf: {  	s11 =	sadd.s32 $0x6C00, s25;
	s12 =	sadd.s32 $0x9000, s25;
	s13 =	smax.u32 s1, $0x1  }
0x10: {  	s25 =	simm.s32 $0x2;
	s6 =	sadd.s32 $0x23E00, s3;
	s0 =	sadd.s32 $0x2E200, s0  }
0x11: {  	v0 =	vimm.f32 $0.0e+00;
	v1 =	vlaneseq.u32;
	s7 =	sadd.s32 $0x19A00, s3;
	s24 =	sadd.s32 s26, s0;
	s26 =	simm.s32 $0xC600  }
.LBB2_1:
0x12: {  	s0 =	simm.s32 $0x0  }
0x13: {  	[tilespmem:s0], [sflag:$0x5] =	stream.linear.gather [hbm4b:s6+s0], $0x2900, $0x38;
	[tilespmem:$0x19E00] =	vst v63  }
0x14: {  	_ =	swait.ge [sflag:s14], $0x2900  }
0x15: {  	[sflag:s14] =	ssyncset.done $0x0  }
0x16: {  	[sflag:s14] =	ssyncadd.s32 $0xFFFFD700  }
0x17: {  	[tilespmem:s15], [sflag:$0x5] =	stream.linear.gather [hbm4b:s7+s0], $0x2900, $0x38;
	[tilespmem:$0x19E00] =	vst v63  }
0x18: {  	_ =	swait.ge [sflag:s14], $0x2900  }
0x19: {  	[sflag:s14] =	ssyncset.done $0x0  }
0x1a: {  	s0 =	simm.s32 $0x0;
	[sflag:s14] =	ssyncadd.s32 $0xFFFFD700  }
0x1b: {  	s1 =	simm.s32 $0x120;
	[tilespmem:s0+$0xA220] =	vst v0  }
.LBB2_2:
0x1c: {  	p0 =	sne.s32 s1, $0x8EE0;
	[tilespmem:s0+$0xA210] =	vst v0;
	s3 =	smov.u32 s1;
	s1 =	sadd.s32 $0x120, s1  }
.Ltmp0:
0x1d: {  	[tilespmem:s0+$0xA230] =	vst v0;
	(pc) =	sbr.rel @p0 .LBB2_2-.Ltmp0, $4  }
0x1e: {  	[tilespmem:s0+$0xA238] =	vst v0  }
0x1f: {  	[tilespmem:s0+$0xA200] =	vst v0  }
0x20: {  	s0 =	sshra.s32 s3, $0x2  }
0x21: {  	[tilespmem:s0+$0xA220] =	vst v0  }
0x22: {  	[tilespmem:s0+$0xA210] =	vst v0  }
0x23: {  	[tilespmem:s0+$0xA230] =	vst v0  }
0x24: {  	[tilespmem:s0+$0xA200] =	vst v0  }
0x25: {  	[tilespmem:s0+$0xA238] =	vst v0  }
0x26: {  	[spmem:s8] =	stream.linear.scatter [tilespmem:s16], [sflag:$0x5], $0x2400, $0x38;
	[tilespmem:$0x19E00] =	vst v63  }
0x27: {  	_ =	swait.ge [sflag:s14], $0x2400  }
0x28: {  	[sflag:s14] =	ssyncset.done $0x0  }
0x29: {  	[sflag:s14] =	ssyncadd.s32 $0xFFFFDC00  }
0x2a: {  	[spmem:s9] =	stream.linear.scatter [tilespmem:s16], [sflag:$0x5], $0x2400, $0x38;
	[tilespmem:$0x19E00] =	vst v63  }
0x2b: {  	_ =	swait.ge [sflag:s14], $0x2400  }
0x2c: {  	[sflag:s14] =	ssyncset.done $0x0  }
0x2d: {  	[sflag:s14] =	ssyncadd.s32 $0xFFFFDC00  }
0x2e: {  	[spmem:s10] =	stream.linear.scatter [tilespmem:s16], [sflag:$0x5], $0x2400, $0x38;
	[tilespmem:$0x19E00] =	vst v63  }
0x2f: {  	_ =	swait.ge [sflag:s14], $0x2400  }
0x30: {  	[sflag:s14] =	ssyncset.done $0x0  }
0x31: {  	[sflag:s14] =	ssyncadd.s32 $0xFFFFDC00  }
0x32: {  	[spmem:s11] =	stream.linear.scatter [tilespmem:s16], [sflag:$0x5], $0x2400, $0x38;
	[tilespmem:$0x19E00] =	vst v63  }
0x33: {  	_ =	swait.ge [sflag:s14], $0x2400  }
0x34: {  	[sflag:s14] =	ssyncset.done $0x0  }
0x35: {  	[sflag:s14] =	ssyncadd.s32 $0xFFFFDC00  }
0x36: {  	[spmem:s12] =	stream.linear.scatter [tilespmem:s16], [sflag:$0x5], $0x2400, $0x38;
	[tilespmem:$0x19E00] =	vst v63  }
0x37: {  	_ =	swait.ge [sflag:s14], $0x2400  }
0x38: {  	[sflag:s14] =	ssyncset.done $0x0  }
0x39: {  	[sflag:s14] =	ssyncadd.s32 $0xFFFFDC00  }
0x3a: {  	[bflag:$0x0] =	sbarrier.arrive $0xFFFF  }
0x3b: {  	[tilespmem:s18], [sflag:$0x1] =	stream.indirect.gather [hbm4b:s4+s17], $0x48, s31, s17, $0xb8;
	[tilespmem:$0x19E00] =	vst v63  }
0x3c: {  	_ = 	snop  }
0x3d: {  	[tilespmem:s19], [sflag:$0x1] =	stream.indirect.gather [hbm4b:s5+s17], $0x8, s15, s17, $0xb8;
	[tilespmem:$0x19E00] =	vst v63  }
0x3e: {  	_ = 	snop  }
0x3f: {  	[tilespmem:s20], [sflag:$0x2] =	stream.indirect.gather [hbm4b:s4+s17], $0x48, s17, s17, $0xb8;
	[tilespmem:$0x19E00] =	vst v63  }
0x40: {  	s21 =	simm.s32 $0x2980;
	s1 =	simm.s32 $0x0  }
0x41: {  	[tilespmem:s22], [sflag:$0x2] =	stream.indirect.gather [hbm4b:s5+s17], $0x8, s21, s17, $0xb8;
	[tilespmem:$0x19E00] =	vst v63  }
.LBB2_4:
0x42: {  	_ =	swait.ge [sflag:s23], $0x2400  }
0x43: {  	[sflag:s23] =	ssyncset.done $0x0  }
0x44: {  	v2 =	vor.u32 s31, v1;
	[sflag:s23] =	ssyncadd.s32 $0xFFFFDC00  }
0x45: {  	v3 =	vmul.u32 $0x48, v2;
	_ =	swait.ge [sflag:s23], $0x400  }
0x46: {  	p0 =	seq.s32 s1, $0x0;
	v2 =	vshll.u32 v2, $0x3;
	[sflag:s23] =	ssyncset.done $0x0  }
0x47: {  	s0 =	simm.s32 @!p0 $0x3;
	v4 =	vadd.s32 $0x40, v3;
	[sflag:s23] =	ssyncadd.s32 $0xFFFFFC00  }
0x48: {  	_ =	swait.ge @!p0 [sflag:s0], $0x2400  }
0x49: {  	[sflag:s0] =	ssyncset.done @!p0 $0x0  }
0x4a: {  	[sflag:s0] =	ssyncadd.s32 @!p0 $0xFFFFDC00  }
0x4b: {  	v5 =	vld.idx.msk [tilespmem:v2+s19+$0x0], $0xffff  }
0x4c: {  	v6 =	vld.idx.msk [tilespmem:v4+s18+$0x0], $0xffff;
	_ =	sdelay $0x4  }
0x4d: {  	v5 =	vadd.f32 v5, v6;
	_ =	sdelay $0x1  }
0x4e: {  	v6 =	vmul.f32 $2.000000030e-01, v5  }
0x4f: {  	vm0 =	vge.f32 v5, $0.0e+00  }
0x50: {  	v5 =	vsel vm0, v5, v6  }
0x51: {  	v5 =	vmul.f32 $1.442695020e+00, v5;
	_ =	sdelay $0x1  }
0x52: {  	(erf) = vpow2.f32 v5;
	_ =	sdelay $0x5  }
0x53: {  	v5 =	vadd.s32 $0x41, v3  }
0x54: {  	v6 =	vor.u32 $0x1, v2;
	_ =	sdelay $0x1  }
0x55: {  	v7 =	vpop (erf)  }
0x56: {  	[tilespmem:v4+s16+$0x0] =	vst.idx.msk $0xffff, v7  }
0x57: {  	v4 =	vld.idx.msk [tilespmem:v5+s18+$0x0], $0xffff  }
0x58: {  	v6 =	vld.idx.msk [tilespmem:v6+s19+$0x0], $0xffff;
	_ =	sdelay $0x4  }
0x59: {  	v4 =	vadd.f32 v6, v4;
	_ =	sdelay $0x1  }
0x5a: {  	v6 =	vmul.f32 $2.000000030e-01, v4  }
0x5b: {  	vm9 =	vge.f32 v4, $0.0e+00  }
0x5c: {  	v4 =	vsel vm9, v4, v6  }
0x5d: {  	v4 =	vmul.f32 $1.442695020e+00, v4;
	_ =	sdelay $0x1  }
0x5e: {  	(erf) = vpow2.f32 v4;
	_ =	sdelay $0x5  }
0x5f: {  	v4 =	vadd.s32 $0x42, v3  }
0x60: {  	v6 =	vor.u32 $0x2, v2;
	_ =	sdelay $0x1  }
0x61: {  	v7 =	vpop (erf)  }
0x62: {  	[tilespmem:v5+s16+$0x0] =	vst.idx.msk $0xffff, v7  }
0x63: {  	v5 =	vld.idx.msk [tilespmem:v4+s18+$0x0], $0xffff  }
0x64: {  	v6 =	vld.idx.msk [tilespmem:v6+s19+$0x0], $0xffff;
	_ =	sdelay $0x4  }
0x65: {  	v5 =	vadd.f32 v6, v5;
	_ =	sdelay $0x1  }
0x66: {  	v6 =	vmul.f32 $2.000000030e-01, v5  }
0x67: {  	vm10 =	vge.f32 v5, $0.0e+00  }
0x68: {  	v5 =	vsel vm10, v5, v6  }
0x69: {  	v5 =	vmul.f32 $1.442695020e+00, v5;
	_ =	sdelay $0x1  }
0x6a: {  	(erf) = vpow2.f32 v5;
	_ =	sdelay $0x5  }
0x6b: {  	v5 =	vadd.s32 $0x43, v3  }
0x6c: {  	v6 =	vor.u32 $0x3, v2;
	_ =	sdelay $0x1  }
0x6d: {  	v7 =	vpop (erf)  }
0x6e: {  	[tilespmem:v4+s16+$0x0] =	vst.idx.msk $0xffff, v7  }
0x6f: {  	v4 =	vld.idx.msk [tilespmem:v5+s18+$0x0], $0xffff  }
0x70: {  	v6 =	vld.idx.msk [tilespmem:v6+s19+$0x0], $0xffff;
	_ =	sdelay $0x4  }
0x71: {  	v4 =	vadd.f32 v6, v4;
	_ =	sdelay $0x1  }
0x72: {  	v6 =	vmul.f32 $2.000000030e-01, v4  }
0x73: {  	vm11 =	vge.f32 v4, $0.0e+00  }
0x74: {  	v4 =	vsel vm11, v4, v6  }
0x75: {  	v4 =	vmul.f32 $1.442695020e+00, v4;
	_ =	sdelay $0x1  }
0x76: {  	(erf) = vpow2.f32 v4;
	_ =	sdelay $0x5  }
0x77: {  	v4 =	vadd.s32 $0x44, v3  }
0x78: {  	v6 =	vor.u32 $0x4, v2;
	_ =	sdelay $0x1  }
0x79: {  	v7 =	vpop (erf)  }
0x7a: {  	[tilespmem:v5+s16+$0x0] =	vst.idx.msk $0xffff, v7  }
0x7b: {  	v5 =	vld.idx.msk [tilespmem:v4+s18+$0x0], $0xffff  }
0x7c: {  	v6 =	vld.idx.msk [tilespmem:v6+s19+$0x0], $0xffff;
	_ =	sdelay $0x4  }
0x7d: {  	v5 =	vadd.f32 v6, v5;
	_ =	sdelay $0x1  }
0x7e: {  	v6 =	vmul.f32 $2.000000030e-01, v5  }
0x7f: {  	vm12 =	vge.f32 v5, $0.0e+00  }
0x80: {  	v5 =	vsel vm12, v5, v6  }
0x81: {  	v5 =	vmul.f32 $1.442695020e+00, v5;
	_ =	sdelay $0x1  }
0x82: {  	(erf) = vpow2.f32 v5;
	_ =	sdelay $0x5  }
0x83: {  	v5 =	vadd.s32 $0x45, v3  }
0x84: {  	v6 =	vor.u32 $0x5, v2;
	_ =	sdelay $0x1  }
0x85: {  	v7 =	vpop (erf)  }
0x86: {  	[tilespmem:v4+s16+$0x0] =	vst.idx.msk $0xffff, v7  }
0x87: {  	v4 =	vld.idx.msk [tilespmem:v5+s18+$0x0], $0xffff  }
0x88: {  	v6 =	vld.idx.msk [tilespmem:v6+s19+$0x0], $0xffff;
	_ =	sdelay $0x4  }
0x89: {  	v4 =	vadd.f32 v6, v4;
	_ =	sdelay $0x1  }
0x8a: {  	v6 =	vmul.f32 $2.000000030e-01, v4  }
0x8b: {  	vm13 =	vge.f32 v4, $0.0e+00  }
0x8c: {  	v4 =	vsel vm13, v4, v6  }
0x8d: {  	v4 =	vmul.f32 $1.442695020e+00, v4;
	_ =	sdelay $0x1  }
0x8e: {  	(erf) = vpow2.f32 v4;
	_ =	sdelay $0x5  }
0x8f: {  	v6 =	vadd.s32 $0x46, v3  }
0x90: {  	v4 =	vor.u32 $0x6, v2;
	_ =	sdelay $0x1  }
0x91: {  	v7 =	vpop (erf)  }
0x92: {  	[tilespmem:v5+s16+$0x0] =	vst.idx.msk $0xffff, v7  }
0x93: {  	v5 =	vld.idx.msk [tilespmem:v6+s18+$0x0], $0xffff  }
0x94: {  	v4 =	vld.idx.msk [tilespmem:v4+s19+$0x0], $0xffff;
	_ =	sdelay $0x4  }
0x95: {  	v4 =	vadd.f32 v4, v5;
	_ =	sdelay $0x1  }
0x96: {  	v5 =	vmul.f32 $2.000000030e-01, v4  }
0x97: {  	vm14 =	vge.f32 v4, $0.0e+00  }
0x98: {  	v4 =	vsel vm14, v4, v5  }
0x99: {  	v4 =	vmul.f32 $1.442695020e+00, v4;
	_ =	sdelay $0x1  }
0x9a: {  	(erf) = vpow2.f32 v4;
	_ =	sdelay $0x5  }
0x9b: {  	v4 =	vadd.s32 $0x47, v3  }
0x9c: {  	v2 =	vor.u32 $0x7, v2;
	_ =	sdelay $0x1  }
0x9d: {  	v3 =	vpop (erf)  }
0x9e: {  	[tilespmem:v6+s16+$0x0] =	vst.idx.msk $0xffff, v3  }
0x9f: {  	v3 =	vld.idx.msk [tilespmem:v4+s18+$0x0], $0xffff  }
0xa0: {  	v2 =	vld.idx.msk [tilespmem:v2+s19+$0x0], $0xffff;
	_ =	sdelay $0x4  }
0xa1: {  	v2 =	vadd.f32 v2, v3;
	_ =	sdelay $0x1  }
0xa2: {  	v3 =	vmul.f32 $2.000000030e-01, v2  }
0xa3: {  	vm15 =	vge.f32 v2, $0.0e+00  }
0xa4: {  	v2 =	vsel vm15, v2, v3  }
0xa5: {  	v2 =	vmul.f32 $1.442695020e+00, v2;
	_ =	sdelay $0x1  }
0xa6: {  	s21 =	simm.s32 $0x10;
	s0 =	sshll.u32 s1, $0x1;
	(erf) = vpow2.f32 v2  }
.LBB2_5:
0xa7: {  	_ =	sdelay $0x1  }
0xa8: {  	p1 =	sne.s32 s21, $0x70;
	s3 =	smov.u32 s21;
	s21 =	sadd.s32 $0x10, s21  }
0xa9: {  	v3 =	vor.u32 s3, v1  }
0xaa: {  	v2 =	vmul.u32 $0x48, v3  }
0xab: {  	v3 =	vshll.u32 v3, $0x3  }
0xac: {  	v5 =	vadd.s32 $0x40, v2;
	_ =	sdelay $0x1  }
0xad: {  	v6 =	vpop (erf)  }
0xae: {  	[tilespmem:v4+s16+$0x0] =	vst.idx.msk $0xffff, v6  }
0xaf: {  	v4 =	vld.idx.msk [tilespmem:v3+s19+$0x0], $0xffff  }
0xb0: {  	v6 =	vld.idx.msk [tilespmem:v5+s18+$0x0], $0xffff;
	_ =	sdelay $0x5  }
0xb1: {  	v4 =	vadd.f32 v4, v6;
	_ =	sdelay $0x1  }
0xb2: {  	v6 =	vmul.f32 $2.000000030e-01, v4  }
0xb3: {  	vm0 =	vge.f32 v4, $0.0e+00  }
0xb4: {  	v4 =	vsel vm0, v4, v6  }
0xb5: {  	v4 =	vmul.f32 $1.442695020e+00, v4;
	_ =	sdelay $0x1  }
0xb6: {  	(erf) = vpow2.f32 v4;
	_ =	sdelay $0x5  }
0xb7: {  	v6 =	vor.u32 $0x1, v3;
	v4 =	vadd.s32 $0x41, v2;
	_ =	sdelay $0x2  }
0xb8: {  	v7 =	vpop (erf)  }
0xb9: {  	[tilespmem:v5+s16+$0x0] =	vst.idx.msk $0xffff, v7  }
0xba: {  	v5 =	vld.idx.msk [tilespmem:v4+s18+$0x0], $0xffff  }
0xbb: {  	v6 =	vld.idx.msk [tilespmem:v6+s19+$0x0], $0xffff;
	_ =	sdelay $0x5  }
0xbc: {  	v5 =	vadd.f32 v6, v5;
	_ =	sdelay $0x1  }
0xbd: {  	vm0 =	vge.f32 v5, $0.0e+00;
	v6 =	vmul.f32 $2.000000030e-01, v5;
	_ =	sdelay $0x1  }
0xbe: {  	v5 =	vsel vm0, v5, v6  }
0xbf: {  	v5 =	vmul.f32 $1.442695020e+00, v5;
	_ =	sdelay $0x1  }
0xc0: {  	(erf) = vpow2.f32 v5;
	_ =	sdelay $0x5  }
0xc1: {  	v6 =	vor.u32 $0x2, v3;
	v5 =	vadd.s32 $0x42, v2;
	_ =	sdelay $0x2  }
0xc2: {  	v7 =	vpop (erf)  }
0xc3: {  	[tilespmem:v4+s16+$0x0] =	vst.idx.msk $0xffff, v7  }
0xc4: {  	v4 =	vld.idx.msk [tilespmem:v5+s18+$0x0], $0xffff  }
0xc5: {  	v6 =	vld.idx.msk [tilespmem:v6+s19+$0x0], $0xffff;
	_ =	sdelay $0x5  }
0xc6: {  	v4 =	vadd.f32 v6, v4;
	_ =	sdelay $0x1  }
0xc7: {  	vm0 =	vge.f32 v4, $0.0e+00;
	v6 =	vmul.f32 $2.000000030e-01, v4;
	_ =	sdelay $0x1  }
0xc8: {  	v4 =	vsel vm0, v4, v6  }
0xc9: {  	v4 =	vmul.f32 $1.442695020e+00, v4;
	_ =	sdelay $0x1  }
0xca: {  	(erf) = vpow2.f32 v4;
	_ =	sdelay $0x5  }
0xcb: {  	v6 =	vor.u32 $0x3, v3;
	v4 =	vadd.s32 $0x43, v2;
	_ =	sdelay $0x2  }
0xcc: {  	v7 =	vpop (erf)  }
0xcd: {  	[tilespmem:v5+s16+$0x0] =	vst.idx.msk $0xffff, v7  }
0xce: {  	v5 =	vld.idx.msk [tilespmem:v4+s18+$0x0], $0xffff  }
0xcf: {  	v6 =	vld.idx.msk [tilespmem:v6+s19+$0x0], $0xffff;
	_ =	sdelay $0x5  }
0xd0: {  	v5 =	vadd.f32 v6, v5;
	_ =	sdelay $0x1  }
0xd1: {  	vm0 =	vge.f32 v5, $0.0e+00;
	v6 =	vmul.f32 $2.000000030e-01, v5;
	_ =	sdelay $0x1  }
0xd2: {  	v5 =	vsel vm0, v5, v6  }
0xd3: {  	v5 =	vmul.f32 $1.442695020e+00, v5;
	_ =	sdelay $0x1  }
0xd4: {  	(erf) = vpow2.f32 v5;
	_ =	sdelay $0x5  }
0xd5: {  	v6 =	vor.u32 $0x4, v3;
	v5 =	vadd.s32 $0x44, v2;
	_ =	sdelay $0x2  }
0xd6: {  	v7 =	vpop (erf)  }
0xd7: {  	[tilespmem:v4+s16+$0x0] =	vst.idx.msk $0xffff, v7  }
0xd8: {  	v4 =	vld.idx.msk [tilespmem:v5+s18+$0x0], $0xffff  }
0xd9: {  	v6 =	vld.idx.msk [tilespmem:v6+s19+$0x0], $0xffff;
	_ =	sdelay $0x5  }
0xda: {  	v4 =	vadd.f32 v6, v4;
	_ =	sdelay $0x1  }
0xdb: {  	vm0 =	vge.f32 v4, $0.0e+00;
	v6 =	vmul.f32 $2.000000030e-01, v4;
	_ =	sdelay $0x1  }
0xdc: {  	v4 =	vsel vm0, v4, v6  }
0xdd: {  	v4 =	vmul.f32 $1.442695020e+00, v4;
	_ =	sdelay $0x1  }
0xde: {  	(erf) = vpow2.f32 v4;
	_ =	sdelay $0x5  }
0xdf: {  	v6 =	vor.u32 $0x5, v3;
	v4 =	vadd.s32 $0x45, v2;
	_ =	sdelay $0x2  }
0xe0: {  	v7 =	vpop (erf)  }
0xe1: {  	[tilespmem:v5+s16+$0x0] =	vst.idx.msk $0xffff, v7  }
0xe2: {  	v5 =	vld.idx.msk [tilespmem:v4+s18+$0x0], $0xffff  }
0xe3: {  	v6 =	vld.idx.msk [tilespmem:v6+s19+$0x0], $0xffff;
	_ =	sdelay $0x5  }
0xe4: {  	v5 =	vadd.f32 v6, v5;
	_ =	sdelay $0x1  }
0xe5: {  	vm0 =	vge.f32 v5, $0.0e+00;
	v6 =	vmul.f32 $2.000000030e-01, v5;
	_ =	sdelay $0x1  }
0xe6: {  	v5 =	vsel vm0, v5, v6  }
0xe7: {  	v5 =	vmul.f32 $1.442695020e+00, v5;
	_ =	sdelay $0x1  }
0xe8: {  	(erf) = vpow2.f32 v5;
	_ =	sdelay $0x5  }
0xe9: {  	v6 =	vor.u32 $0x6, v3;
	v5 =	vadd.s32 $0x46, v2;
	_ =	sdelay $0x2  }
0xea: {  	v7 =	vpop (erf)  }
0xeb: {  	[tilespmem:v4+s16+$0x0] =	vst.idx.msk $0xffff, v7  }
0xec: {  	v4 =	vld.idx.msk [tilespmem:v5+s18+$0x0], $0xffff  }
0xed: {  	v6 =	vld.idx.msk [tilespmem:v6+s19+$0x0], $0xffff;
	_ =	sdelay $0x5  }
0xee: {  	v4 =	vadd.f32 v6, v4;
	_ =	sdelay $0x1  }
0xef: {  	vm0 =	vge.f32 v4, $0.0e+00;
	v6 =	vmul.f32 $2.000000030e-01, v4;
	_ =	sdelay $0x1  }
0xf0: {  	v4 =	vsel vm0, v4, v6  }
0xf1: {  	v4 =	vmul.f32 $1.442695020e+00, v4;
	_ =	sdelay $0x1  }
0xf2: {  	(erf) = vpow2.f32 v4;
	_ =	sdelay $0x5  }
0xf3: {  	v4 =	vadd.s32 $0x47, v2;
	v2 =	vor.u32 $0x7, v3;
	_ =	sdelay $0x2  }
0xf4: {  	v3 =	vpop (erf)  }
0xf5: {  	[tilespmem:v5+s16+$0x0] =	vst.idx.msk $0xffff, v3  }
0xf6: {  	v3 =	vld.idx.msk [tilespmem:v4+s18+$0x0], $0xffff  }
0xf7: {  	v2 =	vld.idx.msk [tilespmem:v2+s19+$0x0], $0xffff;
	_ =	sdelay $0x5  }
0xf8: {  	v2 =	vadd.f32 v2, v3;
	_ =	sdelay $0x1  }
0xf9: {  	vm0 =	vge.f32 v2, $0.0e+00;
	v3 =	vmul.f32 $2.000000030e-01, v2  }
.Ltmp1:
0xfa: {  	(pc) =	sbr.rel @p1 .LBB2_5-.Ltmp1, $3  }
0xfb: {  	v2 =	vsel vm0, v2, v3  }
0xfc: {  	v2 =	vmul.f32 $1.442695020e+00, v2;
	_ =	sdelay $0x1  }
0xfd: {  	(erf) = vpow2.f32 v2  }
0xfe: {  	_ =	sdelay $0x6  }
0xff: {  	s3 =	sshll.u32 s1, $0x8  }
0x100: {  	s0 =	smin.u32 s0, $0x4E;
	s21 =	sand.u32 $0x3FFFFF00, s3;
	v2 =	vpop (erf)  }
0x101: {  	s0 =	sshll.u32 s0, $0x7;
	s3 =	sadd.s32 $0x2900, s21;
	[tilespmem:v4+s16+$0x0] =	vst.idx.msk $0xffff, v2  }
0x102: {  	[spmem:s2] =	stream.indirect.scatter.add.f32 [tilespmem:s16], [sflag:$0x3], $0x48, s3, s17, $0xb8;
	[tilespmem:$0x19E00] =	vst v63  }
0x103: {  	s15 =	sadd.s32 $0x100, s0  }
0x104: {  	[tilespmem:s18], [sflag:$0x1] =	stream.indirect.gather [hbm4b:s4+s17], $0x48, s15, s17, $0xb8;
	[tilespmem:$0x19E00] =	vst v63  }
0x105: {  	s15 =	sadd.s32 $0x2A00, s0  }
0x106: {  	[tilespmem:s19], [sflag:$0x1] =	stream.indirect.gather [hbm4b:s5+s17], $0x8, s15, s17, $0xb8;
	[tilespmem:$0x19E00] =	vst v63  }
0x107: {  	_ =	swait.ge [sflag:s25], $0x2400  }
0x108: {  	s15 =	simm.s32 $0x0;
	[sflag:s25] =	ssyncset.done $0x0  }
0x109: {  	v2 =	vor.u32 s15, v1;
	[sflag:s25] =	ssyncadd.s32 $0xFFFFDC00  }
0x10a: {  	v3 =	vmul.u32 $0x48, v2;
	_ =	swait.ge [sflag:s25], $0x400  }
0x10b: {  	v2 =	vshll.u32 v2, $0x3;
	[sflag:s25] =	ssyncset.done $0x0  }
0x10c: {  	s3 =	simm.s32 @!p0 $0x4;
	v4 =	vadd.s32 $0x40, v3;
	[sflag:s25] =	ssyncadd.s32 $0xFFFFFC00  }
0x10d: {  	_ =	swait.ge @!p0 [sflag:s3], $0x2400  }
0x10e: {  	[sflag:s3] =	ssyncset.done @!p0 $0x0  }
0x10f: {  	[sflag:s3] =	ssyncadd.s32 @!p0 $0xFFFFDC00  }
0x110: {  	v5 =	vld.idx.msk [tilespmem:v2+s22+$0x0], $0xffff  }
0x111: {  	v6 =	vld.idx.msk [tilespmem:v4+s20+$0x0], $0xffff;
	_ =	sdelay $0x4  }
0x112: {  	v5 =	vadd.f32 v5, v6;
	_ =	sdelay $0x1  }
0x113: {  	v6 =	vmul.f32 $2.000000030e-01, v5  }
0x114: {  	vm0 =	vge.f32 v5, $0.0e+00  }
0x115: {  	v5 =	vsel vm0, v5, v6  }
0x116: {  	v5 =	vmul.f32 $1.442695020e+00, v5;
	_ =	sdelay $0x1  }
0x117: {  	(erf) = vpow2.f32 v5;
	_ =	sdelay $0x5  }
0x118: {  	v5 =	vadd.s32 $0x41, v3  }
0x119: {  	v6 =	vor.u32 $0x1, v2;
	_ =	sdelay $0x1  }
0x11a: {  	v7 =	vpop (erf)  }
0x11b: {  	[tilespmem:v4+s26+$0x0] =	vst.idx.msk $0xffff, v7  }
0x11c: {  	v4 =	vld.idx.msk [tilespmem:v5+s20+$0x0], $0xffff  }
0x11d: {  	v6 =	vld.idx.msk [tilespmem:v6+s22+$0x0], $0xffff;
	_ =	sdelay $0x4  }
0x11e: {  	v4 =	vadd.f32 v6, v4;
	_ =	sdelay $0x1  }
0x11f: {  	v6 =	vmul.f32 $2.000000030e-01, v4  }
0x120: {  	vm9 =	vge.f32 v4, $0.0e+00  }
0x121: {  	v4 =	vsel vm9, v4, v6  }
0x122: {  	v4 =	vmul.f32 $1.442695020e+00, v4;
	_ =	sdelay $0x1  }
0x123: {  	(erf) = vpow2.f32 v4;
	_ =	sdelay $0x5  }
0x124: {  	v4 =	vadd.s32 $0x42, v3  }
0x125: {  	v6 =	vor.u32 $0x2, v2;
	_ =	sdelay $0x1  }
0x126: {  	v7 =	vpop (erf)  }
0x127: {  	[tilespmem:v5+s26+$0x0] =	vst.idx.msk $0xffff, v7  }
0x128: {  	v5 =	vld.idx.msk [tilespmem:v4+s20+$0x0], $0xffff  }
0x129: {  	v6 =	vld.idx.msk [tilespmem:v6+s22+$0x0], $0xffff;
	_ =	sdelay $0x4  }
0x12a: {  	v5 =	vadd.f32 v6, v5;
	_ =	sdelay $0x1  }
0x12b: {  	v6 =	vmul.f32 $2.000000030e-01, v5  }
0x12c: {  	vm10 =	vge.f32 v5, $0.0e+00  }
0x12d: {  	v5 =	vsel vm10, v5, v6  }
0x12e: {  	v5 =	vmul.f32 $1.442695020e+00, v5;
	_ =	sdelay $0x1  }
0x12f: {  	(erf) = vpow2.f32 v5;
	_ =	sdelay $0x5  }
0x130: {  	v5 =	vadd.s32 $0x43, v3  }
0x131: {  	v6 =	vor.u32 $0x3, v2;
	_ =	sdelay $0x1  }
0x132: {  	v7 =	vpop (erf)  }
0x133: {  	[tilespmem:v4+s26+$0x0] =	vst.idx.msk $0xffff, v7  }
0x134: {  	v4 =	vld.idx.msk [tilespmem:v5+s20+$0x0], $0xffff  }
0x135: {  	v6 =	vld.idx.msk [tilespmem:v6+s22+$0x0], $0xffff;
	_ =	sdelay $0x4  }
0x136: {  	v4 =	vadd.f32 v6, v4;
	_ =	sdelay $0x1  }
0x137: {  	v6 =	vmul.f32 $2.000000030e-01, v4  }
0x138: {  	vm11 =	vge.f32 v4, $0.0e+00  }
0x139: {  	v4 =	vsel vm11, v4, v6  }
0x13a: {  	v4 =	vmul.f32 $1.442695020e+00, v4;
	_ =	sdelay $0x1  }
0x13b: {  	(erf) = vpow2.f32 v4;
	_ =	sdelay $0x5  }
0x13c: {  	v4 =	vadd.s32 $0x44, v3  }
0x13d: {  	v6 =	vor.u32 $0x4, v2;
	_ =	sdelay $0x1  }
0x13e: {  	v7 =	vpop (erf)  }
0x13f: {  	[tilespmem:v5+s26+$0x0] =	vst.idx.msk $0xffff, v7  }
0x140: {  	v5 =	vld.idx.msk [tilespmem:v4+s20+$0x0], $0xffff  }
0x141: {  	v6 =	vld.idx.msk [tilespmem:v6+s22+$0x0], $0xffff;
	_ =	sdelay $0x4  }
0x142: {  	v5 =	vadd.f32 v6, v5;
	_ =	sdelay $0x1  }
0x143: {  	v6 =	vmul.f32 $2.000000030e-01, v5  }
0x144: {  	vm12 =	vge.f32 v5, $0.0e+00  }
0x145: {  	v5 =	vsel vm12, v5, v6  }
0x146: {  	v5 =	vmul.f32 $1.442695020e+00, v5;
	_ =	sdelay $0x1  }
0x147: {  	(erf) = vpow2.f32 v5;
	_ =	sdelay $0x5  }
0x148: {  	v5 =	vadd.s32 $0x45, v3  }
0x149: {  	v6 =	vor.u32 $0x5, v2;
	_ =	sdelay $0x1  }
0x14a: {  	v7 =	vpop (erf)  }
0x14b: {  	[tilespmem:v4+s26+$0x0] =	vst.idx.msk $0xffff, v7  }
0x14c: {  	v4 =	vld.idx.msk [tilespmem:v5+s20+$0x0], $0xffff  }
0x14d: {  	v6 =	vld.idx.msk [tilespmem:v6+s22+$0x0], $0xffff;
	_ =	sdelay $0x4  }
0x14e: {  	v4 =	vadd.f32 v6, v4;
	_ =	sdelay $0x1  }
0x14f: {  	v6 =	vmul.f32 $2.000000030e-01, v4  }
0x150: {  	vm13 =	vge.f32 v4, $0.0e+00  }
0x151: {  	v4 =	vsel vm13, v4, v6  }
0x152: {  	v4 =	vmul.f32 $1.442695020e+00, v4;
	_ =	sdelay $0x1  }
0x153: {  	(erf) = vpow2.f32 v4;
	_ =	sdelay $0x5  }
0x154: {  	v6 =	vadd.s32 $0x46, v3  }
0x155: {  	v4 =	vor.u32 $0x6, v2;
	_ =	sdelay $0x1  }
0x156: {  	v7 =	vpop (erf)  }
0x157: {  	[tilespmem:v5+s26+$0x0] =	vst.idx.msk $0xffff, v7  }
0x158: {  	v5 =	vld.idx.msk [tilespmem:v6+s20+$0x0], $0xffff  }
0x159: {  	v4 =	vld.idx.msk [tilespmem:v4+s22+$0x0], $0xffff;
	_ =	sdelay $0x4  }
0x15a: {  	v4 =	vadd.f32 v4, v5;
	_ =	sdelay $0x1  }
0x15b: {  	v5 =	vmul.f32 $2.000000030e-01, v4  }
0x15c: {  	vm14 =	vge.f32 v4, $0.0e+00  }
0x15d: {  	v4 =	vsel vm14, v4, v5  }
0x15e: {  	v4 =	vmul.f32 $1.442695020e+00, v4;
	_ =	sdelay $0x1  }
0x15f: {  	(erf) = vpow2.f32 v4;
	_ =	sdelay $0x5  }
0x160: {  	v4 =	vadd.s32 $0x47, v3  }
0x161: {  	v2 =	vor.u32 $0x7, v2;
	_ =	sdelay $0x1  }
0x162: {  	v3 =	vpop (erf)  }
0x163: {  	[tilespmem:v6+s26+$0x0] =	vst.idx.msk $0xffff, v3  }
0x164: {  	v3 =	vld.idx.msk [tilespmem:v4+s20+$0x0], $0xffff  }
0x165: {  	v2 =	vld.idx.msk [tilespmem:v2+s22+$0x0], $0xffff;
	_ =	sdelay $0x4  }
0x166: {  	v2 =	vadd.f32 v2, v3;
	_ =	sdelay $0x1  }
0x167: {  	v3 =	vmul.f32 $2.000000030e-01, v2  }
0x168: {  	vm15 =	vge.f32 v2, $0.0e+00  }
0x169: {  	v2 =	vsel vm15, v2, v3  }
0x16a: {  	v2 =	vmul.f32 $1.442695020e+00, v2;
	_ =	sdelay $0x1  }
0x16b: {  	s3 =	simm.s32 $0x10;
	(erf) = vpow2.f32 v2  }
.LBB2_7:
0x16c: {  	_ =	sdelay $0x1  }
0x16d: {  	p0 =	sne.s32 s3, $0x70;
	s15 =	smov.u32 s3;
	s3 =	sadd.s32 $0x10, s3  }
0x16e: {  	v3 =	vor.u32 s15, v1  }
0x16f: {  	v2 =	vmul.u32 $0x48, v3  }
0x170: {  	v3 =	vshll.u32 v3, $0x3  }
0x171: {  	v5 =	vadd.s32 $0x40, v2;
	_ =	sdelay $0x1  }
0x172: {  	v6 =	vpop (erf)  }
0x173: {  	[tilespmem:v4+s26+$0x0] =	vst.idx.msk $0xffff, v6  }
0x174: {  	v4 =	vld.idx.msk [tilespmem:v3+s22+$0x0], $0xffff  }
0x175: {  	v6 =	vld.idx.msk [tilespmem:v5+s20+$0x0], $0xffff;
	_ =	sdelay $0x5  }
0x176: {  	v4 =	vadd.f32 v4, v6;
	_ =	sdelay $0x1  }
0x177: {  	v6 =	vmul.f32 $2.000000030e-01, v4  }
0x178: {  	vm0 =	vge.f32 v4, $0.0e+00  }
0x179: {  	v4 =	vsel vm0, v4, v6  }
0x17a: {  	v4 =	vmul.f32 $1.442695020e+00, v4;
	_ =	sdelay $0x1  }
0x17b: {  	(erf) = vpow2.f32 v4;
	_ =	sdelay $0x5  }
0x17c: {  	v6 =	vor.u32 $0x1, v3;
	v4 =	vadd.s32 $0x41, v2;
	_ =	sdelay $0x2  }
0x17d: {  	v7 =	vpop (erf)  }
0x17e: {  	[tilespmem:v5+s26+$0x0] =	vst.idx.msk $0xffff, v7  }
0x17f: {  	v5 =	vld.idx.msk [tilespmem:v4+s20+$0x0], $0xffff  }
0x180: {  	v6 =	vld.idx.msk [tilespmem:v6+s22+$0x0], $0xffff;
	_ =	sdelay $0x5  }
0x181: {  	v5 =	vadd.f32 v6, v5;
	_ =	sdelay $0x1  }
0x182: {  	vm0 =	vge.f32 v5, $0.0e+00;
	v6 =	vmul.f32 $2.000000030e-01, v5;
	_ =	sdelay $0x1  }
0x183: {  	v5 =	vsel vm0, v5, v6  }
0x184: {  	v5 =	vmul.f32 $1.442695020e+00, v5;
	_ =	sdelay $0x1  }
0x185: {  	(erf) = vpow2.f32 v5;
	_ =	sdelay $0x5  }
0x186: {  	v6 =	vor.u32 $0x2, v3;
	v5 =	vadd.s32 $0x42, v2;
	_ =	sdelay $0x2  }
0x187: {  	v7 =	vpop (erf)  }
0x188: {  	[tilespmem:v4+s26+$0x0] =	vst.idx.msk $0xffff, v7  }
0x189: {  	v4 =	vld.idx.msk [tilespmem:v5+s20+$0x0], $0xffff  }
0x18a: {  	v6 =	vld.idx.msk [tilespmem:v6+s22+$0x0], $0xffff;
	_ =	sdelay $0x5  }
0x18b: {  	v4 =	vadd.f32 v6, v4;
	_ =	sdelay $0x1  }
0x18c: {  	vm0 =	vge.f32 v4, $0.0e+00;
	v6 =	vmul.f32 $2.000000030e-01, v4;
	_ =	sdelay $0x1  }
0x18d: {  	v4 =	vsel vm0, v4, v6  }
0x18e: {  	v4 =	vmul.f32 $1.442695020e+00, v4;
	_ =	sdelay $0x1  }
0x18f: {  	(erf) = vpow2.f32 v4;
	_ =	sdelay $0x5  }
0x190: {  	v6 =	vor.u32 $0x3, v3;
	v4 =	vadd.s32 $0x43, v2;
	_ =	sdelay $0x2  }
0x191: {  	v7 =	vpop (erf)  }
0x192: {  	[tilespmem:v5+s26+$0x0] =	vst.idx.msk $0xffff, v7  }
0x193: {  	v5 =	vld.idx.msk [tilespmem:v4+s20+$0x0], $0xffff  }
0x194: {  	v6 =	vld.idx.msk [tilespmem:v6+s22+$0x0], $0xffff;
	_ =	sdelay $0x5  }
0x195: {  	v5 =	vadd.f32 v6, v5;
	_ =	sdelay $0x1  }
0x196: {  	vm0 =	vge.f32 v5, $0.0e+00;
	v6 =	vmul.f32 $2.000000030e-01, v5;
	_ =	sdelay $0x1  }
0x197: {  	v5 =	vsel vm0, v5, v6  }
0x198: {  	v5 =	vmul.f32 $1.442695020e+00, v5;
	_ =	sdelay $0x1  }
0x199: {  	(erf) = vpow2.f32 v5;
	_ =	sdelay $0x5  }
0x19a: {  	v6 =	vor.u32 $0x4, v3;
	v5 =	vadd.s32 $0x44, v2;
	_ =	sdelay $0x2  }
0x19b: {  	v7 =	vpop (erf)  }
0x19c: {  	[tilespmem:v4+s26+$0x0] =	vst.idx.msk $0xffff, v7  }
0x19d: {  	v4 =	vld.idx.msk [tilespmem:v5+s20+$0x0], $0xffff  }
0x19e: {  	v6 =	vld.idx.msk [tilespmem:v6+s22+$0x0], $0xffff;
	_ =	sdelay $0x5  }
0x19f: {  	v4 =	vadd.f32 v6, v4;
	_ =	sdelay $0x1  }
0x1a0: {  	vm0 =	vge.f32 v4, $0.0e+00;
	v6 =	vmul.f32 $2.000000030e-01, v4;
	_ =	sdelay $0x1  }
0x1a1: {  	v4 =	vsel vm0, v4, v6  }
0x1a2: {  	v4 =	vmul.f32 $1.442695020e+00, v4;
	_ =	sdelay $0x1  }
0x1a3: {  	(erf) = vpow2.f32 v4;
	_ =	sdelay $0x5  }
0x1a4: {  	v6 =	vor.u32 $0x5, v3;
	v4 =	vadd.s32 $0x45, v2;
	_ =	sdelay $0x2  }
0x1a5: {  	v7 =	vpop (erf)  }
0x1a6: {  	[tilespmem:v5+s26+$0x0] =	vst.idx.msk $0xffff, v7  }
0x1a7: {  	v5 =	vld.idx.msk [tilespmem:v4+s20+$0x0], $0xffff  }
0x1a8: {  	v6 =	vld.idx.msk [tilespmem:v6+s22+$0x0], $0xffff;
	_ =	sdelay $0x5  }
0x1a9: {  	v5 =	vadd.f32 v6, v5;
	_ =	sdelay $0x1  }
0x1aa: {  	vm0 =	vge.f32 v5, $0.0e+00;
	v6 =	vmul.f32 $2.000000030e-01, v5;
	_ =	sdelay $0x1  }
0x1ab: {  	v5 =	vsel vm0, v5, v6  }
0x1ac: {  	v5 =	vmul.f32 $1.442695020e+00, v5;
	_ =	sdelay $0x1  }
0x1ad: {  	(erf) = vpow2.f32 v5;
	_ =	sdelay $0x5  }
0x1ae: {  	v6 =	vor.u32 $0x6, v3;
	v5 =	vadd.s32 $0x46, v2;
	_ =	sdelay $0x2  }
0x1af: {  	v7 =	vpop (erf)  }
0x1b0: {  	[tilespmem:v4+s26+$0x0] =	vst.idx.msk $0xffff, v7  }
0x1b1: {  	v4 =	vld.idx.msk [tilespmem:v5+s20+$0x0], $0xffff  }
0x1b2: {  	v6 =	vld.idx.msk [tilespmem:v6+s22+$0x0], $0xffff;
	_ =	sdelay $0x5  }
0x1b3: {  	v4 =	vadd.f32 v6, v4;
	_ =	sdelay $0x1  }
0x1b4: {  	vm0 =	vge.f32 v4, $0.0e+00;
	v6 =	vmul.f32 $2.000000030e-01, v4;
	_ =	sdelay $0x1  }
0x1b5: {  	v4 =	vsel vm0, v4, v6  }
0x1b6: {  	v4 =	vmul.f32 $1.442695020e+00, v4;
	_ =	sdelay $0x1  }
0x1b7: {  	(erf) = vpow2.f32 v4;
	_ =	sdelay $0x5  }
0x1b8: {  	v4 =	vadd.s32 $0x47, v2;
	v2 =	vor.u32 $0x7, v3;
	_ =	sdelay $0x2  }
0x1b9: {  	v3 =	vpop (erf)  }
0x1ba: {  	[tilespmem:v5+s26+$0x0] =	vst.idx.msk $0xffff, v3  }
0x1bb: {  	v3 =	vld.idx.msk [tilespmem:v4+s20+$0x0], $0xffff  }
0x1bc: {  	v2 =	vld.idx.msk [tilespmem:v2+s22+$0x0], $0xffff;
	_ =	sdelay $0x5  }
0x1bd: {  	v2 =	vadd.f32 v2, v3;
	_ =	sdelay $0x1  }
0x1be: {  	vm0 =	vge.f32 v2, $0.0e+00;
	v3 =	vmul.f32 $2.000000030e-01, v2  }
.Ltmp2:
0x1bf: {  	(pc) =	sbr.rel @p0 .LBB2_7-.Ltmp2, $3  }
0x1c0: {  	v2 =	vsel vm0, v2, v3  }
0x1c1: {  	v2 =	vmul.f32 $1.442695020e+00, v2;
	_ =	sdelay $0x1  }
0x1c2: {  	(erf) = vpow2.f32 v2  }
0x1c3: {  	_ =	sdelay $0x7  }
0x1c4: {  	s1 =	sadd.s32 $0x1, s1;
	v2 =	vpop (erf)  }
0x1c5: {  	s3 =	sadd.s32 $0x2980, s21;
	p0 =	sne.s32 s1, $0x29;
	[tilespmem:v4+s26+$0x0] =	vst.idx.msk $0xffff, v2  }
0x1c6: {  	[spmem:s2] =	stream.indirect.scatter.add.f32 [tilespmem:s26], [sflag:$0x4], $0x48, s3, s17, $0xb8;
	[tilespmem:$0x19E00] =	vst v63  }
.Ltmp3:
0x1c7: {  	_ = 	snop;
	(pc) =	sbr.rel @p0 .LBB2_4-.Ltmp3, $4  }
0x1c8: {  	s15 =	sadd.s32 $0x180, s0  }
0x1c9: {  	[tilespmem:s20], [sflag:$0x2] =	stream.indirect.gather [hbm4b:s4+s17], $0x48, s15, s17, $0xb8;
	[tilespmem:$0x19E00] =	vst v63  }
0x1ca: {  	s21 =	sadd.s32 $0x2A80, s0  }
0x1cb: {  	[tilespmem:s22], [sflag:$0x2] =	stream.indirect.gather [hbm4b:s5+s17], $0x8, s21, s17, $0xb8;
	[tilespmem:$0x19E00] =	vst v63  }
0x1cc: {  	_ =	swait.ge [sflag:s28], $0x2400  }
0x1cd: {  	[sflag:s28] =	ssyncset.done $0x0  }
0x1ce: {  	[sflag:s28] =	ssyncadd.s32 $0xFFFFDC00  }
0x1cf: {  	_ =	swait.ge [sflag:s29], $0x2400  }
0x1d0: {  	[sflag:s29] =	ssyncset.done $0x0  }
0x1d1: {  	[sflag:s29] =	ssyncadd.s32 $0xFFFFDC00  }
0x1d2: {  	_ =	swait.ge [sflag:s23], $0x2400  }
0x1d3: {  	[sflag:s23] =	ssyncset.done $0x0  }
0x1d4: {  	[sflag:s23] =	ssyncadd.s32 $0xFFFFDC00  }
0x1d5: {  	_ =	swait.ge [sflag:s23], $0x400  }
0x1d6: {  	[sflag:s23] =	ssyncset.done $0x0  }
0x1d7: {  	[sflag:s23] =	ssyncadd.s32 $0xFFFFFC00  }
0x1d8: {  	_ =	swait.ge [sflag:s25], $0x2400  }
0x1d9: {  	[sflag:s25] =	ssyncset.done $0x0  }
0x1da: {  	[sflag:s25] =	ssyncadd.s32 $0xFFFFDC00  }
0x1db: {  	s0 =	stileid.u32;
	_ =	swait.ge [sflag:s25], $0x400  }
0x1dc: {  	s1 =	sshrl.u32 s8, $0x3;
	s30 =	sadd.s32 $0x1, s30;
	[sflag:s25] =	ssyncset.done $0x0  }
0x1dd: {  	s0 =	sshll.u32 s0, $0x6;
	p0 =	sne.s32 s30, s13;
	[sflag:s25] =	ssyncadd.s32 $0xFFFFFC00  }
.Ltmp4:
0x1de: {  	s0 =	sor.u32 $0x1C05, s0;
	[bflag:$0x0] =	sbarrier.arrive $0xFFFF;
	(pc) =	sbr.rel @p0 .LBB2_1-.Ltmp4, $4  }
0x1df: {  	[hbm:s24], [sflag:s0] =	dma.local [spmem:s1], $0x1680  }
0x1e0: {  	_ =	swait.ge [sflag:s14], $0x1680  }
0x1e1: {  	[sflag:s14] =	ssyncset.done $0x0  }
0x1e2: {  	s15 =	simm.s32 $0x2900;
	[sflag:s14] =	ssyncadd.s32 $0xFFFFE980  }
0x1e3: {  	_ =	sfence.sel $0x180000  }
0x1e4: {  	[bflag:$0x0] =	sbarrier.arrive $0xFFFF  }
0x1e5: {  	_ =	strace $0x90000047  }
0x1e6: {  	s0 =	stileid.u32;
	[bflag:$0x2] =	sbarrier.arrive $0xFFFF  }
0x1e7: {  	p0 =	sne.s32 s0, $0x0;
	s0 =	rddreg [dreg:$0x2]  }
0x1e8: {  	s0 =	sadd.s32 @!p0 $0x100000, s0  }
0x1e9: {  	[sflag:s0] =	ssyncadd.tile.s32 @!p0 $0x1;
	_ =	shalt  }
.Lfunc_end2:
_tile_overlayer_lowered:
.L_overlay_start_2:
0x1ea: {  	(tag) =	ssettag $0x2  }
0x1eb: {  	s0 =	rddreg [dreg:$0x0];
	s2 =	stileid.u32  }
0x1ec: {  	s1 =	rddreg [dreg:$0x1];
	p0 =	sne.s32 s2, $0x0  }
0x1ed: {  	s3 =	rddreg [dreg:$0x2];
	[bflag:$0x3] =	sbarrier.arrive $0xFFFF;
	s2 =	simm.s32 @!p0 $0x1C05  }
0x1ee: {  	[timem:s3], [sflag:s2] =	dma.local @!p0 [hbm:s0], s1  }
0x1ef: {  	s0 =	simm.s32 @!p0 $0x5  }
0x1f0: {  	_ =	swait.ge @!p0 [sflag:s0], s1  }
0x1f1: {  	s1 =	ssub.s32 @!p0 $0x0, s1;
	[sflag:s0] =	ssyncset.done @!p0 $0x0  }
0x1f2: {  	[sflag:s0] =	ssyncadd.s32 @!p0 s1  }
0x1f3: {  	[bflag:$0x3] =	sbarrier.arrive $0xFFFF  }
0x1f4: {  	_ =	shalt  }

</sc_bundles>
